<compile_context>
chip_gen: v7x
topology: tpu7x:2x2x1
jax: 0.10.2.dev20260603
libtpu: 0.0.44.dev20260713+nightly
codegen_flags: <defaults>
</compile_context>

<pallas_src>
import functools

import jax
import jax.numpy as jnp
from jax import lax
from jax.experimental import pallas as pl
from jax.experimental.pallas import tpu as pltpu
from jax.experimental.pallas import tpu_sc as plsc

N = 10000
E = 320000
H = 128
G = 64

NC = 2
NS = 16
NW = NC * NS
EPW = E // NW
K = 80
NCH = EPW // K
NP = 10240
RPT = NP // NS
ZR = 128

_mesh = plsc.VectorSubcoreMesh(core_axis_name="c", subcore_axis_name="s")


@functools.partial(
    pl.kernel,
    mesh=_mesh,
    out_type=jax.ShapeDtypeStruct((NC, NP, H), jnp.float32),
    scratch_types=[
        pltpu.VMEM((EPW,), jnp.int32),
        pltpu.VMEM((K,), jnp.int32),
        pltpu.VMEM((K,), jnp.int32),
        pltpu.VMEM((K, H), jnp.float32),
        pltpu.VMEM((K, H), jnp.float32),
        pltpu.VMEM((ZR, H), jnp.float32),
        pltpu.VMEM_SHARED((NP, H), jnp.float32),
        pltpu.SemaphoreType.DMA,
        pltpu.SemaphoreType.DMA,
    ],
)
def _sc_agg(zblk, hws, src, dst, out, src_all, dst_a, dst_b, rows_a, rows_b,
            stage_v, acc, sem_a, sem_b):
    cid = lax.axis_index("c")
    sid = lax.axis_index("s")
    wid = sid * NC + cid

    pltpu.sync_copy(zblk, stage_v)

    def zstripe(t, carry):
        pltpu.sync_copy(stage_v, acc.at[pl.ds(sid * RPT + t * ZR, ZR)])
        return carry
    lax.fori_loop(0, RPT // ZR, zstripe, 0)

    ebase = wid * EPW
    pltpu.sync_copy(src.at[pl.ds(ebase, EPW)], src_all)
    plsc.subcore_barrier()

    def fire(c, rows, sem):
        return pltpu.async_copy(
            hws.at[src_all.at[pl.ds(c * K, K)]], rows, sem)

    def drain(c, rows, sem):
        pltpu.make_async_copy(
            hws.at[src_all.at[pl.ds(c * K, K)]], rows, sem).wait()

    fire(0, rows_a, sem_a)

    def body(i, carry):
        c0 = 2 * i
        fire(c0 + 1, rows_b, sem_b)
        pltpu.sync_copy(dst.at[pl.ds(ebase + c0 * K, K)], dst_a)
        drain(c0, rows_a, sem_a)
        pltpu.sync_copy(rows_a, acc.at[dst_a], add=True)
        fire(c0 + 2, rows_a, sem_a)
        pltpu.sync_copy(dst.at[pl.ds(ebase + (c0 + 1) * K, K)], dst_b)
        drain(c0 + 1, rows_b, sem_b)
        pltpu.sync_copy(rows_b, acc.at[dst_b], add=True)
        return carry
    lax.fori_loop(0, (NCH - 1) // 2, body, 0)

    cl = NCH - 1
    pltpu.sync_copy(dst.at[pl.ds(ebase + cl * K, K)], dst_a)
    drain(cl, rows_a, sem_a)
    pltpu.sync_copy(rows_a, acc.at[dst_a], add=True)

    plsc.subcore_barrier()

    def wb(t, carry):
        r0 = sid * RPT + t * ZR
        pltpu.sync_copy(acc.at[pl.ds(r0, ZR)], stage_v)
        pltpu.sync_copy(stage_v, out.at[cid, pl.ds(r0, ZR)])
        return carry
    lax.fori_loop(0, RPT // ZR, wb, 0)


R = 1000


def _dot(a, b):
    return jnp.dot(a, b, preferred_element_type=jnp.float32)


def _pre_body(x_ref, w0_ref, b0_ref, w1_ref, b1_ref, gw1_ref, dp_ref,
              hws_ref, dinv_ref):
    deg = dp_ref[0, :, 0] + dp_ref[1, :, 0] + 1.0
    dinv = lax.rsqrt(deg)[:, None]
    t = jnp.maximum(_dot(x_ref[...], w0_ref[...]) + b0_ref[...], 0.0)
    h0 = _dot(t, w1_ref[...]) + b1_ref[...]
    hws_ref[...] = _dot(h0, gw1_ref[...]) * dinv
    dinv_ref[...] = dinv


def _tc_pre(x, W0, b0, W1, b1, gW1, degp):
    return pl.pallas_call(
        _pre_body,
        grid=(N // R,),
        in_specs=[
            pl.BlockSpec((R, H), lambda i: (i, 0)),
            pl.BlockSpec((H, H), lambda i: (0, 0)),
            pl.BlockSpec((1, H), lambda i: (0, 0)),
            pl.BlockSpec((H, H), lambda i: (0, 0)),
            pl.BlockSpec((1, H), lambda i: (0, 0)),
            pl.BlockSpec((H, H), lambda i: (0, 0)),
            pl.BlockSpec((NC, R, H), lambda i: (0, i, 0)),
        ],
        out_specs=[
            pl.BlockSpec((R, H), lambda i: (i, 0)),
            pl.BlockSpec((R, 1), lambda i: (i, 0)),
        ],
        out_shape=[
            jax.ShapeDtypeStruct((N, H), jnp.float32),
            jax.ShapeDtypeStruct((N, 1), jnp.float32),
        ],
    )(x, W0, b0.reshape(1, H), W1, b1.reshape(1, H), gW1, degp)


def _layer_body(p_ref, hws_ref, dinv_ref, b_ref, w_ref, out_ref):
    dinv = dinv_ref[...]
    y = jnp.maximum(
        (p_ref[0] + p_ref[1] + hws_ref[...]) * dinv + b_ref[...], 0.0)
    out_ref[...] = _dot(y, w_ref[...]) * dinv


def _tc_layer(parts, hws, dinv, b, Wn):
    return pl.pallas_call(
        _layer_body,
        grid=(N // R,),
        in_specs=[
            pl.BlockSpec((NC, R, H), lambda i: (0, i, 0)),
            pl.BlockSpec((R, H), lambda i: (i, 0)),
            pl.BlockSpec((R, 1), lambda i: (i, 0)),
            pl.BlockSpec((1, H), lambda i: (0, 0)),
            pl.BlockSpec((H, H), lambda i: (0, 0)),
        ],
        out_specs=pl.BlockSpec((R, H), lambda i: (i, 0)),
        out_shape=jax.ShapeDtypeStruct((N, H), jnp.float32),
    )(parts, hws, dinv, b.reshape(1, H), Wn)


def _final_body(p_ref, hws_ref, dinv_ref, b_ref, w1_ref, b1_ref, w2_ref,
                b2_ref, bat_ref, out_ref):
    y = jnp.maximum(
        (p_ref[0] + p_ref[1] + hws_ref[...]) * dinv_ref[...] + b_ref[...],
        0.0)
    t = jnp.maximum(_dot(y, w1_ref[...]) + b1_ref[...], 0.0)
    z = _dot(t, w2_ref[...]) + b2_ref[...]
    onehot = (bat_ref[...] == lax.broadcasted_iota(jnp.int32, (R, G), 1))
    contrib = lax.dot_general(onehot.astype(jnp.float32), z,
                              (((0,), (0,)), ((), ())),
                              preferred_element_type=jnp.float32)

    @pl.when(pl.program_id(0) == 0)
    def _():
        out_ref[...] = jnp.zeros_like(out_ref)

    out_ref[...] += contrib


def _tc_final(parts, hws, dinv, b, l1W, l1b, l2W, l2b, batch2d):
    return pl.pallas_call(
        _final_body,
        grid=(N // R,),
        in_specs=[
            pl.BlockSpec((NC, R, H), lambda i: (0, i, 0)),
            pl.BlockSpec((R, H), lambda i: (i, 0)),
            pl.BlockSpec((R, 1), lambda i: (i, 0)),
            pl.BlockSpec((1, H), lambda i: (0, 0)),
            pl.BlockSpec((H, H // 2), lambda i: (0, 0)),
            pl.BlockSpec((1, H // 2), lambda i: (0, 0)),
            pl.BlockSpec((H // 2, 1), lambda i: (0, 0)),
            pl.BlockSpec((1, 1), lambda i: (0, 0)),
            pl.BlockSpec((R, 1), lambda i: (i, 0)),
        ],
        out_specs=pl.BlockSpec((G, 1), lambda i: (0, 0)),
        out_shape=jax.ShapeDtypeStruct((G, 1), jnp.float32),
    )(parts, hws, dinv, b.reshape(1, H), l1W, l1b.reshape(1, H // 2), l2W,
      l2b.reshape(1, 1), batch2d)


def kernel(x, pos, edge_index, batch, W0, b0, W1, b1, gW1, gb1, gW2, gb2,
           gW3, gb3, l1W, l1b, l2W, l2b):
    src = edge_index[0]
    dst = edge_index[1]
    zblk = jnp.zeros((ZR, H), jnp.float32)

    ones_tab = jnp.ones((N, H), jnp.float32)
    degp = _sc_agg(zblk, ones_tab, src, dst)
    hws1, dinv = _tc_pre(x, W0, b0, W1, b1, gW1, degp)
    p1 = _sc_agg(zblk, hws1, src, dst)
    hws2 = _tc_layer(p1, hws1, dinv, gb1, gW2)
    p2 = _sc_agg(zblk, hws2, src, dst)
    hws3 = _tc_layer(p2, hws2, dinv, gb2, gW3)
    p3 = _sc_agg(zblk, hws3, src, dst)
    return _tc_final(p3, hws3, dinv, gb3, l1W, l1b, l2W, l2b,
                     batch.reshape(N, 1))

# --- scband reference (transcript-rebuilt; emitter-appended) ---
"""Pipeline reference for scband-gcnnet-30442728194281 (READ-ONLY COPY).

The authoritative reference and input builder live on the scoring server;
editing this copy changes nothing except your own understanding.
"""

import jax, jax.numpy as jnp
import numpy as np

N = 10000
E = 320000
H = 128
G = 64

def _glorot(k, shape):
    lim = (6.0 / (shape[0] + shape[1])) ** 0.5
    return jax.random.uniform(k, shape, jnp.float32, -lim, lim)

def setup_inputs(seed: int = 0):
    key = jax.random.key(seed)
    ks = jax.random.split(key, 16)
    inp = {}
    inp['x'] = jax.random.normal(ks[0], (N, H), jnp.float32)
    inp['pos'] = jax.random.normal(ks[1], (N, 3), jnp.float32)
    inp['edge_index'] = jax.random.randint(ks[2], (2, E), 0, N)
    inp['batch'] = jnp.sort(jax.random.randint(ks[3], (N,), 0, G))
    inp['W0'] = _glorot(ks[4], (H, H)); inp['b0'] = jnp.zeros((H,), jnp.float32)
    inp['W1'] = _glorot(ks[5], (H, H)); inp['b1'] = jnp.zeros((H,), jnp.float32)
    inp['gW1'] = _glorot(ks[6], (H, H)); inp['gb1'] = jnp.zeros((H,), jnp.float32)
    inp['gW2'] = _glorot(ks[7], (H, H)); inp['gb2'] = jnp.zeros((H,), jnp.float32)
    inp['gW3'] = _glorot(ks[8], (H, H)); inp['gb3'] = jnp.zeros((H,), jnp.float32)
    inp['l1W'] = _glorot(ks[9], (H, H // 2)); inp['l1b'] = jnp.zeros((H // 2,), jnp.float32)
    inp['l2W'] = _glorot(ks[10], (H // 2, 1)); inp['l2b'] = jnp.zeros((1,), jnp.float32)
    return inp

def _gcn_conv(h, src, dst, n, W, b):
    # GCNConv: x' = D^{-1/2} (A + I) D^{-1/2} X W + b (self-loops already in src/dst)
    deg = jnp.zeros((n,), h.dtype).at[dst].add(jnp.ones(src.shape[0], dtype=h.dtype))
    dinv = jnp.where(deg > 0, jax.lax.rsqrt(jnp.maximum(deg, 1e-12)), 0.0)
    norm = dinv[src] * dinv[dst]
    hw = h @ W
    msg = hw[src] * norm[:, None]
    out = jnp.zeros_like(hw).at[dst].add(msg)
    return out + b

def reference(x, pos, edge_index, batch, W0, b0, W1, b1, gW1, gb1, gW2, gb2, gW3, gb3, l1W, l1b, l2W, l2b):
    n = x.shape[0]
    loop = jnp.arange(n, dtype=edge_index.dtype)
    src = jnp.concatenate([edge_index[0], loop])
    dst = jnp.concatenate([edge_index[1], loop])
    # node_lin: Linear -> ReLU -> Linear
    h = jax.nn.relu(x @ W0 + b0) @ W1 + b1
    for W, b in ((gW1, gb1), (gW2, gb2), (gW3, gb3)):
        h = jax.nn.relu(_gcn_conv(h, src, dst, n, W, b))
    h = jax.nn.relu(h @ l1W + l1b)
    h = h @ l2W + l2b
    out = jax.ops.segment_sum(h, batch, num_segments=G)
    return out

if __name__ == "__main__":
    import jax
    _d = setup_inputs()
    print(jax.jit(kernel)(*tuple(_d.values())))

</pallas_src>

<mosaic_0001>
#map = affine_map<(d0, d1) -> (0, 0)>
#map1 = affine_map<(d0, d1) -> (0)>
#map2 = affine_map<(d0, d1) -> (0, 0, 0)>
module attributes {stable_mosaic.version = 14 : i64} {
  func.func @_sc_agg(%arg0: i32, %arg1: i32, %arg2: memref<128x128xf32, #tpu.memory_space<hbm>>, %arg3: memref<10000x128xf32, #tpu.memory_space<hbm>>, %arg4: memref<320000xi32, #tpu.memory_space<hbm>>, %arg5: memref<320000xi32, #tpu.memory_space<hbm>>, %arg6: memref<2x10240x128xf32, #tpu.memory_space<hbm>>, %arg7: memref<10000xi32, #tpu.memory_space<vmem>>, %arg8: memref<80xi32, #tpu.memory_space<vmem>>, %arg9: memref<80xi32, #tpu.memory_space<vmem>>, %arg10: memref<80x128xf32, #tpu.memory_space<vmem>>, %arg11: memref<80x128xf32, #tpu.memory_space<vmem>>, %arg12: memref<128x128xf32, #tpu.memory_space<vmem>>, %arg13: memref<10240x128xf32, #tpu.memory_space<vmem_shared>>, %arg14: memref<!tpu.dma_semaphore, #tpu.memory_space<semaphore_mem>>, %arg15: memref<!tpu.dma_semaphore, #tpu.memory_space<semaphore_mem>>) attributes {dimension_semantics = [#tpu.dimension_semantics<core_parallel>, #tpu.dimension_semantics<subcore_parallel>], iteration_bounds = array<i64: 2, 16>, scalar_prefetch = 0 : i64, scratch_operands = 9 : i64, tpu.core_type = #tpu.core_type<sc_vector_subcore>, window_params = [{transform_indices = #map}, {transform_indices = #map}, {transform_indices = #map1}, {transform_indices = #map1}, {transform_indices = #map2}]} {
    %mul3A = arith.constant 2 : i32
    %mul3A_0 = arith.muli %arg1, %mul3A : i32
    %add3A = arith.addi %mul3A_0, %arg0 : i32
    "tpu.region"() ({
      %run_scoped3A = tpu.sem_alloc : memref<!tpu.dma_semaphore, #tpu.memory_space<semaphore_mem>>
      tpu.enqueue_dma source(%arg2 : memref<128x128xf32, #tpu.memory_space<hbm>>) target(%arg12 : memref<128x128xf32, #tpu.memory_space<vmem>>) target_semaphore(%run_scoped3A : memref<!tpu.dma_semaphore, #tpu.memory_space<semaphore_mem>>)
      tpu.wait_dma2 semaphore(%run_scoped3A : memref<!tpu.dma_semaphore, #tpu.memory_space<semaphore_mem>>) src(%arg2 : memref<128x128xf32, #tpu.memory_space<hbm>>) dst(%arg12 : memref<128x128xf32, #tpu.memory_space<vmem>>)
      tpu.yield
    }) : () -> ()
    %scan3A = arith.constant 0 : i32
    %scan3A_1 = arith.constant 0 : i32
    %scan3A_2 = arith.constant 5 : i32
    %scan3A_3 = arith.addi %scan3A_1, %scan3A_2 : i32
    %scan3A_4 = arith.constant 1 : i32
    scf.for %scan3A_31 = %scan3A_1 to %scan3A_3 step %scan3A_4  : i32 {
      %mul3A_32 = arith.constant 640 : i32
      %mul3A_33 = arith.muli %arg1, %mul3A_32 : i32
      %mul3A_34 = arith.constant 128 : i32
      %mul3A_35 = arith.muli %scan3A_31, %mul3A_34 : i32
      %add3A_36 = arith.addi %mul3A_33, %mul3A_35 : i32
      "tpu.region"() ({
        %run_scoped3A = tpu.sem_alloc : memref<!tpu.dma_semaphore, #tpu.memory_space<semaphore_mem>>
        %dma_start3A_37 = arith.constant 0 : i32
        %dma_start3A_38 = tpu.memref_slice %arg13[%add3A_36, %dma_start3A_37] : memref<10240x128xf32, #tpu.memory_space<vmem_shared>> -> memref<128x128xf32, #tpu.memory_space<vmem_shared>>
        %dma_start3A_39 = arith.constant 0 : i32
        %dma_start3A_40 = tpu.memref_slice %arg13[%add3A_36, %dma_start3A_39] : memref<10240x128xf32, #tpu.memory_space<vmem_shared>> -> memref<128x128xf32, #tpu.memory_space<vmem_shared>>
        tpu.enqueue_dma source(%arg12 : memref<128x128xf32, #tpu.memory_space<vmem>>) target(%dma_start3A_40 : memref<128x128xf32, #tpu.memory_space<vmem_shared>>) target_semaphore(%run_scoped3A : memref<!tpu.dma_semaphore, #tpu.memory_space<semaphore_mem>>)
        %dma_wait3A_41 = arith.constant 0 : i32
        %dma_wait3A_42 = tpu.memref_slice %arg13[%add3A_36, %dma_wait3A_41] : memref<10240x128xf32, #tpu.memory_space<vmem_shared>> -> memref<128x128xf32, #tpu.memory_space<vmem_shared>>
        %dma_wait3A_43 = arith.constant 0 : i32
        %dma_wait3A_44 = tpu.memref_slice %arg13[%add3A_36, %dma_wait3A_43] : memref<10240x128xf32, #tpu.memory_space<vmem_shared>> -> memref<128x128xf32, #tpu.memory_space<vmem_shared>>
        tpu.wait_dma2 semaphore(%run_scoped3A : memref<!tpu.dma_semaphore, #tpu.memory_space<semaphore_mem>>) src(%arg12 : memref<128x128xf32, #tpu.memory_space<vmem>>) dst(%dma_wait3A_44 : memref<128x128xf32, #tpu.memory_space<vmem_shared>>)
        tpu.yield
      }) : () -> ()
    }
    %scan3A_5 = arith.constant 5 : i32
    %mul3A_6 = arith.constant 10000 : i32
    %mul3A_7 = arith.muli %add3A, %mul3A_6 : i32
    "tpu.region"() ({
      %run_scoped3A = tpu.sem_alloc : memref<!tpu.dma_semaphore, #tpu.memory_space<semaphore_mem>>
      %dma_start3A_31 = tpu.memref_slice %arg4[%mul3A_7] : memref<320000xi32, #tpu.memory_space<hbm>> -> memref<10000xi32, #tpu.memory_space<hbm>>
      %dma_start3A_32 = tpu.memref_slice %arg4[%mul3A_7] : memref<320000xi32, #tpu.memory_space<hbm>> -> memref<10000xi32, #tpu.memory_space<hbm>>
      tpu.enqueue_dma source(%dma_start3A_32 : memref<10000xi32, #tpu.memory_space<hbm>>) target(%arg7 : memref<10000xi32, #tpu.memory_space<vmem>>) target_semaphore(%run_scoped3A : memref<!tpu.dma_semaphore, #tpu.memory_space<semaphore_mem>>)
      %dma_wait3A_33 = tpu.memref_slice %arg4[%mul3A_7] : memref<320000xi32, #tpu.memory_space<hbm>> -> memref<10000xi32, #tpu.memory_space<hbm>>
      %dma_wait3A_34 = tpu.memref_slice %arg4[%mul3A_7] : memref<320000xi32, #tpu.memory_space<hbm>> -> memref<10000xi32, #tpu.memory_space<hbm>>
      tpu.wait_dma2 semaphore(%run_scoped3A : memref<!tpu.dma_semaphore, #tpu.memory_space<semaphore_mem>>) src(%dma_wait3A_34 : memref<10000xi32, #tpu.memory_space<hbm>>) dst(%arg7 : memref<10000xi32, #tpu.memory_space<vmem>>)
      tpu.yield
    }) : () -> ()
    %barrier3A = arith.constant 0 : index
    tpu.barrier barrier_id(%barrier3A)
    %dma_start3A = arith.constant 0 : i32
    %dma_start3A_8 = tpu.memref_slice %arg7[%dma_start3A] : memref<10000xi32, #tpu.memory_space<vmem>> -> memref<80xi32, #tpu.memory_space<vmem>>
    %dma_start3A_9 = arith.constant 0 : i32
    %dma_start3A_10 = arith.constant 0 : i32
    %dma_start3A_11 = tpu.memref_slice %arg3[%dma_start3A_9, %dma_start3A_10] : memref<10000x128xf32, #tpu.memory_space<hbm>> -> memref<10000x128xf32, #tpu.memory_space<hbm>>
    tpu.enqueue_indirect_dma source(%dma_start3A_11 : memref<10000x128xf32, #tpu.memory_space<hbm>>) target(%arg10 : memref<80x128xf32, #tpu.memory_space<vmem>>) offsets(%dma_start3A_8 : memref<80xi32, #tpu.memory_space<vmem>>) semaphore(%arg14 : memref<!tpu.dma_semaphore, #tpu.memory_space<semaphore_mem>>)
    %scan3A_12 = arith.constant 0 : i32
    %scan3A_13 = arith.constant 0 : i32
    %scan3A_14 = arith.constant 62 : i32
    %scan3A_15 = arith.addi %scan3A_13, %scan3A_14 : i32
    %scan3A_16 = arith.constant 1 : i32
    scf.for %scan3A_31 = %scan3A_13 to %scan3A_15 step %scan3A_16  : i32 {
      %mul3A_32 = arith.constant 2 : i32
      %mul3A_33 = arith.muli %mul3A_32, %scan3A_31 : i32
      %add3A_34 = arith.constant 1 : i32
      %add3A_35 = arith.addi %mul3A_33, %add3A_34 : i32
      %mul3A_36 = arith.constant 80 : i32
      %mul3A_37 = arith.muli %add3A_35, %mul3A_36 : i32
      %dma_start3A_38 = tpu.memref_slice %arg7[%mul3A_37] : memref<10000xi32, #tpu.memory_space<vmem>> -> memref<80xi32, #tpu.memory_space<vmem>>
      %dma_start3A_39 = arith.constant 0 : i32
      %dma_start3A_40 = arith.constant 0 : i32
      %dma_start3A_41 = tpu.memref_slice %arg3[%dma_start3A_39, %dma_start3A_40] : memref<10000x128xf32, #tpu.memory_space<hbm>> -> memref<10000x128xf32, #tpu.memory_space<hbm>>
      tpu.enqueue_indirect_dma source(%dma_start3A_41 : memref<10000x128xf32, #tpu.memory_space<hbm>>) target(%arg11 : memref<80x128xf32, #tpu.memory_space<vmem>>) offsets(%dma_start3A_38 : memref<80xi32, #tpu.memory_space<vmem>>) semaphore(%arg15 : memref<!tpu.dma_semaphore, #tpu.memory_space<semaphore_mem>>)
      %mul3A_42 = arith.constant 80 : i32
      %mul3A_43 = arith.muli %mul3A_33, %mul3A_42 : i32
      %add3A_44 = arith.addi %mul3A_7, %mul3A_43 : i32
      "tpu.region"() ({
        %run_scoped3A = tpu.sem_alloc : memref<!tpu.dma_semaphore, #tpu.memory_space<semaphore_mem>>
        %dma_start3A_72 = tpu.memref_slice %arg5[%add3A_44] : memref<320000xi32, #tpu.memory_space<hbm>> -> memref<80xi32, #tpu.memory_space<hbm>>
        %dma_start3A_73 = tpu.memref_slice %arg5[%add3A_44] : memref<320000xi32, #tpu.memory_space<hbm>> -> memref<80xi32, #tpu.memory_space<hbm>>
        tpu.enqueue_dma source(%dma_start3A_73 : memref<80xi32, #tpu.memory_space<hbm>>) target(%arg8 : memref<80xi32, #tpu.memory_space<vmem>>) target_semaphore(%run_scoped3A : memref<!tpu.dma_semaphore, #tpu.memory_space<semaphore_mem>>)
        %dma_wait3A_74 = tpu.memref_slice %arg5[%add3A_44] : memref<320000xi32, #tpu.memory_space<hbm>> -> memref<80xi32, #tpu.memory_space<hbm>>
        %dma_wait3A_75 = tpu.memref_slice %arg5[%add3A_44] : memref<320000xi32, #tpu.memory_space<hbm>> -> memref<80xi32, #tpu.memory_space<hbm>>
        tpu.wait_dma2 semaphore(%run_scoped3A : memref<!tpu.dma_semaphore, #tpu.memory_space<semaphore_mem>>) src(%dma_wait3A_75 : memref<80xi32, #tpu.memory_space<hbm>>) dst(%arg8 : memref<80xi32, #tpu.memory_space<vmem>>)
        tpu.yield
      }) : () -> ()
      %mul3A_45 = arith.constant 80 : i32
      %mul3A_46 = arith.muli %mul3A_33, %mul3A_45 : i32
      %dma_wait3A_47 = tpu.memref_slice %arg7[%mul3A_46] : memref<10000xi32, #tpu.memory_space<vmem>> -> memref<80xi32, #tpu.memory_space<vmem>>
      %dma_wait3A_48 = arith.constant 0 : i32
      %dma_wait3A_49 = arith.constant 0 : i32
      %dma_wait3A_50 = tpu.memref_slice %arg3[%dma_wait3A_48, %dma_wait3A_49] : memref<10000x128xf32, #tpu.memory_space<hbm>> -> memref<10000x128xf32, #tpu.memory_space<hbm>>
      tpu.wait_indirect_dma semaphore(%arg14 : memref<!tpu.dma_semaphore, #tpu.memory_space<semaphore_mem>>) src(%dma_wait3A_50 : memref<10000x128xf32, #tpu.memory_space<hbm>>) dst(%arg10 : memref<80x128xf32, #tpu.memory_space<vmem>>)
      "tpu.region"() ({
        %run_scoped3A = tpu.sem_alloc : memref<!tpu.dma_semaphore, #tpu.memory_space<semaphore_mem>>
        %dma_start3A_72 = arith.constant 0 : i32
        %dma_start3A_73 = arith.constant 0 : i32
        %dma_start3A_74 = tpu.memref_slice %arg13[%dma_start3A_72, %dma_start3A_73] : memref<10240x128xf32, #tpu.memory_space<vmem_shared>> -> memref<10240x128xf32, #tpu.memory_space<vmem_shared>>
        tpu.enqueue_indirect_dma source(%arg10 : memref<80x128xf32, #tpu.memory_space<vmem>>) target(%dma_start3A_74 : memref<10240x128xf32, #tpu.memory_space<vmem_shared>>) offsets(%arg8 : memref<80xi32, #tpu.memory_space<vmem>>) semaphore(%run_scoped3A : memref<!tpu.dma_semaphore, #tpu.memory_space<semaphore_mem>>) {add = true}
        %dma_wait3A_75 = arith.constant 0 : i32
        %dma_wait3A_76 = arith.constant 0 : i32
        %dma_wait3A_77 = tpu.memref_slice %arg13[%dma_wait3A_75, %dma_wait3A_76] : memref<10240x128xf32, #tpu.memory_space<vmem_shared>> -> memref<10240x128xf32, #tpu.memory_space<vmem_shared>>
        tpu.wait_indirect_dma semaphore(%run_scoped3A : memref<!tpu.dma_semaphore, #tpu.memory_space<semaphore_mem>>) src(%arg10 : memref<80x128xf32, #tpu.memory_space<vmem>>) dst(%dma_wait3A_77 : memref<10240x128xf32, #tpu.memory_space<vmem_shared>>)
        tpu.yield
      }) : () -> ()
      %add3A_51 = arith.constant 2 : i32
      %add3A_52 = arith.addi %mul3A_33, %add3A_51 : i32
      %mul3A_53 = arith.constant 80 : i32
      %mul3A_54 = arith.muli %add3A_52, %mul3A_53 : i32
      %dma_start3A_55 = tpu.memref_slice %arg7[%mul3A_54] : memref<10000xi32, #tpu.memory_space<vmem>> -> memref<80xi32, #tpu.memory_space<vmem>>
      %dma_start3A_56 = arith.constant 0 : i32
      %dma_start3A_57 = arith.constant 0 : i32
      %dma_start3A_58 = tpu.memref_slice %arg3[%dma_start3A_56, %dma_start3A_57] : memref<10000x128xf32, #tpu.memory_space<hbm>> -> memref<10000x128xf32, #tpu.memory_space<hbm>>
      tpu.enqueue_indirect_dma source(%dma_start3A_58 : memref<10000x128xf32, #tpu.memory_space<hbm>>) target(%arg10 : memref<80x128xf32, #tpu.memory_space<vmem>>) offsets(%dma_start3A_55 : memref<80xi32, #tpu.memory_space<vmem>>) semaphore(%arg14 : memref<!tpu.dma_semaphore, #tpu.memory_space<semaphore_mem>>)
      %add3A_59 = arith.constant 1 : i32
      %add3A_60 = arith.addi %mul3A_33, %add3A_59 : i32
      %mul3A_61 = arith.constant 80 : i32
      %mul3A_62 = arith.muli %add3A_60, %mul3A_61 : i32
      %add3A_63 = arith.addi %mul3A_7, %mul3A_62 : i32
      "tpu.region"() ({
        %run_scoped3A = tpu.sem_alloc : memref<!tpu.dma_semaphore, #tpu.memory_space<semaphore_mem>>
        %dma_start3A_72 = tpu.memref_slice %arg5[%add3A_63] : memref<320000xi32, #tpu.memory_space<hbm>> -> memref<80xi32, #tpu.memory_space<hbm>>
        %dma_start3A_73 = tpu.memref_slice %arg5[%add3A_63] : memref<320000xi32, #tpu.memory_space<hbm>> -> memref<80xi32, #tpu.memory_space<hbm>>
        tpu.enqueue_dma source(%dma_start3A_73 : memref<80xi32, #tpu.memory_space<hbm>>) target(%arg9 : memref<80xi32, #tpu.memory_space<vmem>>) target_semaphore(%run_scoped3A : memref<!tpu.dma_semaphore, #tpu.memory_space<semaphore_mem>>)
        %dma_wait3A_74 = tpu.memref_slice %arg5[%add3A_63] : memref<320000xi32, #tpu.memory_space<hbm>> -> memref<80xi32, #tpu.memory_space<hbm>>
        %dma_wait3A_75 = tpu.memref_slice %arg5[%add3A_63] : memref<320000xi32, #tpu.memory_space<hbm>> -> memref<80xi32, #tpu.memory_space<hbm>>
        tpu.wait_dma2 semaphore(%run_scoped3A : memref<!tpu.dma_semaphore, #tpu.memory_space<semaphore_mem>>) src(%dma_wait3A_75 : memref<80xi32, #tpu.memory_space<hbm>>) dst(%arg9 : memref<80xi32, #tpu.memory_space<vmem>>)
        tpu.yield
      }) : () -> ()
      %add3A_64 = arith.constant 1 : i32
      %add3A_65 = arith.addi %mul3A_33, %add3A_64 : i32
      %mul3A_66 = arith.constant 80 : i32
      %mul3A_67 = arith.muli %add3A_65, %mul3A_66 : i32
      %dma_wait3A_68 = tpu.memref_slice %arg7[%mul3A_67] : memref<10000xi32, #tpu.memory_space<vmem>> -> memref<80xi32, #tpu.memory_space<vmem>>
      %dma_wait3A_69 = arith.constant 0 : i32
      %dma_wait3A_70 = arith.constant 0 : i32
      %dma_wait3A_71 = tpu.memref_slice %arg3[%dma_wait3A_69, %dma_wait3A_70] : memref<10000x128xf32, #tpu.memory_space<hbm>> -> memref<10000x128xf32, #tpu.memory_space<hbm>>
      tpu.wait_indirect_dma semaphore(%arg15 : memref<!tpu.dma_semaphore, #tpu.memory_space<semaphore_mem>>) src(%dma_wait3A_71 : memref<10000x128xf32, #tpu.memory_space<hbm>>) dst(%arg11 : memref<80x128xf32, #tpu.memory_space<vmem>>)
      "tpu.region"() ({
        %run_scoped3A = tpu.sem_alloc : memref<!tpu.dma_semaphore, #tpu.memory_space<semaphore_mem>>
        %dma_start3A_72 = arith.constant 0 : i32
        %dma_start3A_73 = arith.constant 0 : i32
        %dma_start3A_74 = tpu.memref_slice %arg13[%dma_start3A_72, %dma_start3A_73] : memref<10240x128xf32, #tpu.memory_space<vmem_shared>> -> memref<10240x128xf32, #tpu.memory_space<vmem_shared>>
        tpu.enqueue_indirect_dma source(%arg11 : memref<80x128xf32, #tpu.memory_space<vmem>>) target(%dma_start3A_74 : memref<10240x128xf32, #tpu.memory_space<vmem_shared>>) offsets(%arg9 : memref<80xi32, #tpu.memory_space<vmem>>) semaphore(%run_scoped3A : memref<!tpu.dma_semaphore, #tpu.memory_space<semaphore_mem>>) {add = true}
        %dma_wait3A_75 = arith.constant 0 : i32
        %dma_wait3A_76 = arith.constant 0 : i32
        %dma_wait3A_77 = tpu.memref_slice %arg13[%dma_wait3A_75, %dma_wait3A_76] : memref<10240x128xf32, #tpu.memory_space<vmem_shared>> -> memref<10240x128xf32, #tpu.memory_space<vmem_shared>>
        tpu.wait_indirect_dma semaphore(%run_scoped3A : memref<!tpu.dma_semaphore, #tpu.memory_space<semaphore_mem>>) src(%arg11 : memref<80x128xf32, #tpu.memory_space<vmem>>) dst(%dma_wait3A_77 : memref<10240x128xf32, #tpu.memory_space<vmem_shared>>)
        tpu.yield
      }) : () -> ()
    }
    %scan3A_17 = arith.constant 62 : i32
    %add3A_18 = arith.constant 9920 : i32
    %add3A_19 = arith.addi %mul3A_7, %add3A_18 : i32
    "tpu.region"() ({
      %run_scoped3A = tpu.sem_alloc : memref<!tpu.dma_semaphore, #tpu.memory_space<semaphore_mem>>
      %dma_start3A_31 = tpu.memref_slice %arg5[%add3A_19] : memref<320000xi32, #tpu.memory_space<hbm>> -> memref<80xi32, #tpu.memory_space<hbm>>
      %dma_start3A_32 = tpu.memref_slice %arg5[%add3A_19] : memref<320000xi32, #tpu.memory_space<hbm>> -> memref<80xi32, #tpu.memory_space<hbm>>
      tpu.enqueue_dma source(%dma_start3A_32 : memref<80xi32, #tpu.memory_space<hbm>>) target(%arg8 : memref<80xi32, #tpu.memory_space<vmem>>) target_semaphore(%run_scoped3A : memref<!tpu.dma_semaphore, #tpu.memory_space<semaphore_mem>>)
      %dma_wait3A_33 = tpu.memref_slice %arg5[%add3A_19] : memref<320000xi32, #tpu.memory_space<hbm>> -> memref<80xi32, #tpu.memory_space<hbm>>
      %dma_wait3A_34 = tpu.memref_slice %arg5[%add3A_19] : memref<320000xi32, #tpu.memory_space<hbm>> -> memref<80xi32, #tpu.memory_space<hbm>>
      tpu.wait_dma2 semaphore(%run_scoped3A : memref<!tpu.dma_semaphore, #tpu.memory_space<semaphore_mem>>) src(%dma_wait3A_34 : memref<80xi32, #tpu.memory_space<hbm>>) dst(%arg8 : memref<80xi32, #tpu.memory_space<vmem>>)
      tpu.yield
    }) : () -> ()
    %dma_wait3A = arith.constant 9920 : i32
    %dma_wait3A_20 = tpu.memref_slice %arg7[%dma_wait3A] : memref<10000xi32, #tpu.memory_space<vmem>> -> memref<80xi32, #tpu.memory_space<vmem>>
    %dma_wait3A_21 = arith.constant 0 : i32
    %dma_wait3A_22 = arith.constant 0 : i32
    %dma_wait3A_23 = tpu.memref_slice %arg3[%dma_wait3A_21, %dma_wait3A_22] : memref<10000x128xf32, #tpu.memory_space<hbm>> -> memref<10000x128xf32, #tpu.memory_space<hbm>>
    tpu.wait_indirect_dma semaphore(%arg14 : memref<!tpu.dma_semaphore, #tpu.memory_space<semaphore_mem>>) src(%dma_wait3A_23 : memref<10000x128xf32, #tpu.memory_space<hbm>>) dst(%arg10 : memref<80x128xf32, #tpu.memory_space<vmem>>)
    "tpu.region"() ({
      %run_scoped3A = tpu.sem_alloc : memref<!tpu.dma_semaphore, #tpu.memory_space<semaphore_mem>>
      %dma_start3A_31 = arith.constant 0 : i32
      %dma_start3A_32 = arith.constant 0 : i32
      %dma_start3A_33 = tpu.memref_slice %arg13[%dma_start3A_31, %dma_start3A_32] : memref<10240x128xf32, #tpu.memory_space<vmem_shared>> -> memref<10240x128xf32, #tpu.memory_space<vmem_shared>>
      tpu.enqueue_indirect_dma source(%arg10 : memref<80x128xf32, #tpu.memory_space<vmem>>) target(%dma_start3A_33 : memref<10240x128xf32, #tpu.memory_space<vmem_shared>>) offsets(%arg8 : memref<80xi32, #tpu.memory_space<vmem>>) semaphore(%run_scoped3A : memref<!tpu.dma_semaphore, #tpu.memory_space<semaphore_mem>>) {add = true}
      %dma_wait3A_34 = arith.constant 0 : i32
      %dma_wait3A_35 = arith.constant 0 : i32
      %dma_wait3A_36 = tpu.memref_slice %arg13[%dma_wait3A_34, %dma_wait3A_35] : memref<10240x128xf32, #tpu.memory_space<vmem_shared>> -> memref<10240x128xf32, #tpu.memory_space<vmem_shared>>
      tpu.wait_indirect_dma semaphore(%run_scoped3A : memref<!tpu.dma_semaphore, #tpu.memory_space<semaphore_mem>>) src(%arg10 : memref<80x128xf32, #tpu.memory_space<vmem>>) dst(%dma_wait3A_36 : memref<10240x128xf32, #tpu.memory_space<vmem_shared>>)
      tpu.yield
    }) : () -> ()
    %barrier3A_24 = arith.constant 0 : index
    tpu.barrier barrier_id(%barrier3A_24)
    %scan3A_25 = arith.constant 0 : i32
    %scan3A_26 = arith.constant 0 : i32
    %scan3A_27 = arith.constant 5 : i32
    %scan3A_28 = arith.addi %scan3A_26, %scan3A_27 : i32
    %scan3A_29 = arith.constant 1 : i32
    scf.for %scan3A_31 = %scan3A_26 to %scan3A_28 step %scan3A_29  : i32 {
      %mul3A_32 = arith.constant 640 : i32
      %mul3A_33 = arith.muli %arg1, %mul3A_32 : i32
      %mul3A_34 = arith.constant 128 : i32
      %mul3A_35 = arith.muli %scan3A_31, %mul3A_34 : i32
      %add3A_36 = arith.addi %mul3A_33, %mul3A_35 : i32
      "tpu.region"() ({
        %run_scoped3A = tpu.sem_alloc : memref<!tpu.dma_semaphore, #tpu.memory_space<semaphore_mem>>
        %dma_start3A_37 = arith.constant 0 : i32
        %dma_start3A_38 = tpu.memref_slice %arg13[%add3A_36, %dma_start3A_37] : memref<10240x128xf32, #tpu.memory_space<vmem_shared>> -> memref<128x128xf32, #tpu.memory_space<vmem_shared>>
        %dma_start3A_39 = arith.constant 0 : i32
        %dma_start3A_40 = tpu.memref_slice %arg13[%add3A_36, %dma_start3A_39] : memref<10240x128xf32, #tpu.memory_space<vmem_shared>> -> memref<128x128xf32, #tpu.memory_space<vmem_shared>>
        tpu.enqueue_dma source(%dma_start3A_40 : memref<128x128xf32, #tpu.memory_space<vmem_shared>>) target(%arg12 : memref<128x128xf32, #tpu.memory_space<vmem>>) target_semaphore(%run_scoped3A : memref<!tpu.dma_semaphore, #tpu.memory_space<semaphore_mem>>)
        %dma_wait3A_41 = arith.constant 0 : i32
        %dma_wait3A_42 = tpu.memref_slice %arg13[%add3A_36, %dma_wait3A_41] : memref<10240x128xf32, #tpu.memory_space<vmem_shared>> -> memref<128x128xf32, #tpu.memory_space<vmem_shared>>
        %dma_wait3A_43 = arith.constant 0 : i32
        %dma_wait3A_44 = tpu.memref_slice %arg13[%add3A_36, %dma_wait3A_43] : memref<10240x128xf32, #tpu.memory_space<vmem_shared>> -> memref<128x128xf32, #tpu.memory_space<vmem_shared>>
        tpu.wait_dma2 semaphore(%run_scoped3A : memref<!tpu.dma_semaphore, #tpu.memory_space<semaphore_mem>>) src(%dma_wait3A_44 : memref<128x128xf32, #tpu.memory_space<vmem_shared>>) dst(%arg12 : memref<128x128xf32, #tpu.memory_space<vmem>>)
        tpu.yield
      }) : () -> ()
      "tpu.region"() ({
        %run_scoped3A = tpu.sem_alloc : memref<!tpu.dma_semaphore, #tpu.memory_space<semaphore_mem>>
        %dma_start3A_37 = arith.constant 0 : i32
        %dma_start3A_38 = tpu.memref_slice %arg6[%arg0, %add3A_36, %dma_start3A_37] : memref<2x10240x128xf32, #tpu.memory_space<hbm>> -> memref<1x128x128xf32, #tpu.memory_space<hbm>>
        %dma_start3A_39 = tpu.memref_squeeze %dma_start3A_38 : memref<1x128x128xf32, #tpu.memory_space<hbm>> -> memref<128x128xf32, #tpu.memory_space<hbm>>
        %dma_start3A_40 = arith.constant 0 : i32
        %dma_start3A_41 = tpu.memref_slice %arg6[%arg0, %add3A_36, %dma_start3A_40] : memref<2x10240x128xf32, #tpu.memory_space<hbm>> -> memref<1x128x128xf32, #tpu.memory_space<hbm>>
        %dma_start3A_42 = tpu.memref_squeeze %dma_start3A_41 : memref<1x128x128xf32, #tpu.memory_space<hbm>> -> memref<128x128xf32, #tpu.memory_space<hbm>>
        tpu.enqueue_dma source(%arg12 : memref<128x128xf32, #tpu.memory_space<vmem>>) target(%dma_start3A_42 : memref<128x128xf32, #tpu.memory_space<hbm>>) target_semaphore(%run_scoped3A : memref<!tpu.dma_semaphore, #tpu.memory_space<semaphore_mem>>)
        %dma_wait3A_43 = arith.constant 0 : i32
        %dma_wait3A_44 = tpu.memref_slice %arg6[%arg0, %add3A_36, %dma_wait3A_43] : memref<2x10240x128xf32, #tpu.memory_space<hbm>> -> memref<1x128x128xf32, #tpu.memory_space<hbm>>
        %dma_wait3A_45 = tpu.memref_squeeze %dma_wait3A_44 : memref<1x128x128xf32, #tpu.memory_space<hbm>> -> memref<128x128xf32, #tpu.memory_space<hbm>>
        %dma_wait3A_46 = arith.constant 0 : i32
        %dma_wait3A_47 = tpu.memref_slice %arg6[%arg0, %add3A_36, %dma_wait3A_46] : memref<2x10240x128xf32, #tpu.memory_space<hbm>> -> memref<1x128x128xf32, #tpu.memory_space<hbm>>
        %dma_wait3A_48 = tpu.memref_squeeze %dma_wait3A_47 : memref<1x128x128xf32, #tpu.memory_space<hbm>> -> memref<128x128xf32, #tpu.memory_space<hbm>>
        tpu.wait_dma2 semaphore(%run_scoped3A : memref<!tpu.dma_semaphore, #tpu.memory_space<semaphore_mem>>) src(%arg12 : memref<128x128xf32, #tpu.memory_space<vmem>>) dst(%dma_wait3A_48 : memref<128x128xf32, #tpu.memory_space<hbm>>)
        tpu.yield
      }) : () -> ()
    }
    %scan3A_30 = arith.constant 5 : i32
    return
  }
}

#map = affine_map<(d0, d1) -> (0, 0)>
#map1 = affine_map<(d0, d1) -> (0)>
#map2 = affine_map<(d0, d1) -> (0, 0, 0)>
module attributes {stable_mosaic.version = 14 : i64} {
  func.func @_sc_agg(%arg0: i32, %arg1: i32, %arg2: memref<128x128xf32, #tpu.memory_space<hbm>>, %arg3: memref<10000x128xf32, #tpu.memory_space<hbm>>, %arg4: memref<320000xi32, #tpu.memory_space<hbm>>, %arg5: memref<320000xi32, #tpu.memory_space<hbm>>, %arg6: memref<2x10240x128xf32, #tpu.memory_space<hbm>>, %arg7: memref<10000xi32, #tpu.memory_space<vmem>>, %arg8: memref<80xi32, #tpu.memory_space<vmem>>, %arg9: memref<80xi32, #tpu.memory_space<vmem>>, %arg10: memref<80x128xf32, #tpu.memory_space<vmem>>, %arg11: memref<80x128xf32, #tpu.memory_space<vmem>>, %arg12: memref<128x128xf32, #tpu.memory_space<vmem>>, %arg13: memref<10240x128xf32, #tpu.memory_space<vmem_shared>>, %arg14: memref<!tpu.dma_semaphore, #tpu.memory_space<semaphore_mem>>, %arg15: memref<!tpu.dma_semaphore, #tpu.memory_space<semaphore_mem>>) attributes {dimension_semantics = [#tpu.dimension_semantics<core_parallel>, #tpu.dimension_semantics<subcore_parallel>], iteration_bounds = array<i64: 2, 16>, scalar_prefetch = 0 : i64, scratch_operands = 9 : i64, tpu.core_type = #tpu.core_type<sc_vector_subcore>, window_params = [{transform_indices = #map}, {transform_indices = #map}, {transform_indices = #map1}, {transform_indices = #map1}, {transform_indices = #map2}]} {
    %mul3A = arith.constant 2 : i32
    %mul3A_0 = arith.muli %arg1, %mul3A : i32
    %add3A = arith.addi %mul3A_0, %arg0 : i32
    "tpu.region"() ({
      %run_scoped3A = tpu.sem_alloc : memref<!tpu.dma_semaphore, #tpu.memory_space<semaphore_mem>>
      tpu.enqueue_dma source(%arg2 : memref<128x128xf32, #tpu.memory_space<hbm>>) target(%arg12 : memref<128x128xf32, #tpu.memory_space<vmem>>) target_semaphore(%run_scoped3A : memref<!tpu.dma_semaphore, #tpu.memory_space<semaphore_mem>>)
      tpu.wait_dma2 semaphore(%run_scoped3A : memref<!tpu.dma_semaphore, #tpu.memory_space<semaphore_mem>>) src(%arg2 : memref<128x128xf32, #tpu.memory_space<hbm>>) dst(%arg12 : memref<128x128xf32, #tpu.memory_space<vmem>>)
      tpu.yield
    }) : () -> ()
    %scan3A = arith.constant 0 : i32
    %scan3A_1 = arith.constant 0 : i32
    %scan3A_2 = arith.constant 5 : i32
    %scan3A_3 = arith.addi %scan3A_1, %scan3A_2 : i32
    %scan3A_4 = arith.constant 1 : i32
    scf.for %scan3A_31 = %scan3A_1 to %scan3A_3 step %scan3A_4  : i32 {
      %mul3A_32 = arith.constant 640 : i32
      %mul3A_33 = arith.muli %arg1, %mul3A_32 : i32
      %mul3A_34 = arith.constant 128 : i32
      %mul3A_35 = arith.muli %scan3A_31, %mul3A_34 : i32
      %add3A_36 = arith.addi %mul3A_33, %mul3A_35 : i32
      "tpu.region"() ({
        %run_scoped3A = tpu.sem_alloc : memref<!tpu.dma_semaphore, #tpu.memory_space<semaphore_mem>>
        %dma_start3A_37 = arith.constant 0 : i32
        %dma_start3A_38 = tpu.memref_slice %arg13[%add3A_36, %dma_start3A_37] : memref<10240x128xf32, #tpu.memory_space<vmem_shared>> -> memref<128x128xf32, #tpu.memory_space<vmem_shared>>
        %dma_start3A_39 = arith.constant 0 : i32
        %dma_start3A_40 = tpu.memref_slice %arg13[%add3A_36, %dma_start3A_39] : memref<10240x128xf32, #tpu.memory_space<vmem_shared>> -> memref<128x128xf32, #tpu.memory_space<vmem_shared>>
        tpu.enqueue_dma source(%arg12 : memref<128x128xf32, #tpu.memory_space<vmem>>) target(%dma_start3A_40 : memref<128x128xf32, #tpu.memory_space<vmem_shared>>) target_semaphore(%run_scoped3A : memref<!tpu.dma_semaphore, #tpu.memory_space<semaphore_mem>>)
        %dma_wait3A_41 = arith.constant 0 : i32
        %dma_wait3A_42 = tpu.memref_slice %arg13[%add3A_36, %dma_wait3A_41] : memref<10240x128xf32, #tpu.memory_space<vmem_shared>> -> memref<128x128xf32, #tpu.memory_space<vmem_shared>>
        %dma_wait3A_43 = arith.constant 0 : i32
        %dma_wait3A_44 = tpu.memref_slice %arg13[%add3A_36, %dma_wait3A_43] : memref<10240x128xf32, #tpu.memory_space<vmem_shared>> -> memref<128x128xf32, #tpu.memory_space<vmem_shared>>
        tpu.wait_dma2 semaphore(%run_scoped3A : memref<!tpu.dma_semaphore, #tpu.memory_space<semaphore_mem>>) src(%arg12 : memref<128x128xf32, #tpu.memory_space<vmem>>) dst(%dma_wait3A_44 : memref<128x128xf32, #tpu.memory_space<vmem_shared>>)
        tpu.yield
      }) : () -> ()
    }
    %scan3A_5 = arith.constant 5 : i32
    %mul3A_6 = arith.constant 10000 : i32
    %mul3A_7 = arith.muli %add3A, %mul3A_6 : i32
    "tpu.region"() ({
      %run_scoped3A = tpu.sem_alloc : memref<!tpu.dma_semaphore, #tpu.memory_space<semaphore_mem>>
      %dma_start3A_31 = tpu.memref_slice %arg4[%mul3A_7] : memref<320000xi32, #tpu.memory_space<hbm>> -> memref<10000xi32, #tpu.memory_space<hbm>>
      %dma_start3A_32 = tpu.memref_slice %arg4[%mul3A_7] : memref<320000xi32, #tpu.memory_space<hbm>> -> memref<10000xi32, #tpu.memory_space<hbm>>
      tpu.enqueue_dma source(%dma_start3A_32 : memref<10000xi32, #tpu.memory_space<hbm>>) target(%arg7 : memref<10000xi32, #tpu.memory_space<vmem>>) target_semaphore(%run_scoped3A : memref<!tpu.dma_semaphore, #tpu.memory_space<semaphore_mem>>)
      %dma_wait3A_33 = tpu.memref_slice %arg4[%mul3A_7] : memref<320000xi32, #tpu.memory_space<hbm>> -> memref<10000xi32, #tpu.memory_space<hbm>>
      %dma_wait3A_34 = tpu.memref_slice %arg4[%mul3A_7] : memref<320000xi32, #tpu.memory_space<hbm>> -> memref<10000xi32, #tpu.memory_space<hbm>>
      tpu.wait_dma2 semaphore(%run_scoped3A : memref<!tpu.dma_semaphore, #tpu.memory_space<semaphore_mem>>) src(%dma_wait3A_34 : memref<10000xi32, #tpu.memory_space<hbm>>) dst(%arg7 : memref<10000xi32, #tpu.memory_space<vmem>>)
      tpu.yield
    }) : () -> ()
    %barrier3A = arith.constant 0 : index
    tpu.barrier barrier_id(%barrier3A)
    %dma_start3A = arith.constant 0 : i32
    %dma_start3A_8 = tpu.memref_slice %arg7[%dma_start3A] : memref<10000xi32, #tpu.memory_space<vmem>> -> memref<80xi32, #tpu.memory_space<vmem>>
    %dma_start3A_9 = arith.constant 0 : i32
    %dma_start3A_10 = arith.constant 0 : i32
    %dma_start3A_11 = tpu.memref_slice %arg3[%dma_start3A_9, %dma_start3A_10] : memref<10000x128xf32, #tpu.memory_space<hbm>> -> memref<10000x128xf32, #tpu.memory_space<hbm>>
    tpu.enqueue_indirect_dma source(%dma_start3A_11 : memref<10000x128xf32, #tpu.memory_space<hbm>>) target(%arg10 : memref<80x128xf32, #tpu.memory_space<vmem>>) offsets(%dma_start3A_8 : memref<80xi32, #tpu.memory_space<vmem>>) semaphore(%arg14 : memref<!tpu.dma_semaphore, #tpu.memory_space<semaphore_mem>>)
    %scan3A_12 = arith.constant 0 : i32
    %scan3A_13 = arith.constant 0 : i32
    %scan3A_14 = arith.constant 62 : i32
    %scan3A_15 = arith.addi %scan3A_13, %scan3A_14 : i32
    %scan3A_16 = arith.constant 1 : i32
    scf.for %scan3A_31 = %scan3A_13 to %scan3A_15 step %scan3A_16  : i32 {
      %mul3A_32 = arith.constant 2 : i32
      %mul3A_33 = arith.muli %mul3A_32, %scan3A_31 : i32
      %add3A_34 = arith.constant 1 : i32
      %add3A_35 = arith.addi %mul3A_33, %add3A_34 : i32
      %mul3A_36 = arith.constant 80 : i32
      %mul3A_37 = arith.muli %add3A_35, %mul3A_36 : i32
      %dma_start3A_38 = tpu.memref_slice %arg7[%mul3A_37] : memref<10000xi32, #tpu.memory_space<vmem>> -> memref<80xi32, #tpu.memory_space<vmem>>
      %dma_start3A_39 = arith.constant 0 : i32
      %dma_start3A_40 = arith.constant 0 : i32
      %dma_start3A_41 = tpu.memref_slice %arg3[%dma_start3A_39, %dma_start3A_40] : memref<10000x128xf32, #tpu.memory_space<hbm>> -> memref<10000x128xf32, #tpu.memory_space<hbm>>
      tpu.enqueue_indirect_dma source(%dma_start3A_41 : memref<10000x128xf32, #tpu.memory_space<hbm>>) target(%arg11 : memref<80x128xf32, #tpu.memory_space<vmem>>) offsets(%dma_start3A_38 : memref<80xi32, #tpu.memory_space<vmem>>) semaphore(%arg15 : memref<!tpu.dma_semaphore, #tpu.memory_space<semaphore_mem>>)
      %mul3A_42 = arith.constant 80 : i32
      %mul3A_43 = arith.muli %mul3A_33, %mul3A_42 : i32
      %add3A_44 = arith.addi %mul3A_7, %mul3A_43 : i32
      "tpu.region"() ({
        %run_scoped3A = tpu.sem_alloc : memref<!tpu.dma_semaphore, #tpu.memory_space<semaphore_mem>>
        %dma_start3A_72 = tpu.memref_slice %arg5[%add3A_44] : memref<320000xi32, #tpu.memory_space<hbm>> -> memref<80xi32, #tpu.memory_space<hbm>>
        %dma_start3A_73 = tpu.memref_slice %arg5[%add3A_44] : memref<320000xi32, #tpu.memory_space<hbm>> -> memref<80xi32, #tpu.memory_space<hbm>>
        tpu.enqueue_dma source(%dma_start3A_73 : memref<80xi32, #tpu.memory_space<hbm>>) target(%arg8 : memref<80xi32, #tpu.memory_space<vmem>>) target_semaphore(%run_scoped3A : memref<!tpu.dma_semaphore, #tpu.memory_space<semaphore_mem>>)
        %dma_wait3A_74 = tpu.memref_slice %arg5[%add3A_44] : memref<320000xi32, #tpu.memory_space<hbm>> -> memref<80xi32, #tpu.memory_space<hbm>>
        %dma_wait3A_75 = tpu.memref_slice %arg5[%add3A_44] : memref<320000xi32, #tpu.memory_space<hbm>> -> memref<80xi32, #tpu.memory_space<hbm>>
        tpu.wait_dma2 semaphore(%run_scoped3A : memref<!tpu.dma_semaphore, #tpu.memory_space<semaphore_mem>>) src(%dma_wait3A_75 : memref<80xi32, #tpu.memory_space<hbm>>) dst(%arg8 : memref<80xi32, #tpu.memory_space<vmem>>)
        tpu.yield
      }) : () -> ()
      %mul3A_45 = arith.constant 80 : i32
      %mul3A_46 = arith.muli %mul3A_33, %mul3A_45 : i32
      %dma_wait3A_47 = tpu.memref_slice %arg7[%mul3A_46] : memref<10000xi32, #tpu.memory_space<vmem>> -> memref<80xi32, #tpu.memory_space<vmem>>
      %dma_wait3A_48 = arith.constant 0 : i32
      %dma_wait3A_49 = arith.constant 0 : i32
      %dma_wait3A_50 = tpu.memref_slice %arg3[%dma_wait3A_48, %dma_wait3A_49] : memref<10000x128xf32, #tpu.memory_space<hbm>> -> memref<10000x128xf32, #tpu.memory_space<hbm>>
      tpu.wait_indirect_dma semaphore(%arg14 : memref<!tpu.dma_semaphore, #tpu.memory_space<semaphore_mem>>) src(%dma_wait3A_50 : memref<10000x128xf32, #tpu.memory_space<hbm>>) dst(%arg10 : memref<80x128xf32, #tpu.memory_space<vmem>>)
      "tpu.region"() ({
        %run_scoped3A = tpu.sem_alloc : memref<!tpu.dma_semaphore, #tpu.memory_space<semaphore_mem>>
        %dma_start3A_72 = arith.constant 0 : i32
        %dma_start3A_73 = arith.constant 0 : i32
        %dma_start3A_74 = tpu.memref_slice %arg13[%dma_start3A_72, %dma_start3A_73] : memref<10240x128xf32, #tpu.memory_space<vmem_shared>> -> memref<10240x128xf32, #tpu.memory_space<vmem_shared>>
        tpu.enqueue_indirect_dma source(%arg10 : memref<80x128xf32, #tpu.memory_space<vmem>>) target(%dma_start3A_74 : memref<10240x128xf32, #tpu.memory_space<vmem_shared>>) offsets(%arg8 : memref<80xi32, #tpu.memory_space<vmem>>) semaphore(%run_scoped3A : memref<!tpu.dma_semaphore, #tpu.memory_space<semaphore_mem>>) {add = true}
        %dma_wait3A_75 = arith.constant 0 : i32
        %dma_wait3A_76 = arith.constant 0 : i32
        %dma_wait3A_77 = tpu.memref_slice %arg13[%dma_wait3A_75, %dma_wait3A_76] : memref<10240x128xf32, #tpu.memory_space<vmem_shared>> -> memref<10240x128xf32, #tpu.memory_space<vmem_shared>>
        tpu.wait_indirect_dma semaphore(%run_scoped3A : memref<!tpu.dma_semaphore, #tpu.memory_space<semaphore_mem>>) src(%arg10 : memref<80x128xf32, #tpu.memory_space<vmem>>) dst(%dma_wait3A_77 : memref<10240x128xf32, #tpu.memory_space<vmem_shared>>)
        tpu.yield
      }) : () -> ()
      %add3A_51 = arith.constant 2 : i32
      %add3A_52 = arith.addi %mul3A_33, %add3A_51 : i32
      %mul3A_53 = arith.constant 80 : i32
      %mul3A_54 = arith.muli %add3A_52, %mul3A_53 : i32
      %dma_start3A_55 = tpu.memref_slice %arg7[%mul3A_54] : memref<10000xi32, #tpu.memory_space<vmem>> -> memref<80xi32, #tpu.memory_space<vmem>>
      %dma_start3A_56 = arith.constant 0 : i32
      %dma_start3A_57 = arith.constant 0 : i32
      %dma_start3A_58 = tpu.memref_slice %arg3[%dma_start3A_56, %dma_start3A_57] : memref<10000x128xf32, #tpu.memory_space<hbm>> -> memref<10000x128xf32, #tpu.memory_space<hbm>>
      tpu.enqueue_indirect_dma source(%dma_start3A_58 : memref<10000x128xf32, #tpu.memory_space<hbm>>) target(%arg10 : memref<80x128xf32, #tpu.memory_space<vmem>>) offsets(%dma_start3A_55 : memref<80xi32, #tpu.memory_space<vmem>>) semaphore(%arg14 : memref<!tpu.dma_semaphore, #tpu.memory_space<semaphore_mem>>)
      %add3A_59 = arith.constant 1 : i32
      %add3A_60 = arith.addi %mul3A_33, %add3A_59 : i32
      %mul3A_61 = arith.constant 80 : i32
      %mul3A_62 = arith.muli %add3A_60, %mul3A_61 : i32
      %add3A_63 = arith.addi %mul3A_7, %mul3A_62 : i32
      "tpu.region"() ({
        %run_scoped3A = tpu.sem_alloc : memref<!tpu.dma_semaphore, #tpu.memory_space<semaphore_mem>>
        %dma_start3A_72 = tpu.memref_slice %arg5[%add3A_63] : memref<320000xi32, #tpu.memory_space<hbm>> -> memref<80xi32, #tpu.memory_space<hbm>>
        %dma_start3A_73 = tpu.memref_slice %arg5[%add3A_63] : memref<320000xi32, #tpu.memory_space<hbm>> -> memref<80xi32, #tpu.memory_space<hbm>>
        tpu.enqueue_dma source(%dma_start3A_73 : memref<80xi32, #tpu.memory_space<hbm>>) target(%arg9 : memref<80xi32, #tpu.memory_space<vmem>>) target_semaphore(%run_scoped3A : memref<!tpu.dma_semaphore, #tpu.memory_space<semaphore_mem>>)
        %dma_wait3A_74 = tpu.memref_slice %arg5[%add3A_63] : memref<320000xi32, #tpu.memory_space<hbm>> -> memref<80xi32, #tpu.memory_space<hbm>>
        %dma_wait3A_75 = tpu.memref_slice %arg5[%add3A_63] : memref<320000xi32, #tpu.memory_space<hbm>> -> memref<80xi32, #tpu.memory_space<hbm>>
        tpu.wait_dma2 semaphore(%run_scoped3A : memref<!tpu.dma_semaphore, #tpu.memory_space<semaphore_mem>>) src(%dma_wait3A_75 : memref<80xi32, #tpu.memory_space<hbm>>) dst(%arg9 : memref<80xi32, #tpu.memory_space<vmem>>)
        tpu.yield
      }) : () -> ()
      %add3A_64 = arith.constant 1 : i32
      %add3A_65 = arith.addi %mul3A_33, %add3A_64 : i32
      %mul3A_66 = arith.constant 80 : i32
      %mul3A_67 = arith.muli %add3A_65, %mul3A_66 : i32
      %dma_wait3A_68 = tpu.memref_slice %arg7[%mul3A_67] : memref<10000xi32, #tpu.memory_space<vmem>> -> memref<80xi32, #tpu.memory_space<vmem>>
      %dma_wait3A_69 = arith.constant 0 : i32
      %dma_wait3A_70 = arith.constant 0 : i32
      %dma_wait3A_71 = tpu.memref_slice %arg3[%dma_wait3A_69, %dma_wait3A_70] : memref<10000x128xf32, #tpu.memory_space<hbm>> -> memref<10000x128xf32, #tpu.memory_space<hbm>>
      tpu.wait_indirect_dma semaphore(%arg15 : memref<!tpu.dma_semaphore, #tpu.memory_space<semaphore_mem>>) src(%dma_wait3A_71 : memref<10000x128xf32, #tpu.memory_space<hbm>>) dst(%arg11 : memref<80x128xf32, #tpu.memory_space<vmem>>)
      "tpu.region"() ({
        %run_scoped3A = tpu.sem_alloc : memref<!tpu.dma_semaphore, #tpu.memory_space<semaphore_mem>>
        %dma_start3A_72 = arith.constant 0 : i32
        %dma_start3A_73 = arith.constant 0 : i32
        %dma_start3A_74 = tpu.memref_slice %arg13[%dma_start3A_72, %dma_start3A_73] : memref<10240x128xf32, #tpu.memory_space<vmem_shared>> -> memref<10240x128xf32, #tpu.memory_space<vmem_shared>>
        tpu.enqueue_indirect_dma source(%arg11 : memref<80x128xf32, #tpu.memory_space<vmem>>) target(%dma_start3A_74 : memref<10240x128xf32, #tpu.memory_space<vmem_shared>>) offsets(%arg9 : memref<80xi32, #tpu.memory_space<vmem>>) semaphore(%run_scoped3A : memref<!tpu.dma_semaphore, #tpu.memory_space<semaphore_mem>>) {add = true}
        %dma_wait3A_75 = arith.constant 0 : i32
        %dma_wait3A_76 = arith.constant 0 : i32
        %dma_wait3A_77 = tpu.memref_slice %arg13[%dma_wait3A_75, %dma_wait3A_76] : memref<10240x128xf32, #tpu.memory_space<vmem_shared>> -> memref<10240x128xf32, #tpu.memory_space<vmem_shared>>
        tpu.wait_indirect_dma semaphore(%run_scoped3A : memref<!tpu.dma_semaphore, #tpu.memory_space<semaphore_mem>>) src(%arg11 : memref<80x128xf32, #tpu.memory_space<vmem>>) dst(%dma_wait3A_77 : memref<10240x128xf32, #tpu.memory_space<vmem_shared>>)
        tpu.yield
      }) : () -> ()
    }
    %scan3A_17 = arith.constant 62 : i32
    %add3A_18 = arith.constant 9920 : i32
    %add3A_19 = arith.addi %mul3A_7, %add3A_18 : i32
    "tpu.region"() ({
      %run_scoped3A = tpu.sem_alloc : memref<!tpu.dma_semaphore, #tpu.memory_space<semaphore_mem>>
      %dma_start3A_31 = tpu.memref_slice %arg5[%add3A_19] : memref<320000xi32, #tpu.memory_space<hbm>> -> memref<80xi32, #tpu.memory_space<hbm>>
      %dma_start3A_32 = tpu.memref_slice %arg5[%add3A_19] : memref<320000xi32, #tpu.memory_space<hbm>> -> memref<80xi32, #tpu.memory_space<hbm>>
      tpu.enqueue_dma source(%dma_start3A_32 : memref<80xi32, #tpu.memory_space<hbm>>) target(%arg8 : memref<80xi32, #tpu.memory_space<vmem>>) target_semaphore(%run_scoped3A : memref<!tpu.dma_semaphore, #tpu.memory_space<semaphore_mem>>)
      %dma_wait3A_33 = tpu.memref_slice %arg5[%add3A_19] : memref<320000xi32, #tpu.memory_space<hbm>> -> memref<80xi32, #tpu.memory_space<hbm>>
      %dma_wait3A_34 = tpu.memref_slice %arg5[%add3A_19] : memref<320000xi32, #tpu.memory_space<hbm>> -> memref<80xi32, #tpu.memory_space<hbm>>
      tpu.wait_dma2 semaphore(%run_scoped3A : memref<!tpu.dma_semaphore, #tpu.memory_space<semaphore_mem>>) src(%dma_wait3A_34 : memref<80xi32, #tpu.memory_space<hbm>>) dst(%arg8 : memref<80xi32, #tpu.memory_space<vmem>>)
      tpu.yield
    }) : () -> ()
    %dma_wait3A = arith.constant 9920 : i32
    %dma_wait3A_20 = tpu.memref_slice %arg7[%dma_wait3A] : memref<10000xi32, #tpu.memory_space<vmem>> -> memref<80xi32, #tpu.memory_space<vmem>>
    %dma_wait3A_21 = arith.constant 0 : i32
    %dma_wait3A_22 = arith.constant 0 : i32
    %dma_wait3A_23 = tpu.memref_slice %arg3[%dma_wait3A_21, %dma_wait3A_22] : memref<10000x128xf32, #tpu.memory_space<hbm>> -> memref<10000x128xf32, #tpu.memory_space<hbm>>
    tpu.wait_indirect_dma semaphore(%arg14 : memref<!tpu.dma_semaphore, #tpu.memory_space<semaphore_mem>>) src(%dma_wait3A_23 : memref<10000x128xf32, #tpu.memory_space<hbm>>) dst(%arg10 : memref<80x128xf32, #tpu.memory_space<vmem>>)
    "tpu.region"() ({
      %run_scoped3A = tpu.sem_alloc : memref<!tpu.dma_semaphore, #tpu.memory_space<semaphore_mem>>
      %dma_start3A_31 = arith.constant 0 : i32
      %dma_start3A_32 = arith.constant 0 : i32
      %dma_start3A_33 = tpu.memref_slice %arg13[%dma_start3A_31, %dma_start3A_32] : memref<10240x128xf32, #tpu.memory_space<vmem_shared>> -> memref<10240x128xf32, #tpu.memory_space<vmem_shared>>
      tpu.enqueue_indirect_dma source(%arg10 : memref<80x128xf32, #tpu.memory_space<vmem>>) target(%dma_start3A_33 : memref<10240x128xf32, #tpu.memory_space<vmem_shared>>) offsets(%arg8 : memref<80xi32, #tpu.memory_space<vmem>>) semaphore(%run_scoped3A : memref<!tpu.dma_semaphore, #tpu.memory_space<semaphore_mem>>) {add = true}
      %dma_wait3A_34 = arith.constant 0 : i32
      %dma_wait3A_35 = arith.constant 0 : i32
      %dma_wait3A_36 = tpu.memref_slice %arg13[%dma_wait3A_34, %dma_wait3A_35] : memref<10240x128xf32, #tpu.memory_space<vmem_shared>> -> memref<10240x128xf32, #tpu.memory_space<vmem_shared>>
      tpu.wait_indirect_dma semaphore(%run_scoped3A : memref<!tpu.dma_semaphore, #tpu.memory_space<semaphore_mem>>) src(%arg10 : memref<80x128xf32, #tpu.memory_space<vmem>>) dst(%dma_wait3A_36 : memref<10240x128xf32, #tpu.memory_space<vmem_shared>>)
      tpu.yield
    }) : () -> ()
    %barrier3A_24 = arith.constant 0 : index
    tpu.barrier barrier_id(%barrier3A_24)
    %scan3A_25 = arith.constant 0 : i32
    %scan3A_26 = arith.constant 0 : i32
    %scan3A_27 = arith.constant 5 : i32
    %scan3A_28 = arith.addi %scan3A_26, %scan3A_27 : i32
    %scan3A_29 = arith.constant 1 : i32
    scf.for %scan3A_31 = %scan3A_26 to %scan3A_28 step %scan3A_29  : i32 {
      %mul3A_32 = arith.constant 640 : i32
      %mul3A_33 = arith.muli %arg1, %mul3A_32 : i32
      %mul3A_34 = arith.constant 128 : i32
      %mul3A_35 = arith.muli %scan3A_31, %mul3A_34 : i32
      %add3A_36 = arith.addi %mul3A_33, %mul3A_35 : i32
      "tpu.region"() ({
        %run_scoped3A = tpu.sem_alloc : memref<!tpu.dma_semaphore, #tpu.memory_space<semaphore_mem>>
        %dma_start3A_37 = arith.constant 0 : i32
        %dma_start3A_38 = tpu.memref_slice %arg13[%add3A_36, %dma_start3A_37] : memref<10240x128xf32, #tpu.memory_space<vmem_shared>> -> memref<128x128xf32, #tpu.memory_space<vmem_shared>>
        %dma_start3A_39 = arith.constant 0 : i32
        %dma_start3A_40 = tpu.memref_slice %arg13[%add3A_36, %dma_start3A_39] : memref<10240x128xf32, #tpu.memory_space<vmem_shared>> -> memref<128x128xf32, #tpu.memory_space<vmem_shared>>
        tpu.enqueue_dma source(%dma_start3A_40 : memref<128x128xf32, #tpu.memory_space<vmem_shared>>) target(%arg12 : memref<128x128xf32, #tpu.memory_space<vmem>>) target_semaphore(%run_scoped3A : memref<!tpu.dma_semaphore, #tpu.memory_space<semaphore_mem>>)
        %dma_wait3A_41 = arith.constant 0 : i32
        %dma_wait3A_42 = tpu.memref_slice %arg13[%add3A_36, %dma_wait3A_41] : memref<10240x128xf32, #tpu.memory_space<vmem_shared>> -> memref<128x128xf32, #tpu.memory_space<vmem_shared>>
        %dma_wait3A_43 = arith.constant 0 : i32
        %dma_wait3A_44 = tpu.memref_slice %arg13[%add3A_36, %dma_wait3A_43] : memref<10240x128xf32, #tpu.memory_space<vmem_shared>> -> memref<128x128xf32, #tpu.memory_space<vmem_shared>>
        tpu.wait_dma2 semaphore(%run_scoped3A : memref<!tpu.dma_semaphore, #tpu.memory_space<semaphore_mem>>) src(%dma_wait3A_44 : memref<128x128xf32, #tpu.memory_space<vmem_shared>>) dst(%arg12 : memref<128x128xf32, #tpu.memory_space<vmem>>)
        tpu.yield
      }) : () -> ()
      "tpu.region"() ({
        %run_scoped3A = tpu.sem_alloc : memref<!tpu.dma_semaphore, #tpu.memory_space<semaphore_mem>>
        %dma_start3A_37 = arith.constant 0 : i32
        %dma_start3A_38 = tpu.memref_slice %arg6[%arg0, %add3A_36, %dma_start3A_37] : memref<2x10240x128xf32, #tpu.memory_space<hbm>> -> memref<1x128x128xf32, #tpu.memory_space<hbm>>
        %dma_start3A_39 = tpu.memref_squeeze %dma_start3A_38 : memref<1x128x128xf32, #tpu.memory_space<hbm>> -> memref<128x128xf32, #tpu.memory_space<hbm>>
        %dma_start3A_40 = arith.constant 0 : i32
        %dma_start3A_41 = tpu.memref_slice %arg6[%arg0, %add3A_36, %dma_start3A_40] : memref<2x10240x128xf32, #tpu.memory_space<hbm>> -> memref<1x128x128xf32, #tpu.memory_space<hbm>>
        %dma_start3A_42 = tpu.memref_squeeze %dma_start3A_41 : memref<1x128x128xf32, #tpu.memory_space<hbm>> -> memref<128x128xf32, #tpu.memory_space<hbm>>
        tpu.enqueue_dma source(%arg12 : memref<128x128xf32, #tpu.memory_space<vmem>>) target(%dma_start3A_42 : memref<128x128xf32, #tpu.memory_space<hbm>>) target_semaphore(%run_scoped3A : memref<!tpu.dma_semaphore, #tpu.memory_space<semaphore_mem>>)
        %dma_wait3A_43 = arith.constant 0 : i32
        %dma_wait3A_44 = tpu.memref_slice %arg6[%arg0, %add3A_36, %dma_wait3A_43] : memref<2x10240x128xf32, #tpu.memory_space<hbm>> -> memref<1x128x128xf32, #tpu.memory_space<hbm>>
        %dma_wait3A_45 = tpu.memref_squeeze %dma_wait3A_44 : memref<1x128x128xf32, #tpu.memory_space<hbm>> -> memref<128x128xf32, #tpu.memory_space<hbm>>
        %dma_wait3A_46 = arith.constant 0 : i32
        %dma_wait3A_47 = tpu.memref_slice %arg6[%arg0, %add3A_36, %dma_wait3A_46] : memref<2x10240x128xf32, #tpu.memory_space<hbm>> -> memref<1x128x128xf32, #tpu.memory_space<hbm>>
        %dma_wait3A_48 = tpu.memref_squeeze %dma_wait3A_47 : memref<1x128x128xf32, #tpu.memory_space<hbm>> -> memref<128x128xf32, #tpu.memory_space<hbm>>
        tpu.wait_dma2 semaphore(%run_scoped3A : memref<!tpu.dma_semaphore, #tpu.memory_space<semaphore_mem>>) src(%arg12 : memref<128x128xf32, #tpu.memory_space<vmem>>) dst(%dma_wait3A_48 : memref<128x128xf32, #tpu.memory_space<hbm>>)
        tpu.yield
      }) : () -> ()
    }
    %scan3A_30 = arith.constant 5 : i32
    return
  }
}

#map = affine_map<(d0, d1) -> (0, 0)>
#map1 = affine_map<(d0, d1) -> (0)>
#map2 = affine_map<(d0, d1) -> (0, 0, 0)>
module attributes {stable_mosaic.version = 14 : i64} {
  func.func @_sc_agg(%arg0: i32, %arg1: i32, %arg2: memref<128x128xf32, #tpu.memory_space<hbm>>, %arg3: memref<10000x128xf32, #tpu.memory_space<hbm>>, %arg4: memref<320000xi32, #tpu.memory_space<hbm>>, %arg5: memref<320000xi32, #tpu.memory_space<hbm>>, %arg6: memref<2x10240x128xf32, #tpu.memory_space<hbm>>, %arg7: memref<10000xi32, #tpu.memory_space<vmem>>, %arg8: memref<80xi32, #tpu.memory_space<vmem>>, %arg9: memref<80xi32, #tpu.memory_space<vmem>>, %arg10: memref<80x128xf32, #tpu.memory_space<vmem>>, %arg11: memref<80x128xf32, #tpu.memory_space<vmem>>, %arg12: memref<128x128xf32, #tpu.memory_space<vmem>>, %arg13: memref<10240x128xf32, #tpu.memory_space<vmem_shared>>, %arg14: memref<!tpu.dma_semaphore, #tpu.memory_space<semaphore_mem>>, %arg15: memref<!tpu.dma_semaphore, #tpu.memory_space<semaphore_mem>>) attributes {dimension_semantics = [#tpu.dimension_semantics<core_parallel>, #tpu.dimension_semantics<subcore_parallel>], iteration_bounds = array<i64: 2, 16>, scalar_prefetch = 0 : i64, scratch_operands = 9 : i64, tpu.core_type = #tpu.core_type<sc_vector_subcore>, window_params = [{transform_indices = #map}, {transform_indices = #map}, {transform_indices = #map1}, {transform_indices = #map1}, {transform_indices = #map2}]} {
    %mul3A = arith.constant 2 : i32
    %mul3A_0 = arith.muli %arg1, %mul3A : i32
    %add3A = arith.addi %mul3A_0, %arg0 : i32
    "tpu.region"() ({
      %run_scoped3A = tpu.sem_alloc : memref<!tpu.dma_semaphore, #tpu.memory_space<semaphore_mem>>
      tpu.enqueue_dma source(%arg2 : memref<128x128xf32, #tpu.memory_space<hbm>>) target(%arg12 : memref<128x128xf32, #tpu.memory_space<vmem>>) target_semaphore(%run_scoped3A : memref<!tpu.dma_semaphore, #tpu.memory_space<semaphore_mem>>)
      tpu.wait_dma2 semaphore(%run_scoped3A : memref<!tpu.dma_semaphore, #tpu.memory_space<semaphore_mem>>) src(%arg2 : memref<128x128xf32, #tpu.memory_space<hbm>>) dst(%arg12 : memref<128x128xf32, #tpu.memory_space<vmem>>)
      tpu.yield
    }) : () -> ()
    %scan3A = arith.constant 0 : i32
    %scan3A_1 = arith.constant 0 : i32
    %scan3A_2 = arith.constant 5 : i32
    %scan3A_3 = arith.addi %scan3A_1, %scan3A_2 : i32
    %scan3A_4 = arith.constant 1 : i32
    scf.for %scan3A_31 = %scan3A_1 to %scan3A_3 step %scan3A_4  : i32 {
      %mul3A_32 = arith.constant 640 : i32
      %mul3A_33 = arith.muli %arg1, %mul3A_32 : i32
      %mul3A_34 = arith.constant 128 : i32
      %mul3A_35 = arith.muli %scan3A_31, %mul3A_34 : i32
      %add3A_36 = arith.addi %mul3A_33, %mul3A_35 : i32
      "tpu.region"() ({
        %run_scoped3A = tpu.sem_alloc : memref<!tpu.dma_semaphore, #tpu.memory_space<semaphore_mem>>
        %dma_start3A_37 = arith.constant 0 : i32
        %dma_start3A_38 = tpu.memref_slice %arg13[%add3A_36, %dma_start3A_37] : memref<10240x128xf32, #tpu.memory_space<vmem_shared>> -> memref<128x128xf32, #tpu.memory_space<vmem_shared>>
        %dma_start3A_39 = arith.constant 0 : i32
        %dma_start3A_40 = tpu.memref_slice %arg13[%add3A_36, %dma_start3A_39] : memref<10240x128xf32, #tpu.memory_space<vmem_shared>> -> memref<128x128xf32, #tpu.memory_space<vmem_shared>>
        tpu.enqueue_dma source(%arg12 : memref<128x128xf32, #tpu.memory_space<vmem>>) target(%dma_start3A_40 : memref<128x128xf32, #tpu.memory_space<vmem_shared>>) target_semaphore(%run_scoped3A : memref<!tpu.dma_semaphore, #tpu.memory_space<semaphore_mem>>)
        %dma_wait3A_41 = arith.constant 0 : i32
        %dma_wait3A_42 = tpu.memref_slice %arg13[%add3A_36, %dma_wait3A_41] : memref<10240x128xf32, #tpu.memory_space<vmem_shared>> -> memref<128x128xf32, #tpu.memory_space<vmem_shared>>
        %dma_wait3A_43 = arith.constant 0 : i32
        %dma_wait3A_44 = tpu.memref_slice %arg13[%add3A_36, %dma_wait3A_43] : memref<10240x128xf32, #tpu.memory_space<vmem_shared>> -> memref<128x128xf32, #tpu.memory_space<vmem_shared>>
        tpu.wait_dma2 semaphore(%run_scoped3A : memref<!tpu.dma_semaphore, #tpu.memory_space<semaphore_mem>>) src(%arg12 : memref<128x128xf32, #tpu.memory_space<vmem>>) dst(%dma_wait3A_44 : memref<128x128xf32, #tpu.memory_space<vmem_shared>>)
        tpu.yield
      }) : () -> ()
    }
    %scan3A_5 = arith.constant 5 : i32
    %mul3A_6 = arith.constant 10000 : i32
    %mul3A_7 = arith.muli %add3A, %mul3A_6 : i32
    "tpu.region"() ({
      %run_scoped3A = tpu.sem_alloc : memref<!tpu.dma_semaphore, #tpu.memory_space<semaphore_mem>>
      %dma_start3A_31 = tpu.memref_slice %arg4[%mul3A_7] : memref<320000xi32, #tpu.memory_space<hbm>> -> memref<10000xi32, #tpu.memory_space<hbm>>
      %dma_start3A_32 = tpu.memref_slice %arg4[%mul3A_7] : memref<320000xi32, #tpu.memory_space<hbm>> -> memref<10000xi32, #tpu.memory_space<hbm>>
      tpu.enqueue_dma source(%dma_start3A_32 : memref<10000xi32, #tpu.memory_space<hbm>>) target(%arg7 : memref<10000xi32, #tpu.memory_space<vmem>>) target_semaphore(%run_scoped3A : memref<!tpu.dma_semaphore, #tpu.memory_space<semaphore_mem>>)
      %dma_wait3A_33 = tpu.memref_slice %arg4[%mul3A_7] : memref<320000xi32, #tpu.memory_space<hbm>> -> memref<10000xi32, #tpu.memory_space<hbm>>
      %dma_wait3A_34 = tpu.memref_slice %arg4[%mul3A_7] : memref<320000xi32, #tpu.memory_space<hbm>> -> memref<10000xi32, #tpu.memory_space<hbm>>
      tpu.wait_dma2 semaphore(%run_scoped3A : memref<!tpu.dma_semaphore, #tpu.memory_space<semaphore_mem>>) src(%dma_wait3A_34 : memref<10000xi32, #tpu.memory_space<hbm>>) dst(%arg7 : memref<10000xi32, #tpu.memory_space<vmem>>)
      tpu.yield
    }) : () -> ()
    %barrier3A = arith.constant 0 : index
    tpu.barrier barrier_id(%barrier3A)
    %dma_start3A = arith.constant 0 : i32
    %dma_start3A_8 = tpu.memref_slice %arg7[%dma_start3A] : memref<10000xi32, #tpu.memory_space<vmem>> -> memref<80xi32, #tpu.memory_space<vmem>>
    %dma_start3A_9 = arith.constant 0 : i32
    %dma_start3A_10 = arith.constant 0 : i32
    %dma_start3A_11 = tpu.memref_slice %arg3[%dma_start3A_9, %dma_start3A_10] : memref<10000x128xf32, #tpu.memory_space<hbm>> -> memref<10000x128xf32, #tpu.memory_space<hbm>>
    tpu.enqueue_indirect_dma source(%dma_start3A_11 : memref<10000x128xf32, #tpu.memory_space<hbm>>) target(%arg10 : memref<80x128xf32, #tpu.memory_space<vmem>>) offsets(%dma_start3A_8 : memref<80xi32, #tpu.memory_space<vmem>>) semaphore(%arg14 : memref<!tpu.dma_semaphore, #tpu.memory_space<semaphore_mem>>)
    %scan3A_12 = arith.constant 0 : i32
    %scan3A_13 = arith.constant 0 : i32
    %scan3A_14 = arith.constant 62 : i32
    %scan3A_15 = arith.addi %scan3A_13, %scan3A_14 : i32
    %scan3A_16 = arith.constant 1 : i32
    scf.for %scan3A_31 = %scan3A_13 to %scan3A_15 step %scan3A_16  : i32 {
      %mul3A_32 = arith.constant 2 : i32
      %mul3A_33 = arith.muli %mul3A_32, %scan3A_31 : i32
      %add3A_34 = arith.constant 1 : i32
      %add3A_35 = arith.addi %mul3A_33, %add3A_34 : i32
      %mul3A_36 = arith.constant 80 : i32
      %mul3A_37 = arith.muli %add3A_35, %mul3A_36 : i32
      %dma_start3A_38 = tpu.memref_slice %arg7[%mul3A_37] : memref<10000xi32, #tpu.memory_space<vmem>> -> memref<80xi32, #tpu.memory_space<vmem>>
      %dma_start3A_39 = arith.constant 0 : i32
      %dma_start3A_40 = arith.constant 0 : i32
      %dma_start3A_41 = tpu.memref_slice %arg3[%dma_start3A_39, %dma_start3A_40] : memref<10000x128xf32, #tpu.memory_space<hbm>> -> memref<10000x128xf32, #tpu.memory_space<hbm>>
      tpu.enqueue_indirect_dma source(%dma_start3A_41 : memref<10000x128xf32, #tpu.memory_space<hbm>>) target(%arg11 : memref<80x128xf32, #tpu.memory_space<vmem>>) offsets(%dma_start3A_38 : memref<80xi32, #tpu.memory_space<vmem>>) semaphore(%arg15 : memref<!tpu.dma_semaphore, #tpu.memory_space<semaphore_mem>>)
      %mul3A_42 = arith.constant 80 : i32
      %mul3A_43 = arith.muli %mul3A_33, %mul3A_42 : i32
      %add3A_44 = arith.addi %mul3A_7, %mul3A_43 : i32
      "tpu.region"() ({
        %run_scoped3A = tpu.sem_alloc : memref<!tpu.dma_semaphore, #tpu.memory_space<semaphore_mem>>
        %dma_start3A_72 = tpu.memref_slice %arg5[%add3A_44] : memref<320000xi32, #tpu.memory_space<hbm>> -> memref<80xi32, #tpu.memory_space<hbm>>
        %dma_start3A_73 = tpu.memref_slice %arg5[%add3A_44] : memref<320000xi32, #tpu.memory_space<hbm>> -> memref<80xi32, #tpu.memory_space<hbm>>
        tpu.enqueue_dma source(%dma_start3A_73 : memref<80xi32, #tpu.memory_space<hbm>>) target(%arg8 : memref<80xi32, #tpu.memory_space<vmem>>) target_semaphore(%run_scoped3A : memref<!tpu.dma_semaphore, #tpu.memory_space<semaphore_mem>>)
        %dma_wait3A_74 = tpu.memref_slice %arg5[%add3A_44] : memref<320000xi32, #tpu.memory_space<hbm>> -> memref<80xi32, #tpu.memory_space<hbm>>
        %dma_wait3A_75 = tpu.memref_slice %arg5[%add3A_44] : memref<320000xi32, #tpu.memory_space<hbm>> -> memref<80xi32, #tpu.memory_space<hbm>>
        tpu.wait_dma2 semaphore(%run_scoped3A : memref<!tpu.dma_semaphore, #tpu.memory_space<semaphore_mem>>) src(%dma_wait3A_75 : memref<80xi32, #tpu.memory_space<hbm>>) dst(%arg8 : memref<80xi32, #tpu.memory_space<vmem>>)
        tpu.yield
      }) : () -> ()
      %mul3A_45 = arith.constant 80 : i32
      %mul3A_46 = arith.muli %mul3A_33, %mul3A_45 : i32
      %dma_wait3A_47 = tpu.memref_slice %arg7[%mul3A_46] : memref<10000xi32, #tpu.memory_space<vmem>> -> memref<80xi32, #tpu.memory_space<vmem>>
      %dma_wait3A_48 = arith.constant 0 : i32
      %dma_wait3A_49 = arith.constant 0 : i32
      %dma_wait3A_50 = tpu.memref_slice %arg3[%dma_wait3A_48, %dma_wait3A_49] : memref<10000x128xf32, #tpu.memory_space<hbm>> -> memref<10000x128xf32, #tpu.memory_space<hbm>>
      tpu.wait_indirect_dma semaphore(%arg14 : memref<!tpu.dma_semaphore, #tpu.memory_space<semaphore_mem>>) src(%dma_wait3A_50 : memref<10000x128xf32, #tpu.memory_space<hbm>>) dst(%arg10 : memref<80x128xf32, #tpu.memory_space<vmem>>)
      "tpu.region"() ({
        %run_scoped3A = tpu.sem_alloc : memref<!tpu.dma_semaphore, #tpu.memory_space<semaphore_mem>>
        %dma_start3A_72 = arith.constant 0 : i32
        %dma_start3A_73 = arith.constant 0 : i32
        %dma_start3A_74 = tpu.memref_slice %arg13[%dma_start3A_72, %dma_start3A_73] : memref<10240x128xf32, #tpu.memory_space<vmem_shared>> -> memref<10240x128xf32, #tpu.memory_space<vmem_shared>>
        tpu.enqueue_indirect_dma source(%arg10 : memref<80x128xf32, #tpu.memory_space<vmem>>) target(%dma_start3A_74 : memref<10240x128xf32, #tpu.memory_space<vmem_shared>>) offsets(%arg8 : memref<80xi32, #tpu.memory_space<vmem>>) semaphore(%run_scoped3A : memref<!tpu.dma_semaphore, #tpu.memory_space<semaphore_mem>>) {add = true}
        %dma_wait3A_75 = arith.constant 0 : i32
        %dma_wait3A_76 = arith.constant 0 : i32
        %dma_wait3A_77 = tpu.memref_slice %arg13[%dma_wait3A_75, %dma_wait3A_76] : memref<10240x128xf32, #tpu.memory_space<vmem_shared>> -> memref<10240x128xf32, #tpu.memory_space<vmem_shared>>
        tpu.wait_indirect_dma semaphore(%run_scoped3A : memref<!tpu.dma_semaphore, #tpu.memory_space<semaphore_mem>>) src(%arg10 : memref<80x128xf32, #tpu.memory_space<vmem>>) dst(%dma_wait3A_77 : memref<10240x128xf32, #tpu.memory_space<vmem_shared>>)
        tpu.yield
      }) : () -> ()
      %add3A_51 = arith.constant 2 : i32
      %add3A_52 = arith.addi %mul3A_33, %add3A_51 : i32
      %mul3A_53 = arith.constant 80 : i32
      %mul3A_54 = arith.muli %add3A_52, %mul3A_53 : i32
      %dma_start3A_55 = tpu.memref_slice %arg7[%mul3A_54] : memref<10000xi32, #tpu.memory_space<vmem>> -> memref<80xi32, #tpu.memory_space<vmem>>
      %dma_start3A_56 = arith.constant 0 : i32
      %dma_start3A_57 = arith.constant 0 : i32
      %dma_start3A_58 = tpu.memref_slice %arg3[%dma_start3A_56, %dma_start3A_57] : memref<10000x128xf32, #tpu.memory_space<hbm>> -> memref<10000x128xf32, #tpu.memory_space<hbm>>
      tpu.enqueue_indirect_dma source(%dma_start3A_58 : memref<10000x128xf32, #tpu.memory_space<hbm>>) target(%arg10 : memref<80x128xf32, #tpu.memory_space<vmem>>) offsets(%dma_start3A_55 : memref<80xi32, #tpu.memory_space<vmem>>) semaphore(%arg14 : memref<!tpu.dma_semaphore, #tpu.memory_space<semaphore_mem>>)
      %add3A_59 = arith.constant 1 : i32
      %add3A_60 = arith.addi %mul3A_33, %add3A_59 : i32
      %mul3A_61 = arith.constant 80 : i32
      %mul3A_62 = arith.muli %add3A_60, %mul3A_61 : i32
      %add3A_63 = arith.addi %mul3A_7, %mul3A_62 : i32
      "tpu.region"() ({
        %run_scoped3A = tpu.sem_alloc : memref<!tpu.dma_semaphore, #tpu.memory_space<semaphore_mem>>
        %dma_start3A_72 = tpu.memref_slice %arg5[%add3A_63] : memref<320000xi32, #tpu.memory_space<hbm>> -> memref<80xi32, #tpu.memory_space<hbm>>
        %dma_start3A_73 = tpu.memref_slice %arg5[%add3A_63] : memref<320000xi32, #tpu.memory_space<hbm>> -> memref<80xi32, #tpu.memory_space<hbm>>
        tpu.enqueue_dma source(%dma_start3A_73 : memref<80xi32, #tpu.memory_space<hbm>>) target(%arg9 : memref<80xi32, #tpu.memory_space<vmem>>) target_semaphore(%run_scoped3A : memref<!tpu.dma_semaphore, #tpu.memory_space<semaphore_mem>>)
        %dma_wait3A_74 = tpu.memref_slice %arg5[%add3A_63] : memref<320000xi32, #tpu.memory_space<hbm>> -> memref<80xi32, #tpu.memory_space<hbm>>
        %dma_wait3A_75 = tpu.memref_slice %arg5[%add3A_63] : memref<320000xi32, #tpu.memory_space<hbm>> -> memref<80xi32, #tpu.memory_space<hbm>>
        tpu.wait_dma2 semaphore(%run_scoped3A : memref<!tpu.dma_semaphore, #tpu.memory_space<semaphore_mem>>) src(%dma_wait3A_75 : memref<80xi32, #tpu.memory_space<hbm>>) dst(%arg9 : memref<80xi32, #tpu.memory_space<vmem>>)
        tpu.yield
      }) : () -> ()
      %add3A_64 = arith.constant 1 : i32
      %add3A_65 = arith.addi %mul3A_33, %add3A_64 : i32
      %mul3A_66 = arith.constant 80 : i32
      %mul3A_67 = arith.muli %add3A_65, %mul3A_66 : i32
      %dma_wait3A_68 = tpu.memref_slice %arg7[%mul3A_67] : memref<10000xi32, #tpu.memory_space<vmem>> -> memref<80xi32, #tpu.memory_space<vmem>>
      %dma_wait3A_69 = arith.constant 0 : i32
      %dma_wait3A_70 = arith.constant 0 : i32
      %dma_wait3A_71 = tpu.memref_slice %arg3[%dma_wait3A_69, %dma_wait3A_70] : memref<10000x128xf32, #tpu.memory_space<hbm>> -> memref<10000x128xf32, #tpu.memory_space<hbm>>
      tpu.wait_indirect_dma semaphore(%arg15 : memref<!tpu.dma_semaphore, #tpu.memory_space<semaphore_mem>>) src(%dma_wait3A_71 : memref<10000x128xf32, #tpu.memory_space<hbm>>) dst(%arg11 : memref<80x128xf32, #tpu.memory_space<vmem>>)
      "tpu.region"() ({
        %run_scoped3A = tpu.sem_alloc : memref<!tpu.dma_semaphore, #tpu.memory_space<semaphore_mem>>
        %dma_start3A_72 = arith.constant 0 : i32
        %dma_start3A_73 = arith.constant 0 : i32
        %dma_start3A_74 = tpu.memref_slice %arg13[%dma_start3A_72, %dma_start3A_73] : memref<10240x128xf32, #tpu.memory_space<vmem_shared>> -> memref<10240x128xf32, #tpu.memory_space<vmem_shared>>
        tpu.enqueue_indirect_dma source(%arg11 : memref<80x128xf32, #tpu.memory_space<vmem>>) target(%dma_start3A_74 : memref<10240x128xf32, #tpu.memory_space<vmem_shared>>) offsets(%arg9 : memref<80xi32, #tpu.memory_space<vmem>>) semaphore(%run_scoped3A : memref<!tpu.dma_semaphore, #tpu.memory_space<semaphore_mem>>) {add = true}
        %dma_wait3A_75 = arith.constant 0 : i32
        %dma_wait3A_76 = arith.constant 0 : i32
        %dma_wait3A_77 = tpu.memref_slice %arg13[%dma_wait3A_75, %dma_wait3A_76] : memref<10240x128xf32, #tpu.memory_space<vmem_shared>> -> memref<10240x128xf32, #tpu.memory_space<vmem_shared>>
        tpu.wait_indirect_dma semaphore(%run_scoped3A : memref<!tpu.dma_semaphore, #tpu.memory_space<semaphore_mem>>) src(%arg11 : memref<80x128xf32, #tpu.memory_space<vmem>>) dst(%dma_wait3A_77 : memref<10240x128xf32, #tpu.memory_space<vmem_shared>>)
        tpu.yield
      }) : () -> ()
    }
    %scan3A_17 = arith.constant 62 : i32
    %add3A_18 = arith.constant 9920 : i32
    %add3A_19 = arith.addi %mul3A_7, %add3A_18 : i32
    "tpu.region"() ({
      %run_scoped3A = tpu.sem_alloc : memref<!tpu.dma_semaphore, #tpu.memory_space<semaphore_mem>>
      %dma_start3A_31 = tpu.memref_slice %arg5[%add3A_19] : memref<320000xi32, #tpu.memory_space<hbm>> -> memref<80xi32, #tpu.memory_space<hbm>>
      %dma_start3A_32 = tpu.memref_slice %arg5[%add3A_19] : memref<320000xi32, #tpu.memory_space<hbm>> -> memref<80xi32, #tpu.memory_space<hbm>>
      tpu.enqueue_dma source(%dma_start3A_32 : memref<80xi32, #tpu.memory_space<hbm>>) target(%arg8 : memref<80xi32, #tpu.memory_space<vmem>>) target_semaphore(%run_scoped3A : memref<!tpu.dma_semaphore, #tpu.memory_space<semaphore_mem>>)
      %dma_wait3A_33 = tpu.memref_slice %arg5[%add3A_19] : memref<320000xi32, #tpu.memory_space<hbm>> -> memref<80xi32, #tpu.memory_space<hbm>>
      %dma_wait3A_34 = tpu.memref_slice %arg5[%add3A_19] : memref<320000xi32, #tpu.memory_space<hbm>> -> memref<80xi32, #tpu.memory_space<hbm>>
      tpu.wait_dma2 semaphore(%run_scoped3A : memref<!tpu.dma_semaphore, #tpu.memory_space<semaphore_mem>>) src(%dma_wait3A_34 : memref<80xi32, #tpu.memory_space<hbm>>) dst(%arg8 : memref<80xi32, #tpu.memory_space<vmem>>)
      tpu.yield
    }) : () -> ()
    %dma_wait3A = arith.constant 9920 : i32
    %dma_wait3A_20 = tpu.memref_slice %arg7[%dma_wait3A] : memref<10000xi32, #tpu.memory_space<vmem>> -> memref<80xi32, #tpu.memory_space<vmem>>
    %dma_wait3A_21 = arith.constant 0 : i32
    %dma_wait3A_22 = arith.constant 0 : i32
    %dma_wait3A_23 = tpu.memref_slice %arg3[%dma_wait3A_21, %dma_wait3A_22] : memref<10000x128xf32, #tpu.memory_space<hbm>> -> memref<10000x128xf32, #tpu.memory_space<hbm>>
    tpu.wait_indirect_dma semaphore(%arg14 : memref<!tpu.dma_semaphore, #tpu.memory_space<semaphore_mem>>) src(%dma_wait3A_23 : memref<10000x128xf32, #tpu.memory_space<hbm>>) dst(%arg10 : memref<80x128xf32, #tpu.memory_space<vmem>>)
    "tpu.region"() ({
      %run_scoped3A = tpu.sem_alloc : memref<!tpu.dma_semaphore, #tpu.memory_space<semaphore_mem>>
      %dma_start3A_31 = arith.constant 0 : i32
      %dma_start3A_32 = arith.constant 0 : i32
      %dma_start3A_33 = tpu.memref_slice %arg13[%dma_start3A_31, %dma_start3A_32] : memref<10240x128xf32, #tpu.memory_space<vmem_shared>> -> memref<10240x128xf32, #tpu.memory_space<vmem_shared>>
      tpu.enqueue_indirect_dma source(%arg10 : memref<80x128xf32, #tpu.memory_space<vmem>>) target(%dma_start3A_33 : memref<10240x128xf32, #tpu.memory_space<vmem_shared>>) offsets(%arg8 : memref<80xi32, #tpu.memory_space<vmem>>) semaphore(%run_scoped3A : memref<!tpu.dma_semaphore, #tpu.memory_space<semaphore_mem>>) {add = true}
      %dma_wait3A_34 = arith.constant 0 : i32
      %dma_wait3A_35 = arith.constant 0 : i32
      %dma_wait3A_36 = tpu.memref_slice %arg13[%dma_wait3A_34, %dma_wait3A_35] : memref<10240x128xf32, #tpu.memory_space<vmem_shared>> -> memref<10240x128xf32, #tpu.memory_space<vmem_shared>>
      tpu.wait_indirect_dma semaphore(%run_scoped3A : memref<!tpu.dma_semaphore, #tpu.memory_space<semaphore_mem>>) src(%arg10 : memref<80x128xf32, #tpu.memory_space<vmem>>) dst(%dma_wait3A_36 : memref<10240x128xf32, #tpu.memory_space<vmem_shared>>)
      tpu.yield
    }) : () -> ()
    %barrier3A_24 = arith.constant 0 : index
    tpu.barrier barrier_id(%barrier3A_24)
    %scan3A_25 = arith.constant 0 : i32
    %scan3A_26 = arith.constant 0 : i32
    %scan3A_27 = arith.constant 5 : i32
    %scan3A_28 = arith.addi %scan3A_26, %scan3A_27 : i32
    %scan3A_29 = arith.constant 1 : i32
    scf.for %scan3A_31 = %scan3A_26 to %scan3A_28 step %scan3A_29  : i32 {
      %mul3A_32 = arith.constant 640 : i32
      %mul3A_33 = arith.muli %arg1, %mul3A_32 : i32
      %mul3A_34 = arith.constant 128 : i32
      %mul3A_35 = arith.muli %scan3A_31, %mul3A_34 : i32
      %add3A_36 = arith.addi %mul3A_33, %mul3A_35 : i32
      "tpu.region"() ({
        %run_scoped3A = tpu.sem_alloc : memref<!tpu.dma_semaphore, #tpu.memory_space<semaphore_mem>>
        %dma_start3A_37 = arith.constant 0 : i32
        %dma_start3A_38 = tpu.memref_slice %arg13[%add3A_36, %dma_start3A_37] : memref<10240x128xf32, #tpu.memory_space<vmem_shared>> -> memref<128x128xf32, #tpu.memory_space<vmem_shared>>
        %dma_start3A_39 = arith.constant 0 : i32
        %dma_start3A_40 = tpu.memref_slice %arg13[%add3A_36, %dma_start3A_39] : memref<10240x128xf32, #tpu.memory_space<vmem_shared>> -> memref<128x128xf32, #tpu.memory_space<vmem_shared>>
        tpu.enqueue_dma source(%dma_start3A_40 : memref<128x128xf32, #tpu.memory_space<vmem_shared>>) target(%arg12 : memref<128x128xf32, #tpu.memory_space<vmem>>) target_semaphore(%run_scoped3A : memref<!tpu.dma_semaphore, #tpu.memory_space<semaphore_mem>>)
        %dma_wait3A_41 = arith.constant 0 : i32
        %dma_wait3A_42 = tpu.memref_slice %arg13[%add3A_36, %dma_wait3A_41] : memref<10240x128xf32, #tpu.memory_space<vmem_shared>> -> memref<128x128xf32, #tpu.memory_space<vmem_shared>>
        %dma_wait3A_43 = arith.constant 0 : i32
        %dma_wait3A_44 = tpu.memref_slice %arg13[%add3A_36, %dma_wait3A_43] : memref<10240x128xf32, #tpu.memory_space<vmem_shared>> -> memref<128x128xf32, #tpu.memory_space<vmem_shared>>
        tpu.wait_dma2 semaphore(%run_scoped3A : memref<!tpu.dma_semaphore, #tpu.memory_space<semaphore_mem>>) src(%dma_wait3A_44 : memref<128x128xf32, #tpu.memory_space<vmem_shared>>) dst(%arg12 : memref<128x128xf32, #tpu.memory_space<vmem>>)
        tpu.yield
      }) : () -> ()
      "tpu.region"() ({
        %run_scoped3A = tpu.sem_alloc : memref<!tpu.dma_semaphore, #tpu.memory_space<semaphore_mem>>
        %dma_start3A_37 = arith.constant 0 : i32
        %dma_start3A_38 = tpu.memref_slice %arg6[%arg0, %add3A_36, %dma_start3A_37] : memref<2x10240x128xf32, #tpu.memory_space<hbm>> -> memref<1x128x128xf32, #tpu.memory_space<hbm>>
        %dma_start3A_39 = tpu.memref_squeeze %dma_start3A_38 : memref<1x128x128xf32, #tpu.memory_space<hbm>> -> memref<128x128xf32, #tpu.memory_space<hbm>>
        %dma_start3A_40 = arith.constant 0 : i32
        %dma_start3A_41 = tpu.memref_slice %arg6[%arg0, %add3A_36, %dma_start3A_40] : memref<2x10240x128xf32, #tpu.memory_space<hbm>> -> memref<1x128x128xf32, #tpu.memory_space<hbm>>
        %dma_start3A_42 = tpu.memref_squeeze %dma_start3A_41 : memref<1x128x128xf32, #tpu.memory_space<hbm>> -> memref<128x128xf32, #tpu.memory_space<hbm>>
        tpu.enqueue_dma source(%arg12 : memref<128x128xf32, #tpu.memory_space<vmem>>) target(%dma_start3A_42 : memref<128x128xf32, #tpu.memory_space<hbm>>) target_semaphore(%run_scoped3A : memref<!tpu.dma_semaphore, #tpu.memory_space<semaphore_mem>>)
        %dma_wait3A_43 = arith.constant 0 : i32
        %dma_wait3A_44 = tpu.memref_slice %arg6[%arg0, %add3A_36, %dma_wait3A_43] : memref<2x10240x128xf32, #tpu.memory_space<hbm>> -> memref<1x128x128xf32, #tpu.memory_space<hbm>>
        %dma_wait3A_45 = tpu.memref_squeeze %dma_wait3A_44 : memref<1x128x128xf32, #tpu.memory_space<hbm>> -> memref<128x128xf32, #tpu.memory_space<hbm>>
        %dma_wait3A_46 = arith.constant 0 : i32
        %dma_wait3A_47 = tpu.memref_slice %arg6[%arg0, %add3A_36, %dma_wait3A_46] : memref<2x10240x128xf32, #tpu.memory_space<hbm>> -> memref<1x128x128xf32, #tpu.memory_space<hbm>>
        %dma_wait3A_48 = tpu.memref_squeeze %dma_wait3A_47 : memref<1x128x128xf32, #tpu.memory_space<hbm>> -> memref<128x128xf32, #tpu.memory_space<hbm>>
        tpu.wait_dma2 semaphore(%run_scoped3A : memref<!tpu.dma_semaphore, #tpu.memory_space<semaphore_mem>>) src(%arg12 : memref<128x128xf32, #tpu.memory_space<vmem>>) dst(%dma_wait3A_48 : memref<128x128xf32, #tpu.memory_space<hbm>>)
        tpu.yield
      }) : () -> ()
    }
    %scan3A_30 = arith.constant 5 : i32
    return
  }
}

#map = affine_map<(d0, d1) -> (0, 0)>
#map1 = affine_map<(d0, d1) -> (0)>
#map2 = affine_map<(d0, d1) -> (0, 0, 0)>
module attributes {stable_mosaic.version = 14 : i64} {
  func.func @_sc_agg(%arg0: i32, %arg1: i32, %arg2: memref<128x128xf32, #tpu.memory_space<hbm>>, %arg3: memref<10000x128xf32, #tpu.memory_space<hbm>>, %arg4: memref<320000xi32, #tpu.memory_space<hbm>>, %arg5: memref<320000xi32, #tpu.memory_space<hbm>>, %arg6: memref<2x10240x128xf32, #tpu.memory_space<hbm>>, %arg7: memref<10000xi32, #tpu.memory_space<vmem>>, %arg8: memref<80xi32, #tpu.memory_space<vmem>>, %arg9: memref<80xi32, #tpu.memory_space<vmem>>, %arg10: memref<80x128xf32, #tpu.memory_space<vmem>>, %arg11: memref<80x128xf32, #tpu.memory_space<vmem>>, %arg12: memref<128x128xf32, #tpu.memory_space<vmem>>, %arg13: memref<10240x128xf32, #tpu.memory_space<vmem_shared>>, %arg14: memref<!tpu.dma_semaphore, #tpu.memory_space<semaphore_mem>>, %arg15: memref<!tpu.dma_semaphore, #tpu.memory_space<semaphore_mem>>) attributes {dimension_semantics = [#tpu.dimension_semantics<core_parallel>, #tpu.dimension_semantics<subcore_parallel>], iteration_bounds = array<i64: 2, 16>, scalar_prefetch = 0 : i64, scratch_operands = 9 : i64, tpu.core_type = #tpu.core_type<sc_vector_subcore>, window_params = [{transform_indices = #map}, {transform_indices = #map}, {transform_indices = #map1}, {transform_indices = #map1}, {transform_indices = #map2}]} {
    %mul3A = arith.constant 2 : i32
    %mul3A_0 = arith.muli %arg1, %mul3A : i32
    %add3A = arith.addi %mul3A_0, %arg0 : i32
    "tpu.region"() ({
      %run_scoped3A = tpu.sem_alloc : memref<!tpu.dma_semaphore, #tpu.memory_space<semaphore_mem>>
      tpu.enqueue_dma source(%arg2 : memref<128x128xf32, #tpu.memory_space<hbm>>) target(%arg12 : memref<128x128xf32, #tpu.memory_space<vmem>>) target_semaphore(%run_scoped3A : memref<!tpu.dma_semaphore, #tpu.memory_space<semaphore_mem>>)
      tpu.wait_dma2 semaphore(%run_scoped3A : memref<!tpu.dma_semaphore, #tpu.memory_space<semaphore_mem>>) src(%arg2 : memref<128x128xf32, #tpu.memory_space<hbm>>) dst(%arg12 : memref<128x128xf32, #tpu.memory_space<vmem>>)
      tpu.yield
    }) : () -> ()
    %scan3A = arith.constant 0 : i32
    %scan3A_1 = arith.constant 0 : i32
    %scan3A_2 = arith.constant 5 : i32
    %scan3A_3 = arith.addi %scan3A_1, %scan3A_2 : i32
    %scan3A_4 = arith.constant 1 : i32
    scf.for %scan3A_31 = %scan3A_1 to %scan3A_3 step %scan3A_4  : i32 {
      %mul3A_32 = arith.constant 640 : i32
      %mul3A_33 = arith.muli %arg1, %mul3A_32 : i32
      %mul3A_34 = arith.constant 128 : i32
      %mul3A_35 = arith.muli %scan3A_31, %mul3A_34 : i32
      %add3A_36 = arith.addi %mul3A_33, %mul3A_35 : i32
      "tpu.region"() ({
        %run_scoped3A = tpu.sem_alloc : memref<!tpu.dma_semaphore, #tpu.memory_space<semaphore_mem>>
        %dma_start3A_37 = arith.constant 0 : i32
        %dma_start3A_38 = tpu.memref_slice %arg13[%add3A_36, %dma_start3A_37] : memref<10240x128xf32, #tpu.memory_space<vmem_shared>> -> memref<128x128xf32, #tpu.memory_space<vmem_shared>>
        %dma_start3A_39 = arith.constant 0 : i32
        %dma_start3A_40 = tpu.memref_slice %arg13[%add3A_36, %dma_start3A_39] : memref<10240x128xf32, #tpu.memory_space<vmem_shared>> -> memref<128x128xf32, #tpu.memory_space<vmem_shared>>
        tpu.enqueue_dma source(%arg12 : memref<128x128xf32, #tpu.memory_space<vmem>>) target(%dma_start3A_40 : memref<128x128xf32, #tpu.memory_space<vmem_shared>>) target_semaphore(%run_scoped3A : memref<!tpu.dma_semaphore, #tpu.memory_space<semaphore_mem>>)
        %dma_wait3A_41 = arith.constant 0 : i32
        %dma_wait3A_42 = tpu.memref_slice %arg13[%add3A_36, %dma_wait3A_41] : memref<10240x128xf32, #tpu.memory_space<vmem_shared>> -> memref<128x128xf32, #tpu.memory_space<vmem_shared>>
        %dma_wait3A_43 = arith.constant 0 : i32
        %dma_wait3A_44 = tpu.memref_slice %arg13[%add3A_36, %dma_wait3A_43] : memref<10240x128xf32, #tpu.memory_space<vmem_shared>> -> memref<128x128xf32, #tpu.memory_space<vmem_shared>>
        tpu.wait_dma2 semaphore(%run_scoped3A : memref<!tpu.dma_semaphore, #tpu.memory_space<semaphore_mem>>) src(%arg12 : memref<128x128xf32, #tpu.memory_space<vmem>>) dst(%dma_wait3A_44 : memref<128x128xf32, #tpu.memory_space<vmem_shared>>)
        tpu.yield
      }) : () -> ()
    }
    %scan3A_5 = arith.constant 5 : i32
    %mul3A_6 = arith.constant 10000 : i32
    %mul3A_7 = arith.muli %add3A, %mul3A_6 : i32
    "tpu.region"() ({
      %run_scoped3A = tpu.sem_alloc : memref<!tpu.dma_semaphore, #tpu.memory_space<semaphore_mem>>
      %dma_start3A_31 = tpu.memref_slice %arg4[%mul3A_7] : memref<320000xi32, #tpu.memory_space<hbm>> -> memref<10000xi32, #tpu.memory_space<hbm>>
      %dma_start3A_32 = tpu.memref_slice %arg4[%mul3A_7] : memref<320000xi32, #tpu.memory_space<hbm>> -> memref<10000xi32, #tpu.memory_space<hbm>>
      tpu.enqueue_dma source(%dma_start3A_32 : memref<10000xi32, #tpu.memory_space<hbm>>) target(%arg7 : memref<10000xi32, #tpu.memory_space<vmem>>) target_semaphore(%run_scoped3A : memref<!tpu.dma_semaphore, #tpu.memory_space<semaphore_mem>>)
      %dma_wait3A_33 = tpu.memref_slice %arg4[%mul3A_7] : memref<320000xi32, #tpu.memory_space<hbm>> -> memref<10000xi32, #tpu.memory_space<hbm>>
      %dma_wait3A_34 = tpu.memref_slice %arg4[%mul3A_7] : memref<320000xi32, #tpu.memory_space<hbm>> -> memref<10000xi32, #tpu.memory_space<hbm>>
      tpu.wait_dma2 semaphore(%run_scoped3A : memref<!tpu.dma_semaphore, #tpu.memory_space<semaphore_mem>>) src(%dma_wait3A_34 : memref<10000xi32, #tpu.memory_space<hbm>>) dst(%arg7 : memref<10000xi32, #tpu.memory_space<vmem>>)
      tpu.yield
    }) : () -> ()
    %barrier3A = arith.constant 0 : index
    tpu.barrier barrier_id(%barrier3A)
    %dma_start3A = arith.constant 0 : i32
    %dma_start3A_8 = tpu.memref_slice %arg7[%dma_start3A] : memref<10000xi32, #tpu.memory_space<vmem>> -> memref<80xi32, #tpu.memory_space<vmem>>
    %dma_start3A_9 = arith.constant 0 : i32
    %dma_start3A_10 = arith.constant 0 : i32
    %dma_start3A_11 = tpu.memref_slice %arg3[%dma_start3A_9, %dma_start3A_10] : memref<10000x128xf32, #tpu.memory_space<hbm>> -> memref<10000x128xf32, #tpu.memory_space<hbm>>
    tpu.enqueue_indirect_dma source(%dma_start3A_11 : memref<10000x128xf32, #tpu.memory_space<hbm>>) target(%arg10 : memref<80x128xf32, #tpu.memory_space<vmem>>) offsets(%dma_start3A_8 : memref<80xi32, #tpu.memory_space<vmem>>) semaphore(%arg14 : memref<!tpu.dma_semaphore, #tpu.memory_space<semaphore_mem>>)
    %scan3A_12 = arith.constant 0 : i32
    %scan3A_13 = arith.constant 0 : i32
    %scan3A_14 = arith.constant 62 : i32
    %scan3A_15 = arith.addi %scan3A_13, %scan3A_14 : i32
    %scan3A_16 = arith.constant 1 : i32
    scf.for %scan3A_31 = %scan3A_13 to %scan3A_15 step %scan3A_16  : i32 {
      %mul3A_32 = arith.constant 2 : i32
      %mul3A_33 = arith.muli %mul3A_32, %scan3A_31 : i32
      %add3A_34 = arith.constant 1 : i32
      %add3A_35 = arith.addi %mul3A_33, %add3A_34 : i32
      %mul3A_36 = arith.constant 80 : i32
      %mul3A_37 = arith.muli %add3A_35, %mul3A_36 : i32
      %dma_start3A_38 = tpu.memref_slice %arg7[%mul3A_37] : memref<10000xi32, #tpu.memory_space<vmem>> -> memref<80xi32, #tpu.memory_space<vmem>>
      %dma_start3A_39 = arith.constant 0 : i32
      %dma_start3A_40 = arith.constant 0 : i32
      %dma_start3A_41 = tpu.memref_slice %arg3[%dma_start3A_39, %dma_start3A_40] : memref<10000x128xf32, #tpu.memory_space<hbm>> -> memref<10000x128xf32, #tpu.memory_space<hbm>>
      tpu.enqueue_indirect_dma source(%dma_start3A_41 : memref<10000x128xf32, #tpu.memory_space<hbm>>) target(%arg11 : memref<80x128xf32, #tpu.memory_space<vmem>>) offsets(%dma_start3A_38 : memref<80xi32, #tpu.memory_space<vmem>>) semaphore(%arg15 : memref<!tpu.dma_semaphore, #tpu.memory_space<semaphore_mem>>)
      %mul3A_42 = arith.constant 80 : i32
      %mul3A_43 = arith.muli %mul3A_33, %mul3A_42 : i32
      %add3A_44 = arith.addi %mul3A_7, %mul3A_43 : i32
      "tpu.region"() ({
        %run_scoped3A = tpu.sem_alloc : memref<!tpu.dma_semaphore, #tpu.memory_space<semaphore_mem>>
        %dma_start3A_72 = tpu.memref_slice %arg5[%add3A_44] : memref<320000xi32, #tpu.memory_space<hbm>> -> memref<80xi32, #tpu.memory_space<hbm>>
        %dma_start3A_73 = tpu.memref_slice %arg5[%add3A_44] : memref<320000xi32, #tpu.memory_space<hbm>> -> memref<80xi32, #tpu.memory_space<hbm>>
        tpu.enqueue_dma source(%dma_start3A_73 : memref<80xi32, #tpu.memory_space<hbm>>) target(%arg8 : memref<80xi32, #tpu.memory_space<vmem>>) target_semaphore(%run_scoped3A : memref<!tpu.dma_semaphore, #tpu.memory_space<semaphore_mem>>)
        %dma_wait3A_74 = tpu.memref_slice %arg5[%add3A_44] : memref<320000xi32, #tpu.memory_space<hbm>> -> memref<80xi32, #tpu.memory_space<hbm>>
        %dma_wait3A_75 = tpu.memref_slice %arg5[%add3A_44] : memref<320000xi32, #tpu.memory_space<hbm>> -> memref<80xi32, #tpu.memory_space<hbm>>
        tpu.wait_dma2 semaphore(%run_scoped3A : memref<!tpu.dma_semaphore, #tpu.memory_space<semaphore_mem>>) src(%dma_wait3A_75 : memref<80xi32, #tpu.memory_space<hbm>>) dst(%arg8 : memref<80xi32, #tpu.memory_space<vmem>>)
        tpu.yield
      }) : () -> ()
      %mul3A_45 = arith.constant 80 : i32
      %mul3A_46 = arith.muli %mul3A_33, %mul3A_45 : i32
      %dma_wait3A_47 = tpu.memref_slice %arg7[%mul3A_46] : memref<10000xi32, #tpu.memory_space<vmem>> -> memref<80xi32, #tpu.memory_space<vmem>>
      %dma_wait3A_48 = arith.constant 0 : i32
      %dma_wait3A_49 = arith.constant 0 : i32
      %dma_wait3A_50 = tpu.memref_slice %arg3[%dma_wait3A_48, %dma_wait3A_49] : memref<10000x128xf32, #tpu.memory_space<hbm>> -> memref<10000x128xf32, #tpu.memory_space<hbm>>
      tpu.wait_indirect_dma semaphore(%arg14 : memref<!tpu.dma_semaphore, #tpu.memory_space<semaphore_mem>>) src(%dma_wait3A_50 : memref<10000x128xf32, #tpu.memory_space<hbm>>) dst(%arg10 : memref<80x128xf32, #tpu.memory_space<vmem>>)
      "tpu.region"() ({
        %run_scoped3A = tpu.sem_alloc : memref<!tpu.dma_semaphore, #tpu.memory_space<semaphore_mem>>
        %dma_start3A_72 = arith.constant 0 : i32
        %dma_start3A_73 = arith.constant 0 : i32
        %dma_start3A_74 = tpu.memref_slice %arg13[%dma_start3A_72, %dma_start3A_73] : memref<10240x128xf32, #tpu.memory_space<vmem_shared>> -> memref<10240x128xf32, #tpu.memory_space<vmem_shared>>
        tpu.enqueue_indirect_dma source(%arg10 : memref<80x128xf32, #tpu.memory_space<vmem>>) target(%dma_start3A_74 : memref<10240x128xf32, #tpu.memory_space<vmem_shared>>) offsets(%arg8 : memref<80xi32, #tpu.memory_space<vmem>>) semaphore(%run_scoped3A : memref<!tpu.dma_semaphore, #tpu.memory_space<semaphore_mem>>) {add = true}
        %dma_wait3A_75 = arith.constant 0 : i32
        %dma_wait3A_76 = arith.constant 0 : i32
        %dma_wait3A_77 = tpu.memref_slice %arg13[%dma_wait3A_75, %dma_wait3A_76] : memref<10240x128xf32, #tpu.memory_space<vmem_shared>> -> memref<10240x128xf32, #tpu.memory_space<vmem_shared>>
        tpu.wait_indirect_dma semaphore(%run_scoped3A : memref<!tpu.dma_semaphore, #tpu.memory_space<semaphore_mem>>) src(%arg10 : memref<80x128xf32, #tpu.memory_space<vmem>>) dst(%dma_wait3A_77 : memref<10240x128xf32, #tpu.memory_space<vmem_shared>>)
        tpu.yield
      }) : () -> ()
      %add3A_51 = arith.constant 2 : i32
      %add3A_52 = arith.addi %mul3A_33, %add3A_51 : i32
      %mul3A_53 = arith.constant 80 : i32
      %mul3A_54 = arith.muli %add3A_52, %mul3A_53 : i32
      %dma_start3A_55 = tpu.memref_slice %arg7[%mul3A_54] : memref<10000xi32, #tpu.memory_space<vmem>> -> memref<80xi32, #tpu.memory_space<vmem>>
      %dma_start3A_56 = arith.constant 0 : i32
      %dma_start3A_57 = arith.constant 0 : i32
      %dma_start3A_58 = tpu.memref_slice %arg3[%dma_start3A_56, %dma_start3A_57] : memref<10000x128xf32, #tpu.memory_space<hbm>> -> memref<10000x128xf32, #tpu.memory_space<hbm>>
      tpu.enqueue_indirect_dma source(%dma_start3A_58 : memref<10000x128xf32, #tpu.memory_space<hbm>>) target(%arg10 : memref<80x128xf32, #tpu.memory_space<vmem>>) offsets(%dma_start3A_55 : memref<80xi32, #tpu.memory_space<vmem>>) semaphore(%arg14 : memref<!tpu.dma_semaphore, #tpu.memory_space<semaphore_mem>>)
      %add3A_59 = arith.constant 1 : i32
      %add3A_60 = arith.addi %mul3A_33, %add3A_59 : i32
      %mul3A_61 = arith.constant 80 : i32
      %mul3A_62 = arith.muli %add3A_60, %mul3A_61 : i32
      %add3A_63 = arith.addi %mul3A_7, %mul3A_62 : i32
      "tpu.region"() ({
        %run_scoped3A = tpu.sem_alloc : memref<!tpu.dma_semaphore, #tpu.memory_space<semaphore_mem>>
        %dma_start3A_72 = tpu.memref_slice %arg5[%add3A_63] : memref<320000xi32, #tpu.memory_space<hbm>> -> memref<80xi32, #tpu.memory_space<hbm>>
        %dma_start3A_73 = tpu.memref_slice %arg5[%add3A_63] : memref<320000xi32, #tpu.memory_space<hbm>> -> memref<80xi32, #tpu.memory_space<hbm>>
        tpu.enqueue_dma source(%dma_start3A_73 : memref<80xi32, #tpu.memory_space<hbm>>) target(%arg9 : memref<80xi32, #tpu.memory_space<vmem>>) target_semaphore(%run_scoped3A : memref<!tpu.dma_semaphore, #tpu.memory_space<semaphore_mem>>)
        %dma_wait3A_74 = tpu.memref_slice %arg5[%add3A_63] : memref<320000xi32, #tpu.memory_space<hbm>> -> memref<80xi32, #tpu.memory_space<hbm>>
        %dma_wait3A_75 = tpu.memref_slice %arg5[%add3A_63] : memref<320000xi32, #tpu.memory_space<hbm>> -> memref<80xi32, #tpu.memory_space<hbm>>
        tpu.wait_dma2 semaphore(%run_scoped3A : memref<!tpu.dma_semaphore, #tpu.memory_space<semaphore_mem>>) src(%dma_wait3A_75 : memref<80xi32, #tpu.memory_space<hbm>>) dst(%arg9 : memref<80xi32, #tpu.memory_space<vmem>>)
        tpu.yield
      }) : () -> ()
      %add3A_64 = arith.constant 1 : i32
      %add3A_65 = arith.addi %mul3A_33, %add3A_64 : i32
      %mul3A_66 = arith.constant 80 : i32
      %mul3A_67 = arith.muli %add3A_65, %mul3A_66 : i32
      %dma_wait3A_68 = tpu.memref_slice %arg7[%mul3A_67] : memref<10000xi32, #tpu.memory_space<vmem>> -> memref<80xi32, #tpu.memory_space<vmem>>
      %dma_wait3A_69 = arith.constant 0 : i32
      %dma_wait3A_70 = arith.constant 0 : i32
      %dma_wait3A_71 = tpu.memref_slice %arg3[%dma_wait3A_69, %dma_wait3A_70] : memref<10000x128xf32, #tpu.memory_space<hbm>> -> memref<10000x128xf32, #tpu.memory_space<hbm>>
      tpu.wait_indirect_dma semaphore(%arg15 : memref<!tpu.dma_semaphore, #tpu.memory_space<semaphore_mem>>) src(%dma_wait3A_71 : memref<10000x128xf32, #tpu.memory_space<hbm>>) dst(%arg11 : memref<80x128xf32, #tpu.memory_space<vmem>>)
      "tpu.region"() ({
        %run_scoped3A = tpu.sem_alloc : memref<!tpu.dma_semaphore, #tpu.memory_space<semaphore_mem>>
        %dma_start3A_72 = arith.constant 0 : i32
        %dma_start3A_73 = arith.constant 0 : i32
        %dma_start3A_74 = tpu.memref_slice %arg13[%dma_start3A_72, %dma_start3A_73] : memref<10240x128xf32, #tpu.memory_space<vmem_shared>> -> memref<10240x128xf32, #tpu.memory_space<vmem_shared>>
        tpu.enqueue_indirect_dma source(%arg11 : memref<80x128xf32, #tpu.memory_space<vmem>>) target(%dma_start3A_74 : memref<10240x128xf32, #tpu.memory_space<vmem_shared>>) offsets(%arg9 : memref<80xi32, #tpu.memory_space<vmem>>) semaphore(%run_scoped3A : memref<!tpu.dma_semaphore, #tpu.memory_space<semaphore_mem>>) {add = true}
        %dma_wait3A_75 = arith.constant 0 : i32
        %dma_wait3A_76 = arith.constant 0 : i32
        %dma_wait3A_77 = tpu.memref_slice %arg13[%dma_wait3A_75, %dma_wait3A_76] : memref<10240x128xf32, #tpu.memory_space<vmem_shared>> -> memref<10240x128xf32, #tpu.memory_space<vmem_shared>>
        tpu.wait_indirect_dma semaphore(%run_scoped3A : memref<!tpu.dma_semaphore, #tpu.memory_space<semaphore_mem>>) src(%arg11 : memref<80x128xf32, #tpu.memory_space<vmem>>) dst(%dma_wait3A_77 : memref<10240x128xf32, #tpu.memory_space<vmem_shared>>)
        tpu.yield
      }) : () -> ()
    }
    %scan3A_17 = arith.constant 62 : i32
    %add3A_18 = arith.constant 9920 : i32
    %add3A_19 = arith.addi %mul3A_7, %add3A_18 : i32
    "tpu.region"() ({
      %run_scoped3A = tpu.sem_alloc : memref<!tpu.dma_semaphore, #tpu.memory_space<semaphore_mem>>
      %dma_start3A_31 = tpu.memref_slice %arg5[%add3A_19] : memref<320000xi32, #tpu.memory_space<hbm>> -> memref<80xi32, #tpu.memory_space<hbm>>
      %dma_start3A_32 = tpu.memref_slice %arg5[%add3A_19] : memref<320000xi32, #tpu.memory_space<hbm>> -> memref<80xi32, #tpu.memory_space<hbm>>
      tpu.enqueue_dma source(%dma_start3A_32 : memref<80xi32, #tpu.memory_space<hbm>>) target(%arg8 : memref<80xi32, #tpu.memory_space<vmem>>) target_semaphore(%run_scoped3A : memref<!tpu.dma_semaphore, #tpu.memory_space<semaphore_mem>>)
      %dma_wait3A_33 = tpu.memref_slice %arg5[%add3A_19] : memref<320000xi32, #tpu.memory_space<hbm>> -> memref<80xi32, #tpu.memory_space<hbm>>
      %dma_wait3A_34 = tpu.memref_slice %arg5[%add3A_19] : memref<320000xi32, #tpu.memory_space<hbm>> -> memref<80xi32, #tpu.memory_space<hbm>>
      tpu.wait_dma2 semaphore(%run_scoped3A : memref<!tpu.dma_semaphore, #tpu.memory_space<semaphore_mem>>) src(%dma_wait3A_34 : memref<80xi32, #tpu.memory_space<hbm>>) dst(%arg8 : memref<80xi32, #tpu.memory_space<vmem>>)
      tpu.yield
    }) : () -> ()
    %dma_wait3A = arith.constant 9920 : i32
    %dma_wait3A_20 = tpu.memref_slice %arg7[%dma_wait3A] : memref<10000xi32, #tpu.memory_space<vmem>> -> memref<80xi32, #tpu.memory_space<vmem>>
    %dma_wait3A_21 = arith.constant 0 : i32
    %dma_wait3A_22 = arith.constant 0 : i32
    %dma_wait3A_23 = tpu.memref_slice %arg3[%dma_wait3A_21, %dma_wait3A_22] : memref<10000x128xf32, #tpu.memory_space<hbm>> -> memref<10000x128xf32, #tpu.memory_space<hbm>>
    tpu.wait_indirect_dma semaphore(%arg14 : memref<!tpu.dma_semaphore, #tpu.memory_space<semaphore_mem>>) src(%dma_wait3A_23 : memref<10000x128xf32, #tpu.memory_space<hbm>>) dst(%arg10 : memref<80x128xf32, #tpu.memory_space<vmem>>)
    "tpu.region"() ({
      %run_scoped3A = tpu.sem_alloc : memref<!tpu.dma_semaphore, #tpu.memory_space<semaphore_mem>>
      %dma_start3A_31 = arith.constant 0 : i32
      %dma_start3A_32 = arith.constant 0 : i32
      %dma_start3A_33 = tpu.memref_slice %arg13[%dma_start3A_31, %dma_start3A_32] : memref<10240x128xf32, #tpu.memory_space<vmem_shared>> -> memref<10240x128xf32, #tpu.memory_space<vmem_shared>>
      tpu.enqueue_indirect_dma source(%arg10 : memref<80x128xf32, #tpu.memory_space<vmem>>) target(%dma_start3A_33 : memref<10240x128xf32, #tpu.memory_space<vmem_shared>>) offsets(%arg8 : memref<80xi32, #tpu.memory_space<vmem>>) semaphore(%run_scoped3A : memref<!tpu.dma_semaphore, #tpu.memory_space<semaphore_mem>>) {add = true}
      %dma_wait3A_34 = arith.constant 0 : i32
      %dma_wait3A_35 = arith.constant 0 : i32
      %dma_wait3A_36 = tpu.memref_slice %arg13[%dma_wait3A_34, %dma_wait3A_35] : memref<10240x128xf32, #tpu.memory_space<vmem_shared>> -> memref<10240x128xf32, #tpu.memory_space<vmem_shared>>
      tpu.wait_indirect_dma semaphore(%run_scoped3A : memref<!tpu.dma_semaphore, #tpu.memory_space<semaphore_mem>>) src(%arg10 : memref<80x128xf32, #tpu.memory_space<vmem>>) dst(%dma_wait3A_36 : memref<10240x128xf32, #tpu.memory_space<vmem_shared>>)
      tpu.yield
    }) : () -> ()
    %barrier3A_24 = arith.constant 0 : index
    tpu.barrier barrier_id(%barrier3A_24)
    %scan3A_25 = arith.constant 0 : i32
    %scan3A_26 = arith.constant 0 : i32
    %scan3A_27 = arith.constant 5 : i32
    %scan3A_28 = arith.addi %scan3A_26, %scan3A_27 : i32
    %scan3A_29 = arith.constant 1 : i32
    scf.for %scan3A_31 = %scan3A_26 to %scan3A_28 step %scan3A_29  : i32 {
      %mul3A_32 = arith.constant 640 : i32
      %mul3A_33 = arith.muli %arg1, %mul3A_32 : i32
      %mul3A_34 = arith.constant 128 : i32
      %mul3A_35 = arith.muli %scan3A_31, %mul3A_34 : i32
      %add3A_36 = arith.addi %mul3A_33, %mul3A_35 : i32
      "tpu.region"() ({
        %run_scoped3A = tpu.sem_alloc : memref<!tpu.dma_semaphore, #tpu.memory_space<semaphore_mem>>
        %dma_start3A_37 = arith.constant 0 : i32
        %dma_start3A_38 = tpu.memref_slice %arg13[%add3A_36, %dma_start3A_37] : memref<10240x128xf32, #tpu.memory_space<vmem_shared>> -> memref<128x128xf32, #tpu.memory_space<vmem_shared>>
        %dma_start3A_39 = arith.constant 0 : i32
        %dma_start3A_40 = tpu.memref_slice %arg13[%add3A_36, %dma_start3A_39] : memref<10240x128xf32, #tpu.memory_space<vmem_shared>> -> memref<128x128xf32, #tpu.memory_space<vmem_shared>>
        tpu.enqueue_dma source(%dma_start3A_40 : memref<128x128xf32, #tpu.memory_space<vmem_shared>>) target(%arg12 : memref<128x128xf32, #tpu.memory_space<vmem>>) target_semaphore(%run_scoped3A : memref<!tpu.dma_semaphore, #tpu.memory_space<semaphore_mem>>)
        %dma_wait3A_41 = arith.constant 0 : i32
        %dma_wait3A_42 = tpu.memref_slice %arg13[%add3A_36, %dma_wait3A_41] : memref<10240x128xf32, #tpu.memory_space<vmem_shared>> -> memref<128x128xf32, #tpu.memory_space<vmem_shared>>
        %dma_wait3A_43 = arith.constant 0 : i32
        %dma_wait3A_44 = tpu.memref_slice %arg13[%add3A_36, %dma_wait3A_43] : memref<10240x128xf32, #tpu.memory_space<vmem_shared>> -> memref<128x128xf32, #tpu.memory_space<vmem_shared>>
        tpu.wait_dma2 semaphore(%run_scoped3A : memref<!tpu.dma_semaphore, #tpu.memory_space<semaphore_mem>>) src(%dma_wait3A_44 : memref<128x128xf32, #tpu.memory_space<vmem_shared>>) dst(%arg12 : memref<128x128xf32, #tpu.memory_space<vmem>>)
        tpu.yield
      }) : () -> ()
      "tpu.region"() ({
        %run_scoped3A = tpu.sem_alloc : memref<!tpu.dma_semaphore, #tpu.memory_space<semaphore_mem>>
        %dma_start3A_37 = arith.constant 0 : i32
        %dma_start3A_38 = tpu.memref_slice %arg6[%arg0, %add3A_36, %dma_start3A_37] : memref<2x10240x128xf32, #tpu.memory_space<hbm>> -> memref<1x128x128xf32, #tpu.memory_space<hbm>>
        %dma_start3A_39 = tpu.memref_squeeze %dma_start3A_38 : memref<1x128x128xf32, #tpu.memory_space<hbm>> -> memref<128x128xf32, #tpu.memory_space<hbm>>
        %dma_start3A_40 = arith.constant 0 : i32
        %dma_start3A_41 = tpu.memref_slice %arg6[%arg0, %add3A_36, %dma_start3A_40] : memref<2x10240x128xf32, #tpu.memory_space<hbm>> -> memref<1x128x128xf32, #tpu.memory_space<hbm>>
        %dma_start3A_42 = tpu.memref_squeeze %dma_start3A_41 : memref<1x128x128xf32, #tpu.memory_space<hbm>> -> memref<128x128xf32, #tpu.memory_space<hbm>>
        tpu.enqueue_dma source(%arg12 : memref<128x128xf32, #tpu.memory_space<vmem>>) target(%dma_start3A_42 : memref<128x128xf32, #tpu.memory_space<hbm>>) target_semaphore(%run_scoped3A : memref<!tpu.dma_semaphore, #tpu.memory_space<semaphore_mem>>)
        %dma_wait3A_43 = arith.constant 0 : i32
        %dma_wait3A_44 = tpu.memref_slice %arg6[%arg0, %add3A_36, %dma_wait3A_43] : memref<2x10240x128xf32, #tpu.memory_space<hbm>> -> memref<1x128x128xf32, #tpu.memory_space<hbm>>
        %dma_wait3A_45 = tpu.memref_squeeze %dma_wait3A_44 : memref<1x128x128xf32, #tpu.memory_space<hbm>> -> memref<128x128xf32, #tpu.memory_space<hbm>>
        %dma_wait3A_46 = arith.constant 0 : i32
        %dma_wait3A_47 = tpu.memref_slice %arg6[%arg0, %add3A_36, %dma_wait3A_46] : memref<2x10240x128xf32, #tpu.memory_space<hbm>> -> memref<1x128x128xf32, #tpu.memory_space<hbm>>
        %dma_wait3A_48 = tpu.memref_squeeze %dma_wait3A_47 : memref<1x128x128xf32, #tpu.memory_space<hbm>> -> memref<128x128xf32, #tpu.memory_space<hbm>>
        tpu.wait_dma2 semaphore(%run_scoped3A : memref<!tpu.dma_semaphore, #tpu.memory_space<semaphore_mem>>) src(%arg12 : memref<128x128xf32, #tpu.memory_space<vmem>>) dst(%dma_wait3A_48 : memref<128x128xf32, #tpu.memory_space<hbm>>)
        tpu.yield
      }) : () -> ()
    }
    %scan3A_30 = arith.constant 5 : i32
    return
  }
}

module attributes {stable_mosaic.version = 14 : i64} {
  func.func @_pre_body(%arg0: i32, %arg1: memref<1000x128xf32, #tpu.memory_space<vmem>>, %arg2: memref<128x128xf32, #tpu.memory_space<vmem>>, %arg3: memref<1x128xf32, #tpu.memory_space<vmem>>, %arg4: memref<128x128xf32, #tpu.memory_space<vmem>>, %arg5: memref<1x128xf32, #tpu.memory_space<vmem>>, %arg6: memref<128x128xf32, #tpu.memory_space<vmem>>, %arg7: memref<2x1000x128xf32, #tpu.memory_space<vmem>>, %arg8: memref<1000x128xf32, #tpu.memory_space<vmem>>, %arg9: memref<1000x1xf32, #tpu.memory_space<vmem>>) attributes {dimension_semantics = [#tpu.dimension_semantics<arbitrary>], iteration_bounds = array<i64: 10>, scalar_prefetch = 0 : i64, scratch_operands = 0 : i64, tpu.core_type = #tpu.core_type<tc>, window_params = [{transform_indices = @transform_0, window_bounds = array<i64: 1000, 128>}, {pipeline_mode = #tpu.pipeline_mode<synchronous>, transform_indices = @transform_1, window_bounds = array<i64: 128, 128>}, {pipeline_mode = #tpu.pipeline_mode<synchronous>, transform_indices = @transform_2, window_bounds = array<i64: 1, 128>}, {pipeline_mode = #tpu.pipeline_mode<synchronous>, transform_indices = @transform_3, window_bounds = array<i64: 128, 128>}, {pipeline_mode = #tpu.pipeline_mode<synchronous>, transform_indices = @transform_4, window_bounds = array<i64: 1, 128>}, {pipeline_mode = #tpu.pipeline_mode<synchronous>, transform_indices = @transform_5, window_bounds = array<i64: 128, 128>}, {transform_indices = @transform_6, window_bounds = array<i64: 2, 1000, 128>}, {transform_indices = @transform_7, window_bounds = array<i64: 1000, 128>}, {transform_indices = @transform_8, window_bounds = array<i64: 1000, 1>}]} {
    %get3A = arith.constant 0 : index
    %get3A_0 = arith.constant 0 : index
    %get3A_1 = arith.constant 0 : index
    %get3A_2 = vector.load %arg7[%get3A, %get3A_0, %get3A_1] : memref<2x1000x128xf32, #tpu.memory_space<vmem>>, vector<1x1000x1xf32>
    %get3A_3 = vector.shape_cast %get3A_2 : vector<1x1000x1xf32> to vector<1000xf32>
    %get3A_4 = arith.constant 1 : index
    %get3A_5 = arith.constant 0 : index
    %get3A_6 = arith.constant 0 : index
    %get3A_7 = vector.load %arg7[%get3A_4, %get3A_5, %get3A_6] : memref<2x1000x128xf32, #tpu.memory_space<vmem>>, vector<1x1000x1xf32>
    %get3A_8 = vector.shape_cast %get3A_7 : vector<1x1000x1xf32> to vector<1000xf32>
    %add3A = arith.addf %get3A_3, %get3A_8 : vector<1000xf32>
    %add3A_9 = arith.constant 1.000000e+00 : f32
    %add3A_10 = vector.broadcast %add3A_9 : f32 to vector<1000xf32>
    %add3A_11 = arith.addf %add3A, %add3A_10 : vector<1000xf32>
    %rsqrt3A = math.rsqrt %add3A_11 : vector<1000xf32>
    %broadcast_in_dim3A = vector.shape_cast %rsqrt3A : vector<1000xf32> to vector<1000x1xf32>
    %get3A_12 = arith.constant 0 : index
    %get3A_13 = arith.constant 0 : index
    %get3A_14 = vector.load %arg1[%get3A_12, %get3A_13] : memref<1000x128xf32, #tpu.memory_space<vmem>>, vector<1000x128xf32>
    %get3A_15 = arith.constant 0 : index
    %get3A_16 = arith.constant 0 : index
    %get3A_17 = vector.load %arg2[%get3A_15, %get3A_16] : memref<128x128xf32, #tpu.memory_space<vmem>>, vector<128x128xf32>
    %dot_general3A = arith.constant dense<0.000000e+00> : vector<1000x128xf32>
    %dot_general3A_18 = tpu.matmul %get3A_14, %get3A_17, %dot_general3A {dimension_numbers = #tpu.dot_dimension_numbers<[1], [0], [0], [1], [0, 0, 1, 1], [], []>, transpose_lhs_hint = false} : vector<1000x128xf32>, vector<128x128xf32>, vector<1000x128xf32> -> vector<1000x128xf32>
    %get3A_19 = arith.constant 0 : index
    %get3A_20 = arith.constant 0 : index
    %get3A_21 = vector.load %arg3[%get3A_19, %get3A_20] : memref<1x128xf32, #tpu.memory_space<vmem>>, vector<1x128xf32>
    %add3A_22 = vector.broadcast %get3A_21 : vector<1x128xf32> to vector<1000x128xf32>
    %add3A_23 = arith.addf %dot_general3A_18, %add3A_22 : vector<1000x128xf32>
    %max3A = arith.constant 0.000000e+00 : f32
    %max3A_24 = vector.broadcast %max3A : f32 to vector<1000x128xf32>
    %max3A_25 = arith.maximumf %add3A_23, %max3A_24 : vector<1000x128xf32>
    %get3A_26 = arith.constant 0 : index
    %get3A_27 = arith.constant 0 : index
    %get3A_28 = vector.load %arg4[%get3A_26, %get3A_27] : memref<128x128xf32, #tpu.memory_space<vmem>>, vector<128x128xf32>
    %dot_general3A_29 = arith.constant dense<0.000000e+00> : vector<1000x128xf32>
    %dot_general3A_30 = tpu.matmul %max3A_25, %get3A_28, %dot_general3A_29 {dimension_numbers = #tpu.dot_dimension_numbers<[1], [0], [0], [1], [0, 0, 1, 1], [], []>, transpose_lhs_hint = false} : vector<1000x128xf32>, vector<128x128xf32>, vector<1000x128xf32> -> vector<1000x128xf32>
    %get3A_31 = arith.constant 0 : index
    %get3A_32 = arith.constant 0 : index
    %get3A_33 = vector.load %arg5[%get3A_31, %get3A_32] : memref<1x128xf32, #tpu.memory_space<vmem>>, vector<1x128xf32>
    %add3A_34 = vector.broadcast %get3A_33 : vector<1x128xf32> to vector<1000x128xf32>
    %add3A_35 = arith.addf %dot_general3A_30, %add3A_34 : vector<1000x128xf32>
    %get3A_36 = arith.constant 0 : index
    %get3A_37 = arith.constant 0 : index
    %get3A_38 = vector.load %arg6[%get3A_36, %get3A_37] : memref<128x128xf32, #tpu.memory_space<vmem>>, vector<128x128xf32>
    %dot_general3A_39 = arith.constant dense<0.000000e+00> : vector<1000x128xf32>
    %dot_general3A_40 = tpu.matmul %add3A_35, %get3A_38, %dot_general3A_39 {dimension_numbers = #tpu.dot_dimension_numbers<[1], [0], [0], [1], [0, 0, 1, 1], [], []>, transpose_lhs_hint = false} : vector<1000x128xf32>, vector<128x128xf32>, vector<1000x128xf32> -> vector<1000x128xf32>
    %mul3A = vector.broadcast %broadcast_in_dim3A : vector<1000x1xf32> to vector<1000x128xf32>
    %mul3A_41 = arith.mulf %dot_general3A_40, %mul3A : vector<1000x128xf32>
    %swap3A = arith.constant 0 : index
    %swap3A_42 = arith.constant 0 : index
    %swap3A_43 = vector.load %arg8[%swap3A, %swap3A_42] : memref<1000x128xf32, #tpu.memory_space<vmem>>, vector<1000x128xf32>
    tpu.vector_store %arg8[%swap3A, %swap3A_42], %mul3A_41 {strides = array<i32>} : memref<1000x128xf32, #tpu.memory_space<vmem>>, vector<1000x128xf32>,
    %swap3A_44 = arith.constant 0 : index
    %swap3A_45 = arith.constant 0 : index
    %swap3A_46 = vector.load %arg9[%swap3A_44, %swap3A_45] : memref<1000x1xf32, #tpu.memory_space<vmem>>, vector<1000x1xf32>
    tpu.vector_store %arg9[%swap3A_44, %swap3A_45], %broadcast_in_dim3A {strides = array<i32>} : memref<1000x1xf32, #tpu.memory_space<vmem>>, vector<1000x1xf32>,
    return
  }
  func.func @transform_0(%arg0: i32) -> (i32, i32) {
    %c0_i32 = arith.constant 0 : i32
    %c0_i32_0 = arith.constant 0 : i32
    return %arg0, %c0_i32 : i32, i32
  }
  func.func @transform_1(%arg0: i32) -> (i32, i32) {
    %c0_i32 = arith.constant 0 : i32
    %c0_i32_0 = arith.constant 0 : i32
    %c0_i32_1 = arith.constant 0 : i32
    return %c0_i32, %c0_i32_0 : i32, i32
  }
  func.func @transform_2(%arg0: i32) -> (i32, i32) {
    %c0_i32 = arith.constant 0 : i32
    %c0_i32_0 = arith.constant 0 : i32
    %c0_i32_1 = arith.constant 0 : i32
    return %c0_i32, %c0_i32_0 : i32, i32
  }
  func.func @transform_3(%arg0: i32) -> (i32, i32) {
    %c0_i32 = arith.constant 0 : i32
    %c0_i32_0 = arith.constant 0 : i32
    %c0_i32_1 = arith.constant 0 : i32
    return %c0_i32, %c0_i32_0 : i32, i32
  }
  func.func @transform_4(%arg0: i32) -> (i32, i32) {
    %c0_i32 = arith.constant 0 : i32
    %c0_i32_0 = arith.constant 0 : i32
    %c0_i32_1 = arith.constant 0 : i32
    return %c0_i32, %c0_i32_0 : i32, i32
  }
  func.func @transform_5(%arg0: i32) -> (i32, i32) {
    %c0_i32 = arith.constant 0 : i32
    %c0_i32_0 = arith.constant 0 : i32
    %c0_i32_1 = arith.constant 0 : i32
    return %c0_i32, %c0_i32_0 : i32, i32
  }
  func.func @transform_6(%arg0: i32) -> (i32, i32, i32) {
    %c0_i32 = arith.constant 0 : i32
    %c0_i32_0 = arith.constant 0 : i32
    %c0_i32_1 = arith.constant 0 : i32
    return %c0_i32, %arg0, %c0_i32_0 : i32, i32, i32
  }
  func.func @transform_7(%arg0: i32) -> (i32, i32) {
    %c0_i32 = arith.constant 0 : i32
    %c0_i32_0 = arith.constant 0 : i32
    return %arg0, %c0_i32 : i32, i32
  }
  func.func @transform_8(%arg0: i32) -> (i32, i32) {
    %c0_i32 = arith.constant 0 : i32
    %c0_i32_0 = arith.constant 0 : i32
    return %arg0, %c0_i32 : i32, i32
  }
}

module attributes {stable_mosaic.version = 14 : i64} {
  func.func @_layer_body(%arg0: i32, %arg1: memref<2x1000x128xf32, #tpu.memory_space<vmem>>, %arg2: memref<1000x128xf32, #tpu.memory_space<vmem>>, %arg3: memref<1000x1xf32, #tpu.memory_space<vmem>>, %arg4: memref<1x128xf32, #tpu.memory_space<vmem>>, %arg5: memref<128x128xf32, #tpu.memory_space<vmem>>, %arg6: memref<1000x128xf32, #tpu.memory_space<vmem>>) attributes {dimension_semantics = [#tpu.dimension_semantics<arbitrary>], iteration_bounds = array<i64: 10>, scalar_prefetch = 0 : i64, scratch_operands = 0 : i64, tpu.core_type = #tpu.core_type<tc>, window_params = [{transform_indices = @transform_0, window_bounds = array<i64: 2, 1000, 128>}, {transform_indices = @transform_1, window_bounds = array<i64: 1000, 128>}, {transform_indices = @transform_2, window_bounds = array<i64: 1000, 1>}, {pipeline_mode = #tpu.pipeline_mode<synchronous>, transform_indices = @transform_3, window_bounds = array<i64: 1, 128>}, {pipeline_mode = #tpu.pipeline_mode<synchronous>, transform_indices = @transform_4, window_bounds = array<i64: 128, 128>}, {transform_indices = @transform_5, window_bounds = array<i64: 1000, 128>}]} {
    %get3A = arith.constant 0 : index
    %get3A_0 = arith.constant 0 : index
    %get3A_1 = vector.load %arg3[%get3A, %get3A_0] : memref<1000x1xf32, #tpu.memory_space<vmem>>, vector<1000x1xf32>
    %get3A_2 = arith.constant 0 : index
    %get3A_3 = arith.constant 0 : index
    %get3A_4 = arith.constant 0 : index
    %get3A_5 = vector.load %arg1[%get3A_2, %get3A_3, %get3A_4] : memref<2x1000x128xf32, #tpu.memory_space<vmem>>, vector<1x1000x128xf32>
    %get3A_6 = vector.shape_cast %get3A_5 : vector<1x1000x128xf32> to vector<1000x128xf32>
    %get3A_7 = arith.constant 1 : index
    %get3A_8 = arith.constant 0 : index
    %get3A_9 = arith.constant 0 : index
    %get3A_10 = vector.load %arg1[%get3A_7, %get3A_8, %get3A_9] : memref<2x1000x128xf32, #tpu.memory_space<vmem>>, vector<1x1000x128xf32>
    %get3A_11 = vector.shape_cast %get3A_10 : vector<1x1000x128xf32> to vector<1000x128xf32>
    %add3A = arith.addf %get3A_6, %get3A_11 : vector<1000x128xf32>
    %get3A_12 = arith.constant 0 : index
    %get3A_13 = arith.constant 0 : index
    %get3A_14 = vector.load %arg2[%get3A_12, %get3A_13] : memref<1000x128xf32, #tpu.memory_space<vmem>>, vector<1000x128xf32>
    %add3A_15 = arith.addf %add3A, %get3A_14 : vector<1000x128xf32>
    %mul3A = vector.broadcast %get3A_1 : vector<1000x1xf32> to vector<1000x128xf32>
    %mul3A_16 = arith.mulf %add3A_15, %mul3A : vector<1000x128xf32>
    %get3A_17 = arith.constant 0 : index
    %get3A_18 = arith.constant 0 : index
    %get3A_19 = vector.load %arg4[%get3A_17, %get3A_18] : memref<1x128xf32, #tpu.memory_space<vmem>>, vector<1x128xf32>
    %add3A_20 = vector.broadcast %get3A_19 : vector<1x128xf32> to vector<1000x128xf32>
    %add3A_21 = arith.addf %mul3A_16, %add3A_20 : vector<1000x128xf32>
    %max3A = arith.constant 0.000000e+00 : f32
    %max3A_22 = vector.broadcast %max3A : f32 to vector<1000x128xf32>
    %max3A_23 = arith.maximumf %add3A_21, %max3A_22 : vector<1000x128xf32>
    %get3A_24 = arith.constant 0 : index
    %get3A_25 = arith.constant 0 : index
    %get3A_26 = vector.load %arg5[%get3A_24, %get3A_25] : memref<128x128xf32, #tpu.memory_space<vmem>>, vector<128x128xf32>
    %dot_general3A = arith.constant dense<0.000000e+00> : vector<1000x128xf32>
    %dot_general3A_27 = tpu.matmul %max3A_23, %get3A_26, %dot_general3A {dimension_numbers = #tpu.dot_dimension_numbers<[1], [0], [0], [1], [0, 0, 1, 1], [], []>, transpose_lhs_hint = false} : vector<1000x128xf32>, vector<128x128xf32>, vector<1000x128xf32> -> vector<1000x128xf32>
    %mul3A_28 = vector.broadcast %get3A_1 : vector<1000x1xf32> to vector<1000x128xf32>
    %mul3A_29 = arith.mulf %dot_general3A_27, %mul3A_28 : vector<1000x128xf32>
    %swap3A = arith.constant 0 : index
    %swap3A_30 = arith.constant 0 : index
    %swap3A_31 = vector.load %arg6[%swap3A, %swap3A_30] : memref<1000x128xf32, #tpu.memory_space<vmem>>, vector<1000x128xf32>
    tpu.vector_store %arg6[%swap3A, %swap3A_30], %mul3A_29 {strides = array<i32>} : memref<1000x128xf32, #tpu.memory_space<vmem>>, vector<1000x128xf32>,
    return
  }
  func.func @transform_0(%arg0: i32) -> (i32, i32, i32) {
    %c0_i32 = arith.constant 0 : i32
    %c0_i32_0 = arith.constant 0 : i32
    %c0_i32_1 = arith.constant 0 : i32
    return %c0_i32, %arg0, %c0_i32_0 : i32, i32, i32
  }
  func.func @transform_1(%arg0: i32) -> (i32, i32) {
    %c0_i32 = arith.constant 0 : i32
    %c0_i32_0 = arith.constant 0 : i32
    return %arg0, %c0_i32 : i32, i32
  }
  func.func @transform_2(%arg0: i32) -> (i32, i32) {
    %c0_i32 = arith.constant 0 : i32
    %c0_i32_0 = arith.constant 0 : i32
    return %arg0, %c0_i32 : i32, i32
  }
  func.func @transform_3(%arg0: i32) -> (i32, i32) {
    %c0_i32 = arith.constant 0 : i32
    %c0_i32_0 = arith.constant 0 : i32
    %c0_i32_1 = arith.constant 0 : i32
    return %c0_i32, %c0_i32_0 : i32, i32
  }
  func.func @transform_4(%arg0: i32) -> (i32, i32) {
    %c0_i32 = arith.constant 0 : i32
    %c0_i32_0 = arith.constant 0 : i32
    %c0_i32_1 = arith.constant 0 : i32
    return %c0_i32, %c0_i32_0 : i32, i32
  }
  func.func @transform_5(%arg0: i32) -> (i32, i32) {
    %c0_i32 = arith.constant 0 : i32
    %c0_i32_0 = arith.constant 0 : i32
    return %arg0, %c0_i32 : i32, i32
  }
}

module attributes {stable_mosaic.version = 14 : i64} {
  func.func @_final_body(%arg0: i32, %arg1: memref<2x1000x128xf32, #tpu.memory_space<vmem>>, %arg2: memref<1000x128xf32, #tpu.memory_space<vmem>>, %arg3: memref<1000x1xf32, #tpu.memory_space<vmem>>, %arg4: memref<1x128xf32, #tpu.memory_space<vmem>>, %arg5: memref<128x64xf32, #tpu.memory_space<vmem>>, %arg6: memref<1x64xf32, #tpu.memory_space<vmem>>, %arg7: memref<64x1xf32, #tpu.memory_space<vmem>>, %arg8: memref<1x1xf32, #tpu.memory_space<vmem>>, %arg9: memref<1000x1xi32, #tpu.memory_space<vmem>>, %arg10: memref<64x1xf32, #tpu.memory_space<vmem>>) attributes {dimension_semantics = [#tpu.dimension_semantics<arbitrary>], iteration_bounds = array<i64: 10>, scalar_prefetch = 0 : i64, scratch_operands = 0 : i64, tpu.core_type = #tpu.core_type<tc>, window_params = [{transform_indices = @transform_0, window_bounds = array<i64: 2, 1000, 128>}, {transform_indices = @transform_1, window_bounds = array<i64: 1000, 128>}, {transform_indices = @transform_2, window_bounds = array<i64: 1000, 1>}, {pipeline_mode = #tpu.pipeline_mode<synchronous>, transform_indices = @transform_3, window_bounds = array<i64: 1, 128>}, {pipeline_mode = #tpu.pipeline_mode<synchronous>, transform_indices = @transform_4, window_bounds = array<i64: 128, 64>}, {pipeline_mode = #tpu.pipeline_mode<synchronous>, transform_indices = @transform_5, window_bounds = array<i64: 1, 64>}, {pipeline_mode = #tpu.pipeline_mode<synchronous>, transform_indices = @transform_6, window_bounds = array<i64: 64, 1>}, {pipeline_mode = #tpu.pipeline_mode<synchronous>, transform_indices = @transform_7, window_bounds = array<i64: 1, 1>}, {transform_indices = @transform_8, window_bounds = array<i64: 1000, 1>}, {pipeline_mode = #tpu.pipeline_mode<synchronous>, transform_indices = @transform_9, window_bounds = array<i64: 64, 1>}]} {
    %get3A = arith.constant 0 : index
    %get3A_0 = arith.constant 0 : index
    %get3A_1 = arith.constant 0 : index
    %get3A_2 = vector.load %arg1[%get3A, %get3A_0, %get3A_1] : memref<2x1000x128xf32, #tpu.memory_space<vmem>>, vector<1x1000x128xf32>
    %get3A_3 = vector.shape_cast %get3A_2 : vector<1x1000x128xf32> to vector<1000x128xf32>
    %get3A_4 = arith.constant 1 : index
    %get3A_5 = arith.constant 0 : index
    %get3A_6 = arith.constant 0 : index
    %get3A_7 = vector.load %arg1[%get3A_4, %get3A_5, %get3A_6] : memref<2x1000x128xf32, #tpu.memory_space<vmem>>, vector<1x1000x128xf32>
    %get3A_8 = vector.shape_cast %get3A_7 : vector<1x1000x128xf32> to vector<1000x128xf32>
    %add3A = arith.addf %get3A_3, %get3A_8 : vector<1000x128xf32>
    %get3A_9 = arith.constant 0 : index
    %get3A_10 = arith.constant 0 : index
    %get3A_11 = vector.load %arg2[%get3A_9, %get3A_10] : memref<1000x128xf32, #tpu.memory_space<vmem>>, vector<1000x128xf32>
    %add3A_12 = arith.addf %add3A, %get3A_11 : vector<1000x128xf32>
    %get3A_13 = arith.constant 0 : index
    %get3A_14 = arith.constant 0 : index
    %get3A_15 = vector.load %arg3[%get3A_13, %get3A_14] : memref<1000x1xf32, #tpu.memory_space<vmem>>, vector<1000x1xf32>
    %mul3A = vector.broadcast %get3A_15 : vector<1000x1xf32> to vector<1000x128xf32>
    %mul3A_16 = arith.mulf %add3A_12, %mul3A : vector<1000x128xf32>
    %get3A_17 = arith.constant 0 : index
    %get3A_18 = arith.constant 0 : index
    %get3A_19 = vector.load %arg4[%get3A_17, %get3A_18] : memref<1x128xf32, #tpu.memory_space<vmem>>, vector<1x128xf32>
    %add3A_20 = vector.broadcast %get3A_19 : vector<1x128xf32> to vector<1000x128xf32>
    %add3A_21 = arith.addf %mul3A_16, %add3A_20 : vector<1000x128xf32>
    %max3A = arith.constant 0.000000e+00 : f32
    %max3A_22 = vector.broadcast %max3A : f32 to vector<1000x128xf32>
    %max3A_23 = arith.maximumf %add3A_21, %max3A_22 : vector<1000x128xf32>
    %get3A_24 = arith.constant 0 : index
    %get3A_25 = arith.constant 0 : index
    %get3A_26 = vector.load %arg5[%get3A_24, %get3A_25] : memref<128x64xf32, #tpu.memory_space<vmem>>, vector<128x64xf32>
    %dot_general3A = arith.constant dense<0.000000e+00> : vector<1000x64xf32>
    %dot_general3A_27 = tpu.matmul %max3A_23, %get3A_26, %dot_general3A {dimension_numbers = #tpu.dot_dimension_numbers<[1], [0], [0], [1], [0, 0, 1, 1], [], []>, transpose_lhs_hint = false} : vector<1000x128xf32>, vector<128x64xf32>, vector<1000x64xf32> -> vector<1000x64xf32>
    %get3A_28 = arith.constant 0 : index
    %get3A_29 = arith.constant 0 : index
    %get3A_30 = vector.load %arg6[%get3A_28, %get3A_29] : memref<1x64xf32, #tpu.memory_space<vmem>>, vector<1x64xf32>
    %add3A_31 = vector.broadcast %get3A_30 : vector<1x64xf32> to vector<1000x64xf32>
    %add3A_32 = arith.addf %dot_general3A_27, %add3A_31 : vector<1000x64xf32>
    %max3A_33 = arith.constant 0.000000e+00 : f32
    %max3A_34 = vector.broadcast %max3A_33 : f32 to vector<1000x64xf32>
    %max3A_35 = arith.maximumf %add3A_32, %max3A_34 : vector<1000x64xf32>
    %get3A_36 = arith.constant 0 : index
    %get3A_37 = arith.constant 0 : index
    %get3A_38 = vector.load %arg7[%get3A_36, %get3A_37] : memref<64x1xf32, #tpu.memory_space<vmem>>, vector<64x1xf32>
    %dot_general3A_39 = arith.constant dense<0.000000e+00> : vector<1000x1xf32>
    %dot_general3A_40 = tpu.matmul %max3A_35, %get3A_38, %dot_general3A_39 {dimension_numbers = #tpu.dot_dimension_numbers<[1], [0], [0], [1], [0, 0, 1, 1], [], []>, transpose_lhs_hint = false} : vector<1000x64xf32>, vector<64x1xf32>, vector<1000x1xf32> -> vector<1000x1xf32>
    %get3A_41 = arith.constant 0 : index
    %get3A_42 = arith.constant 0 : index
    %get3A_43 = vector.load %arg8[%get3A_41, %get3A_42] : memref<1x1xf32, #tpu.memory_space<vmem>>, vector<1x1xf32>
    %add3A_44 = vector.broadcast %get3A_43 : vector<1x1xf32> to vector<1000x1xf32>
    %add3A_45 = arith.addf %dot_general3A_40, %add3A_44 : vector<1000x1xf32>
    %get3A_46 = arith.constant 0 : index
    %get3A_47 = arith.constant 0 : index
    %get3A_48 = vector.load %arg9[%get3A_46, %get3A_47] : memref<1000x1xi32, #tpu.memory_space<vmem>>, vector<1000x1xi32>
    %iota3A = tpu.iota {dimensions = array<i32: 1>} : vector<1000x64xi32>
    %eq3A = vector.broadcast %get3A_48 : vector<1000x1xi32> to vector<1000x64xi32>
    %eq3A_49 = arith.cmpi eq, %eq3A, %iota3A : vector<1000x64xi32>
    %convert_element_type3A = arith.extui %eq3A_49 : vector<1000x64xi1> to vector<1000x64xi32>
    %convert_element_type3A_50 = arith.sitofp %convert_element_type3A : vector<1000x64xi32> to vector<1000x64xf32>
    %dot_general3A_51 = arith.constant dense<0.000000e+00> : vector<64x1xf32>
    %dot_general3A_52 = tpu.matmul %convert_element_type3A_50, %add3A_45, %dot_general3A_51 {dimension_numbers = #tpu.dot_dimension_numbers<[0], [0], [1], [1], [0, 1, 1, 1], [], []>, transpose_lhs_hint = false} : vector<1000x64xf32>, vector<1000x1xf32>, vector<64x1xf32> -> vector<64x1xf32>
    %eq3A_53 = arith.constant 0 : i32
    %eq3A_54 = arith.cmpi eq, %arg0, %eq3A_53 : i32
    %convert_element_type3A_55 = arith.extui %eq3A_54 : i1 to i32
    %cond3A = arith.constant 0 : i32
    %cond3A_56 = arith.cmpi ne, %convert_element_type3A_55, %cond3A : i32
    scf.if %cond3A_56 {
      %broadcast_in_dim3A = arith.constant 0.000000e+00 : f32
      %broadcast_in_dim3A_63 = vector.broadcast %broadcast_in_dim3A : f32 to vector<64x1xf32>
      %swap3A_64 = arith.constant 0 : index
      %swap3A_65 = arith.constant 0 : index
      %swap3A_66 = vector.load %arg10[%swap3A_64, %swap3A_65] : memref<64x1xf32, #tpu.memory_space<vmem>>, vector<64x1xf32>
      tpu.vector_store %arg10[%swap3A_64, %swap3A_65], %broadcast_in_dim3A_63 {strides = array<i32>} : memref<64x1xf32, #tpu.memory_space<vmem>>, vector<64x1xf32>,
    } else {
    }
    %get3A_57 = arith.constant 0 : index
    %get3A_58 = arith.constant 0 : index
    %get3A_59 = vector.load %arg10[%get3A_57, %get3A_58] : memref<64x1xf32, #tpu.memory_space<vmem>>, vector<64x1xf32>
    %add3A_60 = arith.addf %get3A_59, %dot_general3A_52 : vector<64x1xf32>
    %swap3A = arith.constant 0 : index
    %swap3A_61 = arith.constant 0 : index
    %swap3A_62 = vector.load %arg10[%swap3A, %swap3A_61] : memref<64x1xf32, #tpu.memory_space<vmem>>, vector<64x1xf32>
    tpu.vector_store %arg10[%swap3A, %swap3A_61], %add3A_60 {strides = array<i32>} : memref<64x1xf32, #tpu.memory_space<vmem>>, vector<64x1xf32>,
    return
  }
  func.func @transform_0(%arg0: i32) -> (i32, i32, i32) {
    %c0_i32 = arith.constant 0 : i32
    %c0_i32_0 = arith.constant 0 : i32
    %c0_i32_1 = arith.constant 0 : i32
    return %c0_i32, %arg0, %c0_i32_0 : i32, i32, i32
  }
  func.func @transform_1(%arg0: i32) -> (i32, i32) {
    %c0_i32 = arith.constant 0 : i32
    %c0_i32_0 = arith.constant 0 : i32
    return %arg0, %c0_i32 : i32, i32
  }
  func.func @transform_2(%arg0: i32) -> (i32, i32) {
    %c0_i32 = arith.constant 0 : i32
    %c0_i32_0 = arith.constant 0 : i32
    return %arg0, %c0_i32 : i32, i32
  }
  func.func @transform_3(%arg0: i32) -> (i32, i32) {
    %c0_i32 = arith.constant 0 : i32
    %c0_i32_0 = arith.constant 0 : i32
    %c0_i32_1 = arith.constant 0 : i32
    return %c0_i32, %c0_i32_0 : i32, i32
  }
  func.func @transform_4(%arg0: i32) -> (i32, i32) {
    %c0_i32 = arith.constant 0 : i32
    %c0_i32_0 = arith.constant 0 : i32
    %c0_i32_1 = arith.constant 0 : i32
    return %c0_i32, %c0_i32_0 : i32, i32
  }
  func.func @transform_5(%arg0: i32) -> (i32, i32) {
    %c0_i32 = arith.constant 0 : i32
    %c0_i32_0 = arith.constant 0 : i32
    %c0_i32_1 = arith.constant 0 : i32
    return %c0_i32, %c0_i32_0 : i32, i32
  }
  func.func @transform_6(%arg0: i32) -> (i32, i32) {
    %c0_i32 = arith.constant 0 : i32
    %c0_i32_0 = arith.constant 0 : i32
    %c0_i32_1 = arith.constant 0 : i32
    return %c0_i32, %c0_i32_0 : i32, i32
  }
  func.func @transform_7(%arg0: i32) -> (i32, i32) {
    %c0_i32 = arith.constant 0 : i32
    %c0_i32_0 = arith.constant 0 : i32
    %c0_i32_1 = arith.constant 0 : i32
    return %c0_i32, %c0_i32_0 : i32, i32
  }
  func.func @transform_8(%arg0: i32) -> (i32, i32) {
    %c0_i32 = arith.constant 0 : i32
    %c0_i32_0 = arith.constant 0 : i32
    return %arg0, %c0_i32 : i32, i32
  }
  func.func @transform_9(%arg0: i32) -> (i32, i32) {
    %c0_i32 = arith.constant 0 : i32
    %c0_i32_0 = arith.constant 0 : i32
    %c0_i32_1 = arith.constant 0 : i32
    return %c0_i32, %c0_i32_0 : i32, i32
  }
}

</mosaic_0001>

<sc_bundles>
// kernel: kernel.10.cloned.1.call-start
scs
__scs_entry_jumppad:
0x0: {  	(pc) =	sbr.rel $0x88, $3  }
0x1: {  	(tag) =	ssettag $0x0;
	lr =	simm.s32 $0x1  }
0x2: {  	[smem:$0x3F90] =	sst lr;
	_ =	strace $0xD0000000  }
0x3: {  	_ = 	snop  }
0x4: {  	_ = 	snop  }
0x5: {  	_ = 	snop  }
0x6: {  	_ = 	snop  }
0x7: {  	_ = 	snop  }
__scs_overlays_trampoline_lowered:
0x8: {  	[smem:$0x3F9F] =	sst s0  }
0x9: {  	[smem:$0x3FA0] =	sst s1  }
0xa: {  	[smem:$0x3FA1] =	sst s2  }
0xb: {  	[smem:$0x3FA2] =	sst s3  }
0xc: {  	[smem:$0x3FA3] =	sst s4  }
0xd: {  	[smem:$0x3FA4] =	sst s5  }
0xe: {  	[smem:$0x3FA5] =	sst s6  }
0xf: {  	[smem:$0x3FA6] =	sst s7  }
0x10: {  	[smem:$0x3FA7] =	sst s8  }
0x11: {  	[smem:$0x3FA8] =	sst s9;
	s0 =	simm.s32 @!p0 $0x0  }
0x12: {  	s1 =	sld [smem:$0x3F8E];
	s0 =	simm.s32 @p0 $0x1  }
0x13: {  	[smem:$0x3FA9] =	sst s0;
	s0 =	simm.s32 @!p1 $0x0  }
0x14: {  	s2 =	sld [smem:$0x3F8D];
	s0 =	simm.s32 @p1 $0x1  }
0x15: {  	[smem:$0x3FAA] =	sst s0;
	s0 =	simm.s32 @!p2 $0x0  }
0x16: {  	s3 =	sld [smem:$0x3FDB];
	s0 =	simm.s32 @p2 $0x1  }
0x17: {  	s4 =	simm.s32 $0x1BF5;
	[smem:$0x3FAC] =	sst s0  }
0x18: {  	s0 =	sld [smem:$0x3F8F];
	_ =	swait.ge [sflag:s4], $0x0  }
0x19: {  	s7 =	sld [smem:$0x3F90]  }
0x1a: {  	s8 =	sadd.s32 $0xFFFFE003, lr  }
0x1b: {  	s9 =	sadd.s32 $0xFFFFFEF7, lr;
	s5 =	simm.s32 $0xFFFFFFFF;
	p2 =	slt.u32 s8, $0xFFFFF086  }
0x1c: {  	p1 =	slt.u32 s9, $0xF7A;
	s5 =	simm.s32 @!p2 $0x0  }
0x1d: {  	s5 =	simm.s32 @p1 $0x1;
	p0 =	seq.s32 s7, s2  }
0x1e: {  	s7 =	smul.u32 @!p0 $0xF7A, s2;
	p2 =	seq.s32 @!p0 s5, $0x0  }
0x1f: {  	s9 =	smul.u32 $0xF7A, s1;
	s8 =	simm.s32 @!p0 $0x1BF5;
	p2 =	por !p2, p0  }
0x20: {  	[sflag:s8] =	ssyncset.s32 @!p0 $0xFFFFF086;
	s6 =	sadd.s32 @!p0 s3, s7;
	s7 =	simm.s32 @!p0 $0x108  }
0x21: {  	s3 =	sadd.s32 s3, s9;
	s6 =	sadd.s32 @!p0 $0x88, s6;
	s7 =	simm.s32 @p2 $0x1082  }
0x22: {  	[simem:s7], [sflag:s8] =	dma.local @!p0 [hbm:s6], $0xF7A  }
0x23: {  	s9 =	sor.u32 $0xD0000000, s2;
	s6 =	simm.s32 $0x108;
	_ =	swait.ge @!p0 [sflag:s8], $0x0  }
0x24: {  	s3 =	sadd.s32 $0x88, s3;
	s6 =	simm.s32 @!p1 $0x1082;
	[sflag:s4] =	ssyncset.s32 $0xFFFFF086  }
0x25: {  	[simem:s6], [sflag:s4] =	dma.local [hbm:s3], $0xF7A  }
0x26: {  	[smem:$0x3F90] =	sst s1;
	(tag) =	ssettag s2;
	_ =	strace s9  }
0x27: {  	s1 =	sld [smem:$0x3FA0]  }
0x28: {  	s2 =	sld [smem:$0x3FA1]  }
0x29: {  	s4 =	sld [smem:$0x3FA3]  }
0x2a: {  	p0 =	seq.s32 s5, $0x0;
	s5 =	sld [smem:$0x3FA4]  }
0x2b: {  	s6 =	sld [smem:$0x3FA5]  }
0x2c: {  	s7 =	sld [smem:$0x3FA6]  }
0x2d: {  	s3 =	simm.s32 $0x108;
	s8 =	sld [smem:$0x3FA7]  }
0x2e: {  	s3 =	simm.s32 @!p0 $0x1082;
	s9 =	sld [smem:$0x3FA8]  }
0x2f: {  	lr =	sadd.s32 s0, s3;
	s0 =	sld [smem:$0x3F9F]  }
0x30: {  	s3 =	sld [smem:$0x3FA2]  }
0x31: {  	[smem:$0x3FAB] =	sst s10  }
0x32: {  	s10 =	sld [smem:$0x3FA9];
	_ =	sdelay $0x3  }
0x33: {  	p0 =	seq.s32 s10, $0x1;
	s10 =	sld [smem:$0x3FAB];
	_ =	sdelay $0x3  }
0x34: {  	[smem:$0x3FAB] =	sst s10  }
0x35: {  	s10 =	sld [smem:$0x3FAA];
	_ =	sdelay $0x3  }
0x36: {  	p1 =	seq.s32 s10, $0x1;
	s10 =	sld [smem:$0x3FAB];
	_ =	sdelay $0x3  }
0x37: {  	[smem:$0x3FAB] =	sst s10  }
0x38: {  	s10 =	sld [smem:$0x3FAC]  }
0x39: {  	_ = 	snop;
	(pc) =	sbr.ind lr, $3  }
0x3a: {  	_ = 	snop  }
0x3b: {  	_ = 	snop  }
0x3c: {  	p2 =	seq.s32 s10, $0x1;
	s10 =	sld [smem:$0x3FAB]  }
0x3d: {  	_ =	shalt  }
0x3e: {  	_ =	shalt  }
0x3f: {  	_ =	shalt  }
0x40: {  	_ =	shalt  }
0x41: {  	_ =	shalt  }
0x42: {  	_ =	shalt  }
0x43: {  	_ =	shalt  }
0x44: {  	_ =	shalt  }
0x45: {  	_ =	shalt  }
0x46: {  	_ =	shalt  }
0x47: {  	_ =	shalt  }
0x48: {  	_ =	shalt  }
0x49: {  	_ =	shalt  }
0x4a: {  	_ =	shalt  }
0x4b: {  	_ =	shalt  }
0x4c: {  	_ =	shalt  }
0x4d: {  	_ =	shalt  }
0x4e: {  	_ =	shalt  }
0x4f: {  	_ =	shalt  }
0x50: {  	_ =	shalt  }
0x51: {  	_ =	shalt  }
0x52: {  	_ =	shalt  }
0x53: {  	_ =	shalt  }
0x54: {  	_ =	shalt  }
0x55: {  	_ =	shalt  }
0x56: {  	_ =	shalt  }
0x57: {  	_ =	shalt  }
0x58: {  	_ =	shalt  }
0x59: {  	_ =	shalt  }
0x5a: {  	_ =	shalt  }
0x5b: {  	_ =	shalt  }
0x5c: {  	_ =	shalt  }
0x5d: {  	_ =	shalt  }
0x5e: {  	_ =	shalt  }
0x5f: {  	_ =	shalt  }
0x60: {  	_ =	shalt  }
0x61: {  	_ =	shalt  }
0x62: {  	_ =	shalt  }
0x63: {  	_ =	shalt  }
0x64: {  	_ =	shalt  }
0x65: {  	_ =	shalt  }
0x66: {  	_ =	shalt  }
0x67: {  	_ =	shalt  }
0x68: {  	_ =	shalt  }
0x69: {  	_ =	shalt  }
0x6a: {  	_ =	shalt  }
0x6b: {  	_ =	shalt  }
0x6c: {  	_ =	shalt  }
0x6d: {  	_ =	shalt  }
0x6e: {  	_ =	shalt  }
0x6f: {  	_ =	shalt  }
0x70: {  	_ =	shalt  }
0x71: {  	_ =	shalt  }
0x72: {  	_ =	shalt  }
0x73: {  	_ =	shalt  }
0x74: {  	_ =	shalt  }
0x75: {  	_ =	shalt  }
0x76: {  	_ =	shalt  }
0x77: {  	_ =	shalt  }
0x78: {  	_ =	shalt  }
0x79: {  	_ =	shalt  }
0x7a: {  	_ =	shalt  }
0x7b: {  	_ =	shalt  }
0x7c: {  	_ =	shalt  }
0x7d: {  	_ =	shalt  }
0x7e: {  	_ =	shalt  }
0x7f: {  	_ =	shalt  }
0x80: {  	_ =	shalt  }
0x81: {  	_ =	shalt  }
0x82: {  	_ =	shalt  }
0x83: {  	_ =	shalt  }
0x84: {  	_ =	shalt  }
0x85: {  	_ =	shalt  }
0x86: {  	_ =	shalt  }
0x87: {  	_ =	shalt  }
.Lfunc_end0:
.L_simem_size_0:
called_computation_lowered:
.L_overlay_start_0:
0x88: {  	s2 =	sld [smem:$0x3FD9]  }
0x89: {  	s3 =	sld [smem:$0x3FFE];
	_ =	sdelay $0x1  }
0x8a: {  	s1 =	srdreg.scid  }
0x8b: {  	s0 =	sand.u32 $0x1, s1  }
0x8c: {  	s16 =	sshll.u32 s0, $0xA;
	s2 =	sadd.s32 s3, s2  }
0x8d: {  	s2 =	sadd.s32 s2, s16  }
0x8e: {  	[smem:$0x3FB7] =	sst s2  }
0x8f: {  	_ = 	snop  }
0x90: {  	(tm) =	ssettm $0x1  }
0x91: {  	s17 =	sld [smem:$0x3FFB];
	_ =	sdelay $0x3  }
0x92: {  	_ =	strace s17  }
0x93: {  	s2 =	sld [smem:$0x3FFC];
	_ =	sdelay $0x3  }
0x94: {  	_ =	strace s2  }
0x95: {  	s2 =	sld [smem:$0x3FFD];
	_ =	sdelay $0x3  }
0x96: {  	_ =	strace s2  }
0x97: {  	_ =	strace $0x8FFFFFFF  }
0x98: {  	s18 =	sld [smem:$0x3FDB];
	_ =	sdelay $0x1  }
0x99: {  	s19 =	simm.s32 $_scs_section_size  }
0x9a: {  	s4 =	simm.s32 $_size__tile_overlayer_lowered;
	s5 =	simm.s32 $_tile_overlayer_lowered  }
0x9b: {  	s22 =	simm.s32 $0x1BFF;
	s21 =	sshll.u32 s5, $0x1;
	s2 =	sadd.s32 s19, s18  }
0x9c: {  	s6 =	simm.s32 $0x0;
	s20 =	sshll.u32 s4, $0x1;
	s4 =	sadd.s32 s21, s2  }
0x9d: {  	[timem:s6], [sflag:s22] =	dma.local [hbm:s4], s20  }
0x9e: {  	_ =	swait.ge [sflag:s22], s20  }
0x9f: {  	s3 =	ssub.s32 $0x0, s20;
	[sflag:s22] =	ssyncset.done $0x0  }
0xa0: {  	[sflag:s22] =	ssyncadd.s32 s3;
	_ =	sdelay $0x1  }
0xa1: {  	s23 =	simm.s32 $0x1B8B  }
0xa2: {  	_ =	swait.ge [sflag:s23], $0x1  }
0xa3: {  	[sflag:s23] =	ssyncset.done $0x0  }
0xa4: {  	s25 =	simm.s32 $0x1B8E;
	s24 =	sld [smem:$0x3FFE];
	[sflag:s23] =	ssyncadd.s32 $0xFFFFFFFF  }
0xa5: {  	s26 =	simm.s32 $execute0_lowered;
	[smem:$0x3FD2] =	sst s25  }
0xa6: {  	s4 =	sshll.u32 s26, $0x1;
	_ =	strace $0x80000046;
	[dreg:$0x1] =	wrdreg $0xFFFFFFFF  }
0xa7: {  	s28 =	simm.s32 $_size_execute0_lowered;
	s2 =	sadd.s32 s2, s4;
	[dreg:$0x0] =	wrdreg $0x0  }
0xa8: {  	s4 =	sshll.u32 s28, $0x1;
	[dreg:$0x2] =	wrdreg s2  }
0xa9: {  	[dreg:$0x3] =	wrdreg s4  }
0xaa: {  	[dreg:$0x4] =	wrdreg $0xC0  }
0xab: {  	_ =	task [dreg:s6], $0x5FFFF  }
0xac: {  	[dreg:$0x1] =	wrdreg $0xFFFFFFFF  }
0xad: {  	[dreg:$0x0] =	wrdreg $0x60  }
0xae: {  	[dreg:$0x2] =	wrdreg s24  }
0xaf: {  	[dreg:$0x3] =	wrdreg $0xB8800  }
0xb0: {  	[dreg:$0x4] =	wrdreg $0x9  }
0xb1: {  	_ =	task.clear_ibuf [dreg:s6], $0x5FFFF;
	_ =	strace $0x90000046  }
0xb2: {  	s29 =	simm.s32 $0x9;
	_ =	strace $0x80000048  }
0xb3: {  	_ =	swait.ge [sflag:s29], $0x1  }
0xb4: {  	[sflag:s29] =	ssyncadd.s32 $0xFFFFFFFF  }
0xb5: {  	_ =	strace $0x90000048  }
0xb6: {  	_ =	sfence  }
0xb7: {  	s30 =	sld [smem:$0x0];
	_ =	sdelay $0x2  }
0xb8: {  	s31 =	sshll.u32 s1, $0xD;
	s1 =	sshrl.u32 s1, $0x2  }
0xb9: {  	s3 =	sand.u32 $0x4000, s31;
	s1 =	sadd.s32 s1, s30  }
0xba: {  	s0 =	sor.u32 s3, s0;
	s1 =	sshll.u32 s1, $0x11  }
0xbb: {  	s0 =	sor.u32 s1, s0  }
0xbc: {  	s0 =	sadd.s32 $0x8F2B, s0  }
0xbd: {  	[sflag:s0] =	ssyncadd.remote.s32 $0x1  }
0xbe: {  	_ =	sfence.sel $0xFFFF  }
0xbf: {  	[dreg:$0x0] =	wrdreg $0xFFFFFFFF;
	(pc) =	sbr.abs _section_cstart, $3  }
0xc0: {  	[dreg:$0x1] =	wrdreg $0xFFFFFFFF  }
0xc1: {  	_ =	task.clear_ibuf [dreg:s6], $0x2FFFF;
	_ =	strace $0x9FFFFFFF  }
0xc2: {  	(tm) =	ssettm $0x7FFFFFFF  }
0xc3: {  	_ =	shalt  }
tec
execute0_lowered:
.L_overlay_start_1:
0x0: {  	(tag) =	ssettag $0x1  }
0x1: {  	s0 =	rddreg [dreg:$0x0]  }
0x2: {  	s1 =	srdreg.scid;
	s11 =	stileid.u32  }
0x3: {  	s2 =	rddreg [dreg:$0x1];
	s3 =	simm.s32 $0x0;
	s28 =	simm.s32 $0x50  }
0x4: {  	s29 =	simm.s32 $0x2880;
	s30 =	simm.s32 $0x5080;
	s31 =	simm.s32 $0x2780  }
0x5: {  	s1 =	sand.u32 $0x1, s1;
	s4 =	sshll.u32 s11, $0x1;
	s8 =	smul.u32 $0x50000, s11  }
0x6: {  	[smem:$0x7FF] =	sst s3;
	s5 =	sadd.s32 $0x17600, s0;
	s19 =	smul.u32 $0x14000, s11  }
0x7: {  	s9 =	sadd.s32 $0x3A00, s0;
	s21 =	smul.u32 $0x4E20, s11;
	s4 =	sor.u32 s1, s4  }
0x8: {  	_ =	strace $0x80000047;
	[dreg:$0x3] =	wrdreg s5;
	s26 =	smul.u32 $0x140000, s1  }
0x9: {  	s5 =	sadd.s32 $0x17E00, s0;
	s6 =	ssub.s32 $0x2, s1;
	s1 =	smul.u32 $0x2710, s1  }
0xa: {  	s4 =	smul.u32 $0x2710, s4;
	s10 =	sshrl.u32 s6, $0x1;
	s25 =	sshrl.u32 s8, $0x2  }
0xb: {  	s16 =	sadd.s32 $0x4000, s19;
	s18 =	sadd.s32 $0x8000, s19;
	s22 =	sadd.s32 $0xC000, s19  }
0xc: {  	s23 =	sadd.s32 $0x10000, s19;
	s10 =	ssub.s32 s6, s10;
	s6 =	sadd.s32 s25, s2  }
0xd: {  	s14 =	sadd.s32 s26, s19;
	s17 =	sadd.s32 s26, s16;
	s20 =	sadd.s32 s26, s18  }
0xe: {  	s1 =	sadd.s32 s1, s21;
	s24 =	sadd.s32 s26, s22;
	s8 =	sadd.s32 s26, s23  }
0xf: {  	s19 =	sadd.s32 s22, s2;
	s22 =	sadd.s32 s23, s2;
	s4 =	sshrl.u32 s4, $0x3  }
0x10: {  	s10 =	smax.u32 s10, $0x1;
	s12 =	sadd.s32 $0x4000, s6;
	s13 =	sadd.s32 $0x8000, s6  }
0x11: {  	s15 =	sadd.s32 $0xC000, s6;
	s25 =	sshrl.u32 s24, $0x3;
	[dreg:$0x6] =	wrdreg s10  }
0x12: {  	s8 =	sshrl.u32 s8, $0x3;
	s26 =	sadd.s32 $0x50, s1;
	[dreg:$0x7] =	wrdreg s12  }
0x13: {  	s1 =	sshrl.u32 s1, $0x3;
	s7 =	sadd.s32 s4, s0;
	[dreg:$0x8] =	wrdreg s13  }
0x14: {  	s0 =	sadd.s32 $0x3F000, s0;
	s4 =	sadd.s32 s9, s4;
	[dreg:$0x9] =	wrdreg s15  }
0x15: {  	s13 =	sadd.s32 $0x10000, s6;
	s15 =	sadd.s32 s16, s2;
	s23 =	sadd.s32 s1, s9  }
0x16: {  	s1 =	simm.s32 $0x1;
	s7 =	sadd.s32 $0xD800, s7;
	s4 =	sadd.s32 $0x4D8, s4  }
0x17: {  	s21 =	sadd.s32 s0, s8;
	[dreg:$0x5] =	wrdreg s4;
	s4 =	sshrl.u32 s14, $0x3  }
0x18: {  	[dreg:$0x4] =	wrdreg s7;
	s14 =	sadd.s32 s0, s4;
	s4 =	sshrl.u32 s17, $0x3  }
0x19: {  	s7 =	simm.s32 $0x0;
	s17 =	sadd.s32 s18, s2;
	s16 =	sadd.s32 s0, s4  }
0x1a: {  	s4 =	sshrl.u32 s20, $0x3;
	s20 =	sadd.s32 s0, s25;
	s25 =	simm.s32 $0x7880  }
0x1b: {  	s18 =	sadd.s32 s0, s4;
	s0 =	sshrl.u32 s26, $0x3;
	s26 =	simm.s32 $0x3  }
0x1c: {  	s4 =	simm.s32 $0x2;
	s24 =	sadd.s32 s0, s9;
	s0 =	simm.s32 $0x2800  }
.LBB2_1:
0x1d: {  	s8 =	rddreg [dreg:$0x3]  }
0x1e: {  	[tilespmem:s25], [sflag:$0x3] =	stream.linear.gather [hbm4b:s8+s3], $0x4000, $0x38;
	[tilespmem:$0x1F880] =	vst v63  }
0x1f: {  	_ =	swait.ge [sflag:s26], $0x4000  }
0x20: {  	[sflag:s26] =	ssyncset.done $0x0  }
0x21: {  	[sflag:s26] =	ssyncadd.s32 $0xFFFFC000  }
0x22: {  	[spmem:s6] =	stream.linear.scatter [tilespmem:s25], [sflag:$0x3], $0x4000, $0x38;
	[tilespmem:$0x1F880] =	vst v63  }
0x23: {  	_ =	swait.ge [sflag:s26], $0x4000  }
0x24: {  	[sflag:s26] =	ssyncset.done $0x0  }
0x25: {  	s9 =	rddreg [dreg:$0x7];
	[sflag:s26] =	ssyncadd.s32 $0xFFFFC000  }
0x26: {  	[spmem:s9] =	stream.linear.scatter [tilespmem:s25], [sflag:$0x3], $0x4000, $0x38;
	[tilespmem:$0x1F880] =	vst v63  }
0x27: {  	_ =	swait.ge [sflag:s26], $0x4000  }
0x28: {  	[sflag:s26] =	ssyncset.done $0x0  }
0x29: {  	s10 =	rddreg [dreg:$0x8];
	[sflag:s26] =	ssyncadd.s32 $0xFFFFC000  }
0x2a: {  	[spmem:s10] =	stream.linear.scatter [tilespmem:s25], [sflag:$0x3], $0x4000, $0x38;
	[tilespmem:$0x1F880] =	vst v63  }
0x2b: {  	_ =	swait.ge [sflag:s26], $0x4000  }
0x2c: {  	[sflag:s26] =	ssyncset.done $0x0  }
0x2d: {  	s11 =	rddreg [dreg:$0x9];
	[sflag:s26] =	ssyncadd.s32 $0xFFFFC000  }
0x2e: {  	[spmem:s11] =	stream.linear.scatter [tilespmem:s25], [sflag:$0x3], $0x4000, $0x38;
	[tilespmem:$0x1F880] =	vst v63  }
0x2f: {  	_ =	swait.ge [sflag:s26], $0x4000  }
0x30: {  	[sflag:s26] =	ssyncset.done $0x0  }
0x31: {  	[sflag:s26] =	ssyncadd.s32 $0xFFFFC000  }
0x32: {  	[spmem:s13] =	stream.linear.scatter [tilespmem:s25], [sflag:$0x3], $0x4000, $0x38;
	[tilespmem:$0x1F880] =	vst v63  }
0x33: {  	_ =	swait.ge [sflag:s26], $0x4000  }
0x34: {  	[sflag:s26] =	ssyncset.done $0x0  }
0x35: {  	s12 =	rddreg [dreg:$0x4];
	[sflag:s26] =	ssyncadd.s32 $0xFFFFC000  }
0x36: {  	[tilespmem:s3], [sflag:$0x3] =	stream.linear.gather [hbm4b:s12+s3], $0x2710, $0x38;
	[tilespmem:$0x1F880] =	vst v63  }
0x37: {  	_ =	swait.ge [sflag:s26], $0x2710  }
0x38: {  	[sflag:s26] =	ssyncset.done $0x0  }
0x39: {  	[sflag:s26] =	ssyncadd.s32 $0xFFFFD8F0  }
0x3a: {  	[bflag:$0x0] =	sbarrier.arrive $0xFFFF  }
0x3b: {  	[tilespmem:s29], [sflag:$0x1] =	stream.indirect.gather [hbm4b:s5+s28], $0x80, s3, s28, $0xb8;
	[tilespmem:$0x1F880] =	vst v63  }
0x3c: {  	s9 =	simm.s32 $0x50  }
0x3d: {  	[tilespmem:s30], [sflag:$0x2] =	stream.indirect.gather [hbm4b:s5+s28], $0x80, s9, s28, $0xb8;
	[tilespmem:$0x1F880] =	vst v63  }
0x3e: {  	s10 =	sadd.s32 $0x0, s23  }
0x3f: {  	[tilespmem:s31], [sflag:$0x3] =	stream.linear.gather [hbm4b:s10+s3], $0x50, $0x38;
	[tilespmem:$0x1F880] =	vst v63  }
0x40: {  	_ =	swait.ge [sflag:s26], $0x50  }
0x41: {  	[sflag:s26] =	ssyncset.done $0x0  }
0x42: {  	[sflag:s26] =	ssyncadd.s32 $0xFFFFFFB0  }
0x43: {  	_ =	swait.ge [sflag:s1], $0x2800  }
0x44: {  	[sflag:s1] =	ssyncset.done $0x0  }
0x45: {  	[sflag:s1] =	ssyncadd.s32 $0xFFFFD800  }
0x46: {  	[spmem:s2] =	stream.indirect.scatter.add.f32 [tilespmem:s29], [sflag:$0x3], $0x80, s31, s28, $0xb8;
	[tilespmem:$0x1F880] =	vst v63  }
0x47: {  	_ =	swait.ge [sflag:s26], $0x2800  }
0x48: {  	[sflag:s26] =	ssyncset.done $0x0  }
0x49: {  	s11 =	simm.s32 $0xA0;
	[sflag:s26] =	ssyncadd.s32 $0xFFFFD800  }
0x4a: {  	[tilespmem:s29], [sflag:$0x1] =	stream.indirect.gather [hbm4b:s5+s28], $0x80, s11, s28, $0xb8;
	[tilespmem:$0x1F880] =	vst v63  }
0x4b: {  	s12 =	sadd.s32 $0x0, s24  }
0x4c: {  	[tilespmem:s0], [sflag:$0x3] =	stream.linear.gather [hbm4b:s12+s3], $0x50, $0x38;
	[tilespmem:$0x1F880] =	vst v63  }
0x4d: {  	_ =	swait.ge [sflag:s26], $0x50  }
0x4e: {  	[sflag:s26] =	ssyncset.done $0x0  }
0x4f: {  	[sflag:s26] =	ssyncadd.s32 $0xFFFFFFB0  }
0x50: {  	_ =	swait.ge [sflag:s4], $0x2800  }
0x51: {  	[sflag:s4] =	ssyncset.done $0x0  }
0x52: {  	[sflag:s4] =	ssyncadd.s32 $0xFFFFD800  }
0x53: {  	[spmem:s2] =	stream.indirect.scatter.add.f32 [tilespmem:s30], [sflag:$0x3], $0x80, s0, s28, $0xb8;
	[tilespmem:$0x1F880] =	vst v63  }
0x54: {  	s8 =	simm.s32 $0x14;
	_ =	swait.ge [sflag:s26], $0x2800  }
0x55: {  	s9 =	simm.s32 $0x140;
	s10 =	simm.s32 $0x28;
	[sflag:s26] =	ssyncset.done $0x0  }
.LBB2_2:
0x56: {  	p0 =	sne.s32 s10, $0x4C4;
	s11 =	sadd.s32 $0xFFFFFFB0, s9;
	[sflag:s26] =	ssyncadd.s32 $0xFFFFD800  }
0x57: {  	[tilespmem:s30], [sflag:$0x2] =	stream.indirect.gather [hbm4b:s5+s28], $0x80, s11, s28, $0xb8;
	[tilespmem:$0x1F880] =	vst v63  }
0x58: {  	s12 =	smov.u32 s10;
	s10 =	sadd.s32 $0x14, s10;
	s11 =	sadd.s32 s8, s23  }
0x59: {  	[tilespmem:s31], [sflag:$0x3] =	stream.linear.gather [hbm4b:s11+s3], $0x50, $0x38;
	[tilespmem:$0x1F880] =	vst v63  }
0x5a: {  	_ =	swait.ge [sflag:s26], $0x50  }
0x5b: {  	[sflag:s26] =	ssyncset.done $0x0  }
0x5c: {  	[sflag:s26] =	ssyncadd.s32 $0xFFFFFFB0  }
0x5d: {  	_ =	swait.ge [sflag:s1], $0x2800  }
0x5e: {  	[sflag:s1] =	ssyncset.done $0x0  }
0x5f: {  	[sflag:s1] =	ssyncadd.s32 $0xFFFFD800  }
0x60: {  	[spmem:s2] =	stream.indirect.scatter.add.f32 [tilespmem:s29], [sflag:$0x3], $0x80, s31, s28, $0xb8;
	[tilespmem:$0x1F880] =	vst v63  }
0x61: {  	_ =	swait.ge [sflag:s26], $0x2800  }
0x62: {  	[sflag:s26] =	ssyncset.done $0x0  }
0x63: {  	[sflag:s26] =	ssyncadd.s32 $0xFFFFD800  }
0x64: {  	[tilespmem:s29], [sflag:$0x1] =	stream.indirect.gather [hbm4b:s5+s28], $0x80, s9, s28, $0xb8;
	[tilespmem:$0x1F880] =	vst v63  }
0x65: {  	s11 =	sadd.s32 s8, s24;
	s8 =	smov.u32 s12  }
0x66: {  	[tilespmem:s0], [sflag:$0x3] =	stream.linear.gather [hbm4b:s11+s3], $0x50, $0x38;
	[tilespmem:$0x1F880] =	vst v63  }
0x67: {  	_ =	swait.ge [sflag:s26], $0x50  }
0x68: {  	[sflag:s26] =	ssyncset.done $0x0  }
0x69: {  	[sflag:s26] =	ssyncadd.s32 $0xFFFFFFB0  }
0x6a: {  	_ =	swait.ge [sflag:s4], $0x2800  }
.Ltmp0:
0x6b: {  	[sflag:s4] =	ssyncset.done $0x0;
	(pc) =	sbr.rel @p0 .LBB2_2-.Ltmp0, $4  }
0x6c: {  	[sflag:s4] =	ssyncadd.s32 $0xFFFFD800  }
0x6d: {  	[spmem:s2] =	stream.indirect.scatter.add.f32 [tilespmem:s30], [sflag:$0x3], $0x80, s0, s28, $0xb8;
	[tilespmem:$0x1F880] =	vst v63  }
0x6e: {  	_ =	swait.ge [sflag:s26], $0x2800  }
0x6f: {  	s9 =	sadd.s32 $0xA0, s9;
	[sflag:s26] =	ssyncset.done $0x0  }
0x70: {  	s10 =	sadd.s32 $0xFFFFFFB0, s9;
	[sflag:s26] =	ssyncadd.s32 $0xFFFFD800  }
0x71: {  	[tilespmem:s30], [sflag:$0x2] =	stream.indirect.gather [hbm4b:s5+s28], $0x80, s10, s28, $0xb8;
	[tilespmem:$0x1F880] =	vst v63  }
0x72: {  	s12 =	sadd.s32 s8, s23  }
0x73: {  	[tilespmem:s31], [sflag:$0x3] =	stream.linear.gather [hbm4b:s12+s3], $0x50, $0x38;
	[tilespmem:$0x1F880] =	vst v63  }
0x74: {  	_ =	swait.ge [sflag:s26], $0x50  }
0x75: {  	[sflag:s26] =	ssyncset.done $0x0  }
0x76: {  	[sflag:s26] =	ssyncadd.s32 $0xFFFFFFB0  }
0x77: {  	_ =	swait.ge [sflag:s1], $0x2800  }
0x78: {  	[sflag:s1] =	ssyncset.done $0x0  }
0x79: {  	[sflag:s1] =	ssyncadd.s32 $0xFFFFD800  }
0x7a: {  	[spmem:s2] =	stream.indirect.scatter.add.f32 [tilespmem:s29], [sflag:$0x3], $0x80, s31, s28, $0xb8;
	[tilespmem:$0x1F880] =	vst v63  }
0x7b: {  	_ =	swait.ge [sflag:s26], $0x2800  }
0x7c: {  	[sflag:s26] =	ssyncset.done $0x0  }
0x7d: {  	[sflag:s26] =	ssyncadd.s32 $0xFFFFD800  }
0x7e: {  	[tilespmem:s29], [sflag:$0x1] =	stream.indirect.gather [hbm4b:s5+s28], $0x80, s9, s28, $0xb8;
	[tilespmem:$0x1F880] =	vst v63  }
0x7f: {  	s10 =	sadd.s32 s8, s24  }
0x80: {  	[tilespmem:s0], [sflag:$0x3] =	stream.linear.gather [hbm4b:s10+s3], $0x50, $0x38;
	[tilespmem:$0x1F880] =	vst v63  }
0x81: {  	_ =	swait.ge [sflag:s26], $0x50  }
0x82: {  	[sflag:s26] =	ssyncset.done $0x0  }
0x83: {  	[sflag:s26] =	ssyncadd.s32 $0xFFFFFFB0  }
0x84: {  	_ =	swait.ge [sflag:s4], $0x2800  }
0x85: {  	[sflag:s4] =	ssyncset.done $0x0  }
0x86: {  	[sflag:s4] =	ssyncadd.s32 $0xFFFFD800  }
0x87: {  	[spmem:s2] =	stream.indirect.scatter.add.f32 [tilespmem:s30], [sflag:$0x3], $0x80, s0, s28, $0xb8;
	[tilespmem:$0x1F880] =	vst v63  }
0x88: {  	_ =	swait.ge [sflag:s26], $0x2800  }
0x89: {  	[sflag:s26] =	ssyncset.done $0x0  }
0x8a: {  	s11 =	rddreg [dreg:$0x5];
	[sflag:s26] =	ssyncadd.s32 $0xFFFFD800  }
0x8b: {  	[tilespmem:s31], [sflag:$0x3] =	stream.linear.gather [hbm4b:s11+s3], $0x50, $0x38;
	[tilespmem:$0x1F880] =	vst v63  }
0x8c: {  	_ =	swait.ge [sflag:s26], $0x50  }
0x8d: {  	[sflag:s26] =	ssyncset.done $0x0  }
0x8e: {  	[sflag:s26] =	ssyncadd.s32 $0xFFFFFFB0  }
0x8f: {  	_ =	swait.ge [sflag:s1], $0x2800  }
0x90: {  	[sflag:s1] =	ssyncset.done $0x0  }
0x91: {  	[sflag:s1] =	ssyncadd.s32 $0xFFFFD800  }
0x92: {  	[spmem:s2] =	stream.indirect.scatter.add.f32 [tilespmem:s29], [sflag:$0x3], $0x80, s31, s28, $0xb8;
	[tilespmem:$0x1F880] =	vst v63  }
0x93: {  	_ =	swait.ge [sflag:s26], $0x2800  }
0x94: {  	[sflag:s26] =	ssyncset.done $0x0  }
0x95: {  	[sflag:s26] =	ssyncadd.s32 $0xFFFFD800  }
0x96: {  	[bflag:$0x0] =	sbarrier.arrive $0xFFFF  }
0x97: {  	[tilespmem:s25], [sflag:$0x3] =	stream.linear.gather [spmem:s6], $0x4000, $0x38;
	[tilespmem:$0x1F880] =	vst v63  }
0x98: {  	_ =	swait.ge [sflag:s26], $0x4000  }
0x99: {  	[sflag:s26] =	ssyncset.done $0x0  }
0x9a: {  	[sflag:s26] =	ssyncadd.s32 $0xFFFFC000  }
0x9b: {  	[hbm4b:s14+s3] =	stream.linear.scatter [tilespmem:s25], [sflag:$0x3], $0x4000, $0x38;
	[tilespmem:$0x1F880] =	vst v63  }
0x9c: {  	_ =	swait.ge [sflag:s26], $0x4000  }
0x9d: {  	[sflag:s26] =	ssyncset.done $0x0  }
0x9e: {  	[sflag:s26] =	ssyncadd.s32 $0xFFFFC000  }
0x9f: {  	[tilespmem:s25], [sflag:$0x3] =	stream.linear.gather [spmem:s15], $0x4000, $0x38;
	[tilespmem:$0x1F880] =	vst v63  }
0xa0: {  	_ =	swait.ge [sflag:s26], $0x4000  }
0xa1: {  	[sflag:s26] =	ssyncset.done $0x0  }
0xa2: {  	[sflag:s26] =	ssyncadd.s32 $0xFFFFC000  }
0xa3: {  	[hbm4b:s16+s3] =	stream.linear.scatter [tilespmem:s25], [sflag:$0x3], $0x4000, $0x38;
	[tilespmem:$0x1F880] =	vst v63  }
0xa4: {  	_ =	swait.ge [sflag:s26], $0x4000  }
0xa5: {  	[sflag:s26] =	ssyncset.done $0x0  }
0xa6: {  	[sflag:s26] =	ssyncadd.s32 $0xFFFFC000  }
0xa7: {  	[tilespmem:s25], [sflag:$0x3] =	stream.linear.gather [spmem:s17], $0x4000, $0x38;
	[tilespmem:$0x1F880] =	vst v63  }
0xa8: {  	_ =	swait.ge [sflag:s26], $0x4000  }
0xa9: {  	[sflag:s26] =	ssyncset.done $0x0  }
0xaa: {  	[sflag:s26] =	ssyncadd.s32 $0xFFFFC000  }
0xab: {  	[hbm4b:s18+s3] =	stream.linear.scatter [tilespmem:s25], [sflag:$0x3], $0x4000, $0x38;
	[tilespmem:$0x1F880] =	vst v63  }
0xac: {  	_ =	swait.ge [sflag:s26], $0x4000  }
0xad: {  	[sflag:s26] =	ssyncset.done $0x0  }
0xae: {  	[sflag:s26] =	ssyncadd.s32 $0xFFFFC000  }
0xaf: {  	[tilespmem:s25], [sflag:$0x3] =	stream.linear.gather [spmem:s19], $0x4000, $0x38;
	[tilespmem:$0x1F880] =	vst v63  }
0xb0: {  	_ =	swait.ge [sflag:s26], $0x4000  }
0xb1: {  	[sflag:s26] =	ssyncset.done $0x0  }
0xb2: {  	[sflag:s26] =	ssyncadd.s32 $0xFFFFC000  }
0xb3: {  	[hbm4b:s20+s3] =	stream.linear.scatter [tilespmem:s25], [sflag:$0x3], $0x4000, $0x38;
	[tilespmem:$0x1F880] =	vst v63  }
0xb4: {  	_ =	swait.ge [sflag:s26], $0x4000  }
0xb5: {  	[sflag:s26] =	ssyncset.done $0x0  }
0xb6: {  	[sflag:s26] =	ssyncadd.s32 $0xFFFFC000  }
0xb7: {  	[tilespmem:s25], [sflag:$0x3] =	stream.linear.gather [spmem:s22], $0x4000, $0x38;
	[tilespmem:$0x1F880] =	vst v63  }
0xb8: {  	_ =	swait.ge [sflag:s26], $0x4000  }
0xb9: {  	[sflag:s26] =	ssyncset.done $0x0  }
0xba: {  	[sflag:s26] =	ssyncadd.s32 $0xFFFFC000  }
0xbb: {  	[hbm4b:s21+s3] =	stream.linear.scatter [tilespmem:s25], [sflag:$0x3], $0x4000, $0x38;
	[tilespmem:$0x1F880] =	vst v63  }
0xbc: {  	_ =	swait.ge [sflag:s26], $0x4000  }
0xbd: {  	s7 =	sadd.s32 $0x1, s7;
	s12 =	rddreg [dreg:$0x6]  }
0xbe: {  	p0 =	sne.s32 s7, s12  }
.Ltmp1:
0xbf: {  	_ = 	snop;
	(pc) =	sbr.rel @p0 .LBB2_1-.Ltmp1, $3  }
0xc0: {  	_ =	sdelay $0x1  }
0xc1: {  	[sflag:s26] =	ssyncset.done $0x0  }
0xc2: {  	[sflag:s26] =	ssyncadd.s32 $0xFFFFC000  }
0xc3: {  	_ =	sfence.sel $0x180000  }
0xc4: {  	[bflag:$0x0] =	sbarrier.arrive $0xFFFF  }
0xc5: {  	_ =	strace $0x90000047  }
0xc6: {  	s0 =	stileid.u32;
	[bflag:$0x2] =	sbarrier.arrive $0xFFFF  }
0xc7: {  	p0 =	sne.s32 s0, $0x0;
	s0 =	rddreg [dreg:$0x2]  }
0xc8: {  	s0 =	sadd.s32 @!p0 $0x100000, s0  }
0xc9: {  	[sflag:s0] =	ssyncadd.tile.s32 @!p0 $0x1;
	_ =	shalt  }
.Lfunc_end2:
_tile_overlayer_lowered:
.L_overlay_start_2:
0xca: {  	(tag) =	ssettag $0x2  }
0xcb: {  	s0 =	rddreg [dreg:$0x0];
	s2 =	stileid.u32  }
0xcc: {  	s1 =	rddreg [dreg:$0x1];
	p0 =	sne.s32 s2, $0x0  }
0xcd: {  	s3 =	rddreg [dreg:$0x2];
	[bflag:$0x3] =	sbarrier.arrive $0xFFFF;
	s2 =	simm.s32 @!p0 $0x1C03  }
0xce: {  	[timem:s3], [sflag:s2] =	dma.local @!p0 [hbm:s0], s1  }
0xcf: {  	s0 =	simm.s32 @!p0 $0x3  }
0xd0: {  	_ =	swait.ge @!p0 [sflag:s0], s1  }
0xd1: {  	s1 =	ssub.s32 @!p0 $0x0, s1;
	[sflag:s0] =	ssyncset.done @!p0 $0x0  }
0xd2: {  	[sflag:s0] =	ssyncadd.s32 @!p0 s1  }
0xd3: {  	[bflag:$0x3] =	sbarrier.arrive $0xFFFF  }
0xd4: {  	_ =	shalt  }

// kernel: kernel.13.cloned.1.call-start
scs
__scs_entry_jumppad:
0x0: {  	(pc) =	sbr.rel $0x88, $3  }
0x1: {  	(tag) =	ssettag $0x0;
	lr =	simm.s32 $0x1  }
0x2: {  	[smem:$0x3F90] =	sst lr;
	_ =	strace $0xD0000000  }
0x3: {  	_ = 	snop  }
0x4: {  	_ = 	snop  }
0x5: {  	_ = 	snop  }
0x6: {  	_ = 	snop  }
0x7: {  	_ = 	snop  }
__scs_overlays_trampoline_lowered:
0x8: {  	[smem:$0x3F9F] =	sst s0  }
0x9: {  	[smem:$0x3FA0] =	sst s1  }
0xa: {  	[smem:$0x3FA1] =	sst s2  }
0xb: {  	[smem:$0x3FA2] =	sst s3  }
0xc: {  	[smem:$0x3FA3] =	sst s4  }
0xd: {  	[smem:$0x3FA4] =	sst s5  }
0xe: {  	[smem:$0x3FA5] =	sst s6  }
0xf: {  	[smem:$0x3FA6] =	sst s7  }
0x10: {  	[smem:$0x3FA7] =	sst s8  }
0x11: {  	[smem:$0x3FA8] =	sst s9;
	s0 =	simm.s32 @!p0 $0x0  }
0x12: {  	s1 =	sld [smem:$0x3F8E];
	s0 =	simm.s32 @p0 $0x1  }
0x13: {  	[smem:$0x3FA9] =	sst s0;
	s0 =	simm.s32 @!p1 $0x0  }
0x14: {  	s2 =	sld [smem:$0x3F8D];
	s0 =	simm.s32 @p1 $0x1  }
0x15: {  	[smem:$0x3FAA] =	sst s0;
	s0 =	simm.s32 @!p2 $0x0  }
0x16: {  	s3 =	sld [smem:$0x3FDB];
	s0 =	simm.s32 @p2 $0x1  }
0x17: {  	s4 =	simm.s32 $0x1BF5;
	[smem:$0x3FAC] =	sst s0  }
0x18: {  	s0 =	sld [smem:$0x3F8F];
	_ =	swait.ge [sflag:s4], $0x0  }
0x19: {  	s7 =	sld [smem:$0x3F90]  }
0x1a: {  	s8 =	sadd.s32 $0xFFFFE003, lr  }
0x1b: {  	s9 =	sadd.s32 $0xFFFFFEF7, lr;
	s5 =	simm.s32 $0xFFFFFFFF;
	p2 =	slt.u32 s8, $0xFFFFF086  }
0x1c: {  	p1 =	slt.u32 s9, $0xF7A;
	s5 =	simm.s32 @!p2 $0x0  }
0x1d: {  	s5 =	simm.s32 @p1 $0x1;
	p0 =	seq.s32 s7, s2  }
0x1e: {  	s7 =	smul.u32 @!p0 $0xF7A, s2;
	p2 =	seq.s32 @!p0 s5, $0x0  }
0x1f: {  	s9 =	smul.u32 $0xF7A, s1;
	s8 =	simm.s32 @!p0 $0x1BF5;
	p2 =	por !p2, p0  }
0x20: {  	[sflag:s8] =	ssyncset.s32 @!p0 $0xFFFFF086;
	s6 =	sadd.s32 @!p0 s3, s7;
	s7 =	simm.s32 @!p0 $0x108  }
0x21: {  	s3 =	sadd.s32 s3, s9;
	s6 =	sadd.s32 @!p0 $0x88, s6;
	s7 =	simm.s32 @p2 $0x1082  }
0x22: {  	[simem:s7], [sflag:s8] =	dma.local @!p0 [hbm:s6], $0xF7A  }
0x23: {  	s9 =	sor.u32 $0xD0000000, s2;
	s6 =	simm.s32 $0x108;
	_ =	swait.ge @!p0 [sflag:s8], $0x0  }
0x24: {  	s3 =	sadd.s32 $0x88, s3;
	s6 =	simm.s32 @!p1 $0x1082;
	[sflag:s4] =	ssyncset.s32 $0xFFFFF086  }
0x25: {  	[simem:s6], [sflag:s4] =	dma.local [hbm:s3], $0xF7A  }
0x26: {  	[smem:$0x3F90] =	sst s1;
	(tag) =	ssettag s2;
	_ =	strace s9  }
0x27: {  	s1 =	sld [smem:$0x3FA0]  }
0x28: {  	s2 =	sld [smem:$0x3FA1]  }
0x29: {  	s4 =	sld [smem:$0x3FA3]  }
0x2a: {  	p0 =	seq.s32 s5, $0x0;
	s5 =	sld [smem:$0x3FA4]  }
0x2b: {  	s6 =	sld [smem:$0x3FA5]  }
0x2c: {  	s7 =	sld [smem:$0x3FA6]  }
0x2d: {  	s3 =	simm.s32 $0x108;
	s8 =	sld [smem:$0x3FA7]  }
0x2e: {  	s3 =	simm.s32 @!p0 $0x1082;
	s9 =	sld [smem:$0x3FA8]  }
0x2f: {  	lr =	sadd.s32 s0, s3;
	s0 =	sld [smem:$0x3F9F]  }
0x30: {  	s3 =	sld [smem:$0x3FA2]  }
0x31: {  	[smem:$0x3FAB] =	sst s10  }
0x32: {  	s10 =	sld [smem:$0x3FA9];
	_ =	sdelay $0x3  }
0x33: {  	p0 =	seq.s32 s10, $0x1;
	s10 =	sld [smem:$0x3FAB];
	_ =	sdelay $0x3  }
0x34: {  	[smem:$0x3FAB] =	sst s10  }
0x35: {  	s10 =	sld [smem:$0x3FAA];
	_ =	sdelay $0x3  }
0x36: {  	p1 =	seq.s32 s10, $0x1;
	s10 =	sld [smem:$0x3FAB];
	_ =	sdelay $0x3  }
0x37: {  	[smem:$0x3FAB] =	sst s10  }
0x38: {  	s10 =	sld [smem:$0x3FAC]  }
0x39: {  	_ = 	snop;
	(pc) =	sbr.ind lr, $3  }
0x3a: {  	_ = 	snop  }
0x3b: {  	_ = 	snop  }
0x3c: {  	p2 =	seq.s32 s10, $0x1;
	s10 =	sld [smem:$0x3FAB]  }
0x3d: {  	_ =	shalt  }
0x3e: {  	_ =	shalt  }
0x3f: {  	_ =	shalt  }
0x40: {  	_ =	shalt  }
0x41: {  	_ =	shalt  }
0x42: {  	_ =	shalt  }
0x43: {  	_ =	shalt  }
0x44: {  	_ =	shalt  }
0x45: {  	_ =	shalt  }
0x46: {  	_ =	shalt  }
0x47: {  	_ =	shalt  }
0x48: {  	_ =	shalt  }
0x49: {  	_ =	shalt  }
0x4a: {  	_ =	shalt  }
0x4b: {  	_ =	shalt  }
0x4c: {  	_ =	shalt  }
0x4d: {  	_ =	shalt  }
0x4e: {  	_ =	shalt  }
0x4f: {  	_ =	shalt  }
0x50: {  	_ =	shalt  }
0x51: {  	_ =	shalt  }
0x52: {  	_ =	shalt  }
0x53: {  	_ =	shalt  }
0x54: {  	_ =	shalt  }
0x55: {  	_ =	shalt  }
0x56: {  	_ =	shalt  }
0x57: {  	_ =	shalt  }
0x58: {  	_ =	shalt  }
0x59: {  	_ =	shalt  }
0x5a: {  	_ =	shalt  }
0x5b: {  	_ =	shalt  }
0x5c: {  	_ =	shalt  }
0x5d: {  	_ =	shalt  }
0x5e: {  	_ =	shalt  }
0x5f: {  	_ =	shalt  }
0x60: {  	_ =	shalt  }
0x61: {  	_ =	shalt  }
0x62: {  	_ =	shalt  }
0x63: {  	_ =	shalt  }
0x64: {  	_ =	shalt  }
0x65: {  	_ =	shalt  }
0x66: {  	_ =	shalt  }
0x67: {  	_ =	shalt  }
0x68: {  	_ =	shalt  }
0x69: {  	_ =	shalt  }
0x6a: {  	_ =	shalt  }
0x6b: {  	_ =	shalt  }
0x6c: {  	_ =	shalt  }
0x6d: {  	_ =	shalt  }
0x6e: {  	_ =	shalt  }
0x6f: {  	_ =	shalt  }
0x70: {  	_ =	shalt  }
0x71: {  	_ =	shalt  }
0x72: {  	_ =	shalt  }
0x73: {  	_ =	shalt  }
0x74: {  	_ =	shalt  }
0x75: {  	_ =	shalt  }
0x76: {  	_ =	shalt  }
0x77: {  	_ =	shalt  }
0x78: {  	_ =	shalt  }
0x79: {  	_ =	shalt  }
0x7a: {  	_ =	shalt  }
0x7b: {  	_ =	shalt  }
0x7c: {  	_ =	shalt  }
0x7d: {  	_ =	shalt  }
0x7e: {  	_ =	shalt  }
0x7f: {  	_ =	shalt  }
0x80: {  	_ =	shalt  }
0x81: {  	_ =	shalt  }
0x82: {  	_ =	shalt  }
0x83: {  	_ =	shalt  }
0x84: {  	_ =	shalt  }
0x85: {  	_ =	shalt  }
0x86: {  	_ =	shalt  }
0x87: {  	_ =	shalt  }
.Lfunc_end0:
.L_simem_size_0:
called_computation.1_lowered:
.L_overlay_start_0:
0x88: {  	s2 =	sld [smem:$0x3FD9]  }
0x89: {  	s3 =	sld [smem:$0x3FFE];
	_ =	sdelay $0x1  }
0x8a: {  	s1 =	srdreg.scid  }
0x8b: {  	s0 =	sand.u32 $0x1, s1  }
0x8c: {  	s16 =	sshll.u32 s0, $0xA;
	s2 =	sadd.s32 s3, s2  }
0x8d: {  	s2 =	sadd.s32 s2, s16  }
0x8e: {  	[smem:$0x3FB7] =	sst s2  }
0x8f: {  	_ = 	snop  }
0x90: {  	(tm) =	ssettm $0x1  }
0x91: {  	s17 =	sld [smem:$0x3FFB];
	_ =	sdelay $0x3  }
0x92: {  	_ =	strace s17  }
0x93: {  	s2 =	sld [smem:$0x3FFC];
	_ =	sdelay $0x3  }
0x94: {  	_ =	strace s2  }
0x95: {  	s2 =	sld [smem:$0x3FFD];
	_ =	sdelay $0x3  }
0x96: {  	_ =	strace s2  }
0x97: {  	_ =	strace $0x8FFFFFFF  }
0x98: {  	s18 =	sld [smem:$0x3FDB];
	_ =	sdelay $0x1  }
0x99: {  	s19 =	simm.s32 $_scs_section_size  }
0x9a: {  	s4 =	simm.s32 $_size__tile_overlayer_lowered;
	s5 =	simm.s32 $_tile_overlayer_lowered  }
0x9b: {  	s22 =	simm.s32 $0x1BFF;
	s21 =	sshll.u32 s5, $0x1;
	s2 =	sadd.s32 s19, s18  }
0x9c: {  	s6 =	simm.s32 $0x0;
	s20 =	sshll.u32 s4, $0x1;
	s4 =	sadd.s32 s21, s2  }
0x9d: {  	[timem:s6], [sflag:s22] =	dma.local [hbm:s4], s20  }
0x9e: {  	_ =	swait.ge [sflag:s22], s20  }
0x9f: {  	s3 =	ssub.s32 $0x0, s20;
	[sflag:s22] =	ssyncset.done $0x0  }
0xa0: {  	[sflag:s22] =	ssyncadd.s32 s3;
	_ =	sdelay $0x1  }
0xa1: {  	s23 =	simm.s32 $0x1B8B  }
0xa2: {  	_ =	swait.ge [sflag:s23], $0x1  }
0xa3: {  	[sflag:s23] =	ssyncset.done $0x0  }
0xa4: {  	s25 =	simm.s32 $0x1B8E;
	s24 =	sld [smem:$0x3FFE];
	[sflag:s23] =	ssyncadd.s32 $0xFFFFFFFF  }
0xa5: {  	s26 =	simm.s32 $execute0_lowered;
	[smem:$0x3FD2] =	sst s25  }
0xa6: {  	s4 =	sshll.u32 s26, $0x1;
	_ =	strace $0x80000049;
	[dreg:$0x1] =	wrdreg $0xFFFFFFFF  }
0xa7: {  	s28 =	simm.s32 $_size_execute0_lowered;
	s2 =	sadd.s32 s2, s4;
	[dreg:$0x0] =	wrdreg $0x0  }
0xa8: {  	s4 =	sshll.u32 s28, $0x1;
	[dreg:$0x2] =	wrdreg s2  }
0xa9: {  	[dreg:$0x3] =	wrdreg s4  }
0xaa: {  	[dreg:$0x4] =	wrdreg $0xC0  }
0xab: {  	_ =	task [dreg:s6], $0x5FFFF  }
0xac: {  	[dreg:$0x1] =	wrdreg $0xFFFFFFFF  }
0xad: {  	[dreg:$0x0] =	wrdreg $0x60  }
0xae: {  	[dreg:$0x2] =	wrdreg s24  }
0xaf: {  	[dreg:$0x3] =	wrdreg $0xB8800  }
0xb0: {  	[dreg:$0x4] =	wrdreg $0x9  }
0xb1: {  	_ =	task.clear_ibuf [dreg:s6], $0x5FFFF;
	_ =	strace $0x90000049  }
0xb2: {  	s29 =	simm.s32 $0x9;
	_ =	strace $0x8000004B  }
0xb3: {  	_ =	swait.ge [sflag:s29], $0x1  }
0xb4: {  	[sflag:s29] =	ssyncadd.s32 $0xFFFFFFFF  }
0xb5: {  	_ =	strace $0x9000004B  }
0xb6: {  	_ =	sfence  }
0xb7: {  	s30 =	sld [smem:$0x0];
	_ =	sdelay $0x2  }
0xb8: {  	s31 =	sshll.u32 s1, $0xD;
	s1 =	sshrl.u32 s1, $0x2  }
0xb9: {  	s3 =	sand.u32 $0x4000, s31;
	s1 =	sadd.s32 s1, s30  }
0xba: {  	s0 =	sor.u32 s3, s0;
	s1 =	sshll.u32 s1, $0x11  }
0xbb: {  	s0 =	sor.u32 s1, s0  }
0xbc: {  	s0 =	sadd.s32 $0x8F2B, s0  }
0xbd: {  	[sflag:s0] =	ssyncadd.remote.s32 $0x1  }
0xbe: {  	_ =	sfence.sel $0xFFFF  }
0xbf: {  	[dreg:$0x0] =	wrdreg $0xFFFFFFFF;
	(pc) =	sbr.abs _section_cstart, $3  }
0xc0: {  	[dreg:$0x1] =	wrdreg $0xFFFFFFFF  }
0xc1: {  	_ =	task.clear_ibuf [dreg:s6], $0x2FFFF;
	_ =	strace $0x9FFFFFFF  }
0xc2: {  	(tm) =	ssettm $0x7FFFFFFF  }
0xc3: {  	_ =	shalt  }
tec
execute0_lowered:
.L_overlay_start_1:
0x0: {  	(tag) =	ssettag $0x1  }
0x1: {  	s0 =	rddreg [dreg:$0x0]  }
0x2: {  	s1 =	srdreg.scid;
	s11 =	stileid.u32  }
0x3: {  	s2 =	rddreg [dreg:$0x1];
	s3 =	simm.s32 $0x0;
	s28 =	simm.s32 $0x50  }
0x4: {  	s29 =	simm.s32 $0x2880;
	s30 =	simm.s32 $0x5080;
	s31 =	simm.s32 $0x2780  }
0x5: {  	s1 =	sand.u32 $0x1, s1;
	s4 =	sshll.u32 s11, $0x1;
	s8 =	smul.u32 $0x50000, s11  }
0x6: {  	[smem:$0x7FF] =	sst s3;
	s5 =	sadd.s32 $0x17600, s0;
	s19 =	smul.u32 $0x14000, s11  }
0x7: {  	s9 =	sadd.s32 $0x3A00, s0;
	s21 =	smul.u32 $0x4E20, s11;
	s4 =	sor.u32 s1, s4  }
0x8: {  	_ =	strace $0x8000004A;
	[dreg:$0x3] =	wrdreg s5;
	s26 =	smul.u32 $0x140000, s1  }
0x9: {  	s5 =	sadd.s32 $0x17E00, s0;
	s6 =	ssub.s32 $0x2, s1;
	s1 =	smul.u32 $0x2710, s1  }
0xa: {  	s4 =	smul.u32 $0x2710, s4;
	s10 =	sshrl.u32 s6, $0x1;
	s25 =	sshrl.u32 s8, $0x2  }
0xb: {  	s16 =	sadd.s32 $0x4000, s19;
	s18 =	sadd.s32 $0x8000, s19;
	s22 =	sadd.s32 $0xC000, s19  }
0xc: {  	s23 =	sadd.s32 $0x10000, s19;
	s10 =	ssub.s32 s6, s10;
	s6 =	sadd.s32 s25, s2  }
0xd: {  	s14 =	sadd.s32 s26, s19;
	s17 =	sadd.s32 s26, s16;
	s20 =	sadd.s32 s26, s18  }
0xe: {  	s1 =	sadd.s32 s1, s21;
	s24 =	sadd.s32 s26, s22;
	s8 =	sadd.s32 s26, s23  }
0xf: {  	s19 =	sadd.s32 s22, s2;
	s22 =	sadd.s32 s23, s2;
	s4 =	sshrl.u32 s4, $0x3  }
0x10: {  	s10 =	smax.u32 s10, $0x1;
	s12 =	sadd.s32 $0x4000, s6;
	s13 =	sadd.s32 $0x8000, s6  }
0x11: {  	s15 =	sadd.s32 $0xC000, s6;
	s25 =	sshrl.u32 s24, $0x3;
	[dreg:$0x6] =	wrdreg s10  }
0x12: {  	s8 =	sshrl.u32 s8, $0x3;
	s26 =	sadd.s32 $0x50, s1;
	[dreg:$0x7] =	wrdreg s12  }
0x13: {  	s1 =	sshrl.u32 s1, $0x3;
	s7 =	sadd.s32 s4, s0;
	[dreg:$0x8] =	wrdreg s13  }
0x14: {  	s0 =	sadd.s32 $0x3F000, s0;
	s4 =	sadd.s32 s9, s4;
	[dreg:$0x9] =	wrdreg s15  }
0x15: {  	s13 =	sadd.s32 $0x10000, s6;
	s15 =	sadd.s32 s16, s2;
	s23 =	sadd.s32 s1, s9  }
0x16: {  	s1 =	simm.s32 $0x1;
	s7 =	sadd.s32 $0xD800, s7;
	s4 =	sadd.s32 $0x4D8, s4  }
0x17: {  	s21 =	sadd.s32 s0, s8;
	[dreg:$0x5] =	wrdreg s4;
	s4 =	sshrl.u32 s14, $0x3  }
0x18: {  	[dreg:$0x4] =	wrdreg s7;
	s14 =	sadd.s32 s0, s4;
	s4 =	sshrl.u32 s17, $0x3  }
0x19: {  	s7 =	simm.s32 $0x0;
	s17 =	sadd.s32 s18, s2;
	s16 =	sadd.s32 s0, s4  }
0x1a: {  	s4 =	sshrl.u32 s20, $0x3;
	s20 =	sadd.s32 s0, s25;
	s25 =	simm.s32 $0x7880  }
0x1b: {  	s18 =	sadd.s32 s0, s4;
	s0 =	sshrl.u32 s26, $0x3;
	s26 =	simm.s32 $0x3  }
0x1c: {  	s4 =	simm.s32 $0x2;
	s24 =	sadd.s32 s0, s9;
	s0 =	simm.s32 $0x2800  }
.LBB2_1:
0x1d: {  	s8 =	rddreg [dreg:$0x3]  }
0x1e: {  	[tilespmem:s25], [sflag:$0x3] =	stream.linear.gather [hbm4b:s8+s3], $0x4000, $0x38;
	[tilespmem:$0x1F880] =	vst v63  }
0x1f: {  	_ =	swait.ge [sflag:s26], $0x4000  }
0x20: {  	[sflag:s26] =	ssyncset.done $0x0  }
0x21: {  	[sflag:s26] =	ssyncadd.s32 $0xFFFFC000  }
0x22: {  	[spmem:s6] =	stream.linear.scatter [tilespmem:s25], [sflag:$0x3], $0x4000, $0x38;
	[tilespmem:$0x1F880] =	vst v63  }
0x23: {  	_ =	swait.ge [sflag:s26], $0x4000  }
0x24: {  	[sflag:s26] =	ssyncset.done $0x0  }
0x25: {  	s9 =	rddreg [dreg:$0x7];
	[sflag:s26] =	ssyncadd.s32 $0xFFFFC000  }
0x26: {  	[spmem:s9] =	stream.linear.scatter [tilespmem:s25], [sflag:$0x3], $0x4000, $0x38;
	[tilespmem:$0x1F880] =	vst v63  }
0x27: {  	_ =	swait.ge [sflag:s26], $0x4000  }
0x28: {  	[sflag:s26] =	ssyncset.done $0x0  }
0x29: {  	s10 =	rddreg [dreg:$0x8];
	[sflag:s26] =	ssyncadd.s32 $0xFFFFC000  }
0x2a: {  	[spmem:s10] =	stream.linear.scatter [tilespmem:s25], [sflag:$0x3], $0x4000, $0x38;
	[tilespmem:$0x1F880] =	vst v63  }
0x2b: {  	_ =	swait.ge [sflag:s26], $0x4000  }
0x2c: {  	[sflag:s26] =	ssyncset.done $0x0  }
0x2d: {  	s11 =	rddreg [dreg:$0x9];
	[sflag:s26] =	ssyncadd.s32 $0xFFFFC000  }
0x2e: {  	[spmem:s11] =	stream.linear.scatter [tilespmem:s25], [sflag:$0x3], $0x4000, $0x38;
	[tilespmem:$0x1F880] =	vst v63  }
0x2f: {  	_ =	swait.ge [sflag:s26], $0x4000  }
0x30: {  	[sflag:s26] =	ssyncset.done $0x0  }
0x31: {  	[sflag:s26] =	ssyncadd.s32 $0xFFFFC000  }
0x32: {  	[spmem:s13] =	stream.linear.scatter [tilespmem:s25], [sflag:$0x3], $0x4000, $0x38;
	[tilespmem:$0x1F880] =	vst v63  }
0x33: {  	_ =	swait.ge [sflag:s26], $0x4000  }
0x34: {  	[sflag:s26] =	ssyncset.done $0x0  }
0x35: {  	s12 =	rddreg [dreg:$0x4];
	[sflag:s26] =	ssyncadd.s32 $0xFFFFC000  }
0x36: {  	[tilespmem:s3], [sflag:$0x3] =	stream.linear.gather [hbm4b:s12+s3], $0x2710, $0x38;
	[tilespmem:$0x1F880] =	vst v63  }
0x37: {  	_ =	swait.ge [sflag:s26], $0x2710  }
0x38: {  	[sflag:s26] =	ssyncset.done $0x0  }
0x39: {  	[sflag:s26] =	ssyncadd.s32 $0xFFFFD8F0  }
0x3a: {  	[bflag:$0x0] =	sbarrier.arrive $0xFFFF  }
0x3b: {  	[tilespmem:s29], [sflag:$0x1] =	stream.indirect.gather [hbm4b:s5+s28], $0x80, s3, s28, $0xb8;
	[tilespmem:$0x1F880] =	vst v63  }
0x3c: {  	s9 =	simm.s32 $0x50  }
0x3d: {  	[tilespmem:s30], [sflag:$0x2] =	stream.indirect.gather [hbm4b:s5+s28], $0x80, s9, s28, $0xb8;
	[tilespmem:$0x1F880] =	vst v63  }
0x3e: {  	s10 =	sadd.s32 $0x0, s23  }
0x3f: {  	[tilespmem:s31], [sflag:$0x3] =	stream.linear.gather [hbm4b:s10+s3], $0x50, $0x38;
	[tilespmem:$0x1F880] =	vst v63  }
0x40: {  	_ =	swait.ge [sflag:s26], $0x50  }
0x41: {  	[sflag:s26] =	ssyncset.done $0x0  }
0x42: {  	[sflag:s26] =	ssyncadd.s32 $0xFFFFFFB0  }
0x43: {  	_ =	swait.ge [sflag:s1], $0x2800  }
0x44: {  	[sflag:s1] =	ssyncset.done $0x0  }
0x45: {  	[sflag:s1] =	ssyncadd.s32 $0xFFFFD800  }
0x46: {  	[spmem:s2] =	stream.indirect.scatter.add.f32 [tilespmem:s29], [sflag:$0x3], $0x80, s31, s28, $0xb8;
	[tilespmem:$0x1F880] =	vst v63  }
0x47: {  	_ =	swait.ge [sflag:s26], $0x2800  }
0x48: {  	[sflag:s26] =	ssyncset.done $0x0  }
0x49: {  	s11 =	simm.s32 $0xA0;
	[sflag:s26] =	ssyncadd.s32 $0xFFFFD800  }
0x4a: {  	[tilespmem:s29], [sflag:$0x1] =	stream.indirect.gather [hbm4b:s5+s28], $0x80, s11, s28, $0xb8;
	[tilespmem:$0x1F880] =	vst v63  }
0x4b: {  	s12 =	sadd.s32 $0x0, s24  }
0x4c: {  	[tilespmem:s0], [sflag:$0x3] =	stream.linear.gather [hbm4b:s12+s3], $0x50, $0x38;
	[tilespmem:$0x1F880] =	vst v63  }
0x4d: {  	_ =	swait.ge [sflag:s26], $0x50  }
0x4e: {  	[sflag:s26] =	ssyncset.done $0x0  }
0x4f: {  	[sflag:s26] =	ssyncadd.s32 $0xFFFFFFB0  }
0x50: {  	_ =	swait.ge [sflag:s4], $0x2800  }
0x51: {  	[sflag:s4] =	ssyncset.done $0x0  }
0x52: {  	[sflag:s4] =	ssyncadd.s32 $0xFFFFD800  }
0x53: {  	[spmem:s2] =	stream.indirect.scatter.add.f32 [tilespmem:s30], [sflag:$0x3], $0x80, s0, s28, $0xb8;
	[tilespmem:$0x1F880] =	vst v63  }
0x54: {  	s8 =	simm.s32 $0x14;
	_ =	swait.ge [sflag:s26], $0x2800  }
0x55: {  	s9 =	simm.s32 $0x140;
	s10 =	simm.s32 $0x28;
	[sflag:s26] =	ssyncset.done $0x0  }
.LBB2_2:
0x56: {  	p0 =	sne.s32 s10, $0x4C4;
	s11 =	sadd.s32 $0xFFFFFFB0, s9;
	[sflag:s26] =	ssyncadd.s32 $0xFFFFD800  }
0x57: {  	[tilespmem:s30], [sflag:$0x2] =	stream.indirect.gather [hbm4b:s5+s28], $0x80, s11, s28, $0xb8;
	[tilespmem:$0x1F880] =	vst v63  }
0x58: {  	s12 =	smov.u32 s10;
	s10 =	sadd.s32 $0x14, s10;
	s11 =	sadd.s32 s8, s23  }
0x59: {  	[tilespmem:s31], [sflag:$0x3] =	stream.linear.gather [hbm4b:s11+s3], $0x50, $0x38;
	[tilespmem:$0x1F880] =	vst v63  }
0x5a: {  	_ =	swait.ge [sflag:s26], $0x50  }
0x5b: {  	[sflag:s26] =	ssyncset.done $0x0  }
0x5c: {  	[sflag:s26] =	ssyncadd.s32 $0xFFFFFFB0  }
0x5d: {  	_ =	swait.ge [sflag:s1], $0x2800  }
0x5e: {  	[sflag:s1] =	ssyncset.done $0x0  }
0x5f: {  	[sflag:s1] =	ssyncadd.s32 $0xFFFFD800  }
0x60: {  	[spmem:s2] =	stream.indirect.scatter.add.f32 [tilespmem:s29], [sflag:$0x3], $0x80, s31, s28, $0xb8;
	[tilespmem:$0x1F880] =	vst v63  }
0x61: {  	_ =	swait.ge [sflag:s26], $0x2800  }
0x62: {  	[sflag:s26] =	ssyncset.done $0x0  }
0x63: {  	[sflag:s26] =	ssyncadd.s32 $0xFFFFD800  }
0x64: {  	[tilespmem:s29], [sflag:$0x1] =	stream.indirect.gather [hbm4b:s5+s28], $0x80, s9, s28, $0xb8;
	[tilespmem:$0x1F880] =	vst v63  }
0x65: {  	s11 =	sadd.s32 s8, s24;
	s8 =	smov.u32 s12  }
0x66: {  	[tilespmem:s0], [sflag:$0x3] =	stream.linear.gather [hbm4b:s11+s3], $0x50, $0x38;
	[tilespmem:$0x1F880] =	vst v63  }
0x67: {  	_ =	swait.ge [sflag:s26], $0x50  }
0x68: {  	[sflag:s26] =	ssyncset.done $0x0  }
0x69: {  	[sflag:s26] =	ssyncadd.s32 $0xFFFFFFB0  }
0x6a: {  	_ =	swait.ge [sflag:s4], $0x2800  }
.Ltmp0:
0x6b: {  	[sflag:s4] =	ssyncset.done $0x0;
	(pc) =	sbr.rel @p0 .LBB2_2-.Ltmp0, $4  }
0x6c: {  	[sflag:s4] =	ssyncadd.s32 $0xFFFFD800  }
0x6d: {  	[spmem:s2] =	stream.indirect.scatter.add.f32 [tilespmem:s30], [sflag:$0x3], $0x80, s0, s28, $0xb8;
	[tilespmem:$0x1F880] =	vst v63  }
0x6e: {  	_ =	swait.ge [sflag:s26], $0x2800  }
0x6f: {  	s9 =	sadd.s32 $0xA0, s9;
	[sflag:s26] =	ssyncset.done $0x0  }
0x70: {  	s10 =	sadd.s32 $0xFFFFFFB0, s9;
	[sflag:s26] =	ssyncadd.s32 $0xFFFFD800  }
0x71: {  	[tilespmem:s30], [sflag:$0x2] =	stream.indirect.gather [hbm4b:s5+s28], $0x80, s10, s28, $0xb8;
	[tilespmem:$0x1F880] =	vst v63  }
0x72: {  	s12 =	sadd.s32 s8, s23  }
0x73: {  	[tilespmem:s31], [sflag:$0x3] =	stream.linear.gather [hbm4b:s12+s3], $0x50, $0x38;
	[tilespmem:$0x1F880] =	vst v63  }
0x74: {  	_ =	swait.ge [sflag:s26], $0x50  }
0x75: {  	[sflag:s26] =	ssyncset.done $0x0  }
0x76: {  	[sflag:s26] =	ssyncadd.s32 $0xFFFFFFB0  }
0x77: {  	_ =	swait.ge [sflag:s1], $0x2800  }
0x78: {  	[sflag:s1] =	ssyncset.done $0x0  }
0x79: {  	[sflag:s1] =	ssyncadd.s32 $0xFFFFD800  }
0x7a: {  	[spmem:s2] =	stream.indirect.scatter.add.f32 [tilespmem:s29], [sflag:$0x3], $0x80, s31, s28, $0xb8;
	[tilespmem:$0x1F880] =	vst v63  }
0x7b: {  	_ =	swait.ge [sflag:s26], $0x2800  }
0x7c: {  	[sflag:s26] =	ssyncset.done $0x0  }
0x7d: {  	[sflag:s26] =	ssyncadd.s32 $0xFFFFD800  }
0x7e: {  	[tilespmem:s29], [sflag:$0x1] =	stream.indirect.gather [hbm4b:s5+s28], $0x80, s9, s28, $0xb8;
	[tilespmem:$0x1F880] =	vst v63  }
0x7f: {  	s10 =	sadd.s32 s8, s24  }
0x80: {  	[tilespmem:s0], [sflag:$0x3] =	stream.linear.gather [hbm4b:s10+s3], $0x50, $0x38;
	[tilespmem:$0x1F880] =	vst v63  }
0x81: {  	_ =	swait.ge [sflag:s26], $0x50  }
0x82: {  	[sflag:s26] =	ssyncset.done $0x0  }
0x83: {  	[sflag:s26] =	ssyncadd.s32 $0xFFFFFFB0  }
0x84: {  	_ =	swait.ge [sflag:s4], $0x2800  }
0x85: {  	[sflag:s4] =	ssyncset.done $0x0  }
0x86: {  	[sflag:s4] =	ssyncadd.s32 $0xFFFFD800  }
0x87: {  	[spmem:s2] =	stream.indirect.scatter.add.f32 [tilespmem:s30], [sflag:$0x3], $0x80, s0, s28, $0xb8;
	[tilespmem:$0x1F880] =	vst v63  }
0x88: {  	_ =	swait.ge [sflag:s26], $0x2800  }
0x89: {  	[sflag:s26] =	ssyncset.done $0x0  }
0x8a: {  	s11 =	rddreg [dreg:$0x5];
	[sflag:s26] =	ssyncadd.s32 $0xFFFFD800  }
0x8b: {  	[tilespmem:s31], [sflag:$0x3] =	stream.linear.gather [hbm4b:s11+s3], $0x50, $0x38;
	[tilespmem:$0x1F880] =	vst v63  }
0x8c: {  	_ =	swait.ge [sflag:s26], $0x50  }
0x8d: {  	[sflag:s26] =	ssyncset.done $0x0  }
0x8e: {  	[sflag:s26] =	ssyncadd.s32 $0xFFFFFFB0  }
0x8f: {  	_ =	swait.ge [sflag:s1], $0x2800  }
0x90: {  	[sflag:s1] =	ssyncset.done $0x0  }
0x91: {  	[sflag:s1] =	ssyncadd.s32 $0xFFFFD800  }
0x92: {  	[spmem:s2] =	stream.indirect.scatter.add.f32 [tilespmem:s29], [sflag:$0x3], $0x80, s31, s28, $0xb8;
	[tilespmem:$0x1F880] =	vst v63  }
0x93: {  	_ =	swait.ge [sflag:s26], $0x2800  }
0x94: {  	[sflag:s26] =	ssyncset.done $0x0  }
0x95: {  	[sflag:s26] =	ssyncadd.s32 $0xFFFFD800  }
0x96: {  	[bflag:$0x0] =	sbarrier.arrive $0xFFFF  }
0x97: {  	[tilespmem:s25], [sflag:$0x3] =	stream.linear.gather [spmem:s6], $0x4000, $0x38;
	[tilespmem:$0x1F880] =	vst v63  }
0x98: {  	_ =	swait.ge [sflag:s26], $0x4000  }
0x99: {  	[sflag:s26] =	ssyncset.done $0x0  }
0x9a: {  	[sflag:s26] =	ssyncadd.s32 $0xFFFFC000  }
0x9b: {  	[hbm4b:s14+s3] =	stream.linear.scatter [tilespmem:s25], [sflag:$0x3], $0x4000, $0x38;
	[tilespmem:$0x1F880] =	vst v63  }
0x9c: {  	_ =	swait.ge [sflag:s26], $0x4000  }
0x9d: {  	[sflag:s26] =	ssyncset.done $0x0  }
0x9e: {  	[sflag:s26] =	ssyncadd.s32 $0xFFFFC000  }
0x9f: {  	[tilespmem:s25], [sflag:$0x3] =	stream.linear.gather [spmem:s15], $0x4000, $0x38;
	[tilespmem:$0x1F880] =	vst v63  }
0xa0: {  	_ =	swait.ge [sflag:s26], $0x4000  }
0xa1: {  	[sflag:s26] =	ssyncset.done $0x0  }
0xa2: {  	[sflag:s26] =	ssyncadd.s32 $0xFFFFC000  }
0xa3: {  	[hbm4b:s16+s3] =	stream.linear.scatter [tilespmem:s25], [sflag:$0x3], $0x4000, $0x38;
	[tilespmem:$0x1F880] =	vst v63  }
0xa4: {  	_ =	swait.ge [sflag:s26], $0x4000  }
0xa5: {  	[sflag:s26] =	ssyncset.done $0x0  }
0xa6: {  	[sflag:s26] =	ssyncadd.s32 $0xFFFFC000  }
0xa7: {  	[tilespmem:s25], [sflag:$0x3] =	stream.linear.gather [spmem:s17], $0x4000, $0x38;
	[tilespmem:$0x1F880] =	vst v63  }
0xa8: {  	_ =	swait.ge [sflag:s26], $0x4000  }
0xa9: {  	[sflag:s26] =	ssyncset.done $0x0  }
0xaa: {  	[sflag:s26] =	ssyncadd.s32 $0xFFFFC000  }
0xab: {  	[hbm4b:s18+s3] =	stream.linear.scatter [tilespmem:s25], [sflag:$0x3], $0x4000, $0x38;
	[tilespmem:$0x1F880] =	vst v63  }
0xac: {  	_ =	swait.ge [sflag:s26], $0x4000  }
0xad: {  	[sflag:s26] =	ssyncset.done $0x0  }
0xae: {  	[sflag:s26] =	ssyncadd.s32 $0xFFFFC000  }
0xaf: {  	[tilespmem:s25], [sflag:$0x3] =	stream.linear.gather [spmem:s19], $0x4000, $0x38;
	[tilespmem:$0x1F880] =	vst v63  }
0xb0: {  	_ =	swait.ge [sflag:s26], $0x4000  }
0xb1: {  	[sflag:s26] =	ssyncset.done $0x0  }
0xb2: {  	[sflag:s26] =	ssyncadd.s32 $0xFFFFC000  }
0xb3: {  	[hbm4b:s20+s3] =	stream.linear.scatter [tilespmem:s25], [sflag:$0x3], $0x4000, $0x38;
	[tilespmem:$0x1F880] =	vst v63  }
0xb4: {  	_ =	swait.ge [sflag:s26], $0x4000  }
0xb5: {  	[sflag:s26] =	ssyncset.done $0x0  }
0xb6: {  	[sflag:s26] =	ssyncadd.s32 $0xFFFFC000  }
0xb7: {  	[tilespmem:s25], [sflag:$0x3] =	stream.linear.gather [spmem:s22], $0x4000, $0x38;
	[tilespmem:$0x1F880] =	vst v63  }
0xb8: {  	_ =	swait.ge [sflag:s26], $0x4000  }
0xb9: {  	[sflag:s26] =	ssyncset.done $0x0  }
0xba: {  	[sflag:s26] =	ssyncadd.s32 $0xFFFFC000  }
0xbb: {  	[hbm4b:s21+s3] =	stream.linear.scatter [tilespmem:s25], [sflag:$0x3], $0x4000, $0x38;
	[tilespmem:$0x1F880] =	vst v63  }
0xbc: {  	_ =	swait.ge [sflag:s26], $0x4000  }
0xbd: {  	s7 =	sadd.s32 $0x1, s7;
	s12 =	rddreg [dreg:$0x6]  }
0xbe: {  	p0 =	sne.s32 s7, s12  }
.Ltmp1:
0xbf: {  	_ = 	snop;
	(pc) =	sbr.rel @p0 .LBB2_1-.Ltmp1, $3  }
0xc0: {  	_ =	sdelay $0x1  }
0xc1: {  	[sflag:s26] =	ssyncset.done $0x0  }
0xc2: {  	[sflag:s26] =	ssyncadd.s32 $0xFFFFC000  }
0xc3: {  	_ =	sfence.sel $0x180000  }
0xc4: {  	[bflag:$0x0] =	sbarrier.arrive $0xFFFF  }
0xc5: {  	_ =	strace $0x9000004A  }
0xc6: {  	s0 =	stileid.u32;
	[bflag:$0x2] =	sbarrier.arrive $0xFFFF  }
0xc7: {  	p0 =	sne.s32 s0, $0x0;
	s0 =	rddreg [dreg:$0x2]  }
0xc8: {  	s0 =	sadd.s32 @!p0 $0x100000, s0  }
0xc9: {  	[sflag:s0] =	ssyncadd.tile.s32 @!p0 $0x1;
	_ =	shalt  }
.Lfunc_end2:
_tile_overlayer_lowered:
.L_overlay_start_2:
0xca: {  	(tag) =	ssettag $0x2  }
0xcb: {  	s0 =	rddreg [dreg:$0x0];
	s2 =	stileid.u32  }
0xcc: {  	s1 =	rddreg [dreg:$0x1];
	p0 =	sne.s32 s2, $0x0  }
0xcd: {  	s3 =	rddreg [dreg:$0x2];
	[bflag:$0x3] =	sbarrier.arrive $0xFFFF;
	s2 =	simm.s32 @!p0 $0x1C03  }
0xce: {  	[timem:s3], [sflag:s2] =	dma.local @!p0 [hbm:s0], s1  }
0xcf: {  	s0 =	simm.s32 @!p0 $0x3  }
0xd0: {  	_ =	swait.ge @!p0 [sflag:s0], s1  }
0xd1: {  	s1 =	ssub.s32 @!p0 $0x0, s1;
	[sflag:s0] =	ssyncset.done @!p0 $0x0  }
0xd2: {  	[sflag:s0] =	ssyncadd.s32 @!p0 s1  }
0xd3: {  	[bflag:$0x3] =	sbarrier.arrive $0xFFFF  }
0xd4: {  	_ =	shalt  }

// kernel: kernel.16.cloned.1.call-start
scs
__scs_entry_jumppad:
0x0: {  	(pc) =	sbr.rel $0x88, $3  }
0x1: {  	(tag) =	ssettag $0x0;
	lr =	simm.s32 $0x1  }
0x2: {  	[smem:$0x3F90] =	sst lr;
	_ =	strace $0xD0000000  }
0x3: {  	_ = 	snop  }
0x4: {  	_ = 	snop  }
0x5: {  	_ = 	snop  }
0x6: {  	_ = 	snop  }
0x7: {  	_ = 	snop  }
__scs_overlays_trampoline_lowered:
0x8: {  	[smem:$0x3F9F] =	sst s0  }
0x9: {  	[smem:$0x3FA0] =	sst s1  }
0xa: {  	[smem:$0x3FA1] =	sst s2  }
0xb: {  	[smem:$0x3FA2] =	sst s3  }
0xc: {  	[smem:$0x3FA3] =	sst s4  }
0xd: {  	[smem:$0x3FA4] =	sst s5  }
0xe: {  	[smem:$0x3FA5] =	sst s6  }
0xf: {  	[smem:$0x3FA6] =	sst s7  }
0x10: {  	[smem:$0x3FA7] =	sst s8  }
0x11: {  	[smem:$0x3FA8] =	sst s9;
	s0 =	simm.s32 @!p0 $0x0  }
0x12: {  	s1 =	sld [smem:$0x3F8E];
	s0 =	simm.s32 @p0 $0x1  }
0x13: {  	[smem:$0x3FA9] =	sst s0;
	s0 =	simm.s32 @!p1 $0x0  }
0x14: {  	s2 =	sld [smem:$0x3F8D];
	s0 =	simm.s32 @p1 $0x1  }
0x15: {  	[smem:$0x3FAA] =	sst s0;
	s0 =	simm.s32 @!p2 $0x0  }
0x16: {  	s3 =	sld [smem:$0x3FDB];
	s0 =	simm.s32 @p2 $0x1  }
0x17: {  	s4 =	simm.s32 $0x1BF5;
	[smem:$0x3FAC] =	sst s0  }
0x18: {  	s0 =	sld [smem:$0x3F8F];
	_ =	swait.ge [sflag:s4], $0x0  }
0x19: {  	s7 =	sld [smem:$0x3F90]  }
0x1a: {  	s8 =	sadd.s32 $0xFFFFE003, lr  }
0x1b: {  	s9 =	sadd.s32 $0xFFFFFEF7, lr;
	s5 =	simm.s32 $0xFFFFFFFF;
	p2 =	slt.u32 s8, $0xFFFFF086  }
0x1c: {  	p1 =	slt.u32 s9, $0xF7A;
	s5 =	simm.s32 @!p2 $0x0  }
0x1d: {  	s5 =	simm.s32 @p1 $0x1;
	p0 =	seq.s32 s7, s2  }
0x1e: {  	s7 =	smul.u32 @!p0 $0xF7A, s2;
	p2 =	seq.s32 @!p0 s5, $0x0  }
0x1f: {  	s9 =	smul.u32 $0xF7A, s1;
	s8 =	simm.s32 @!p0 $0x1BF5;
	p2 =	por !p2, p0  }
0x20: {  	[sflag:s8] =	ssyncset.s32 @!p0 $0xFFFFF086;
	s6 =	sadd.s32 @!p0 s3, s7;
	s7 =	simm.s32 @!p0 $0x108  }
0x21: {  	s3 =	sadd.s32 s3, s9;
	s6 =	sadd.s32 @!p0 $0x88, s6;
	s7 =	simm.s32 @p2 $0x1082  }
0x22: {  	[simem:s7], [sflag:s8] =	dma.local @!p0 [hbm:s6], $0xF7A  }
0x23: {  	s9 =	sor.u32 $0xD0000000, s2;
	s6 =	simm.s32 $0x108;
	_ =	swait.ge @!p0 [sflag:s8], $0x0  }
0x24: {  	s3 =	sadd.s32 $0x88, s3;
	s6 =	simm.s32 @!p1 $0x1082;
	[sflag:s4] =	ssyncset.s32 $0xFFFFF086  }
0x25: {  	[simem:s6], [sflag:s4] =	dma.local [hbm:s3], $0xF7A  }
0x26: {  	[smem:$0x3F90] =	sst s1;
	(tag) =	ssettag s2;
	_ =	strace s9  }
0x27: {  	s1 =	sld [smem:$0x3FA0]  }
0x28: {  	s2 =	sld [smem:$0x3FA1]  }
0x29: {  	s4 =	sld [smem:$0x3FA3]  }
0x2a: {  	p0 =	seq.s32 s5, $0x0;
	s5 =	sld [smem:$0x3FA4]  }
0x2b: {  	s6 =	sld [smem:$0x3FA5]  }
0x2c: {  	s7 =	sld [smem:$0x3FA6]  }
0x2d: {  	s3 =	simm.s32 $0x108;
	s8 =	sld [smem:$0x3FA7]  }
0x2e: {  	s3 =	simm.s32 @!p0 $0x1082;
	s9 =	sld [smem:$0x3FA8]  }
0x2f: {  	lr =	sadd.s32 s0, s3;
	s0 =	sld [smem:$0x3F9F]  }
0x30: {  	s3 =	sld [smem:$0x3FA2]  }
0x31: {  	[smem:$0x3FAB] =	sst s10  }
0x32: {  	s10 =	sld [smem:$0x3FA9];
	_ =	sdelay $0x3  }
0x33: {  	p0 =	seq.s32 s10, $0x1;
	s10 =	sld [smem:$0x3FAB];
	_ =	sdelay $0x3  }
0x34: {  	[smem:$0x3FAB] =	sst s10  }
0x35: {  	s10 =	sld [smem:$0x3FAA];
	_ =	sdelay $0x3  }
0x36: {  	p1 =	seq.s32 s10, $0x1;
	s10 =	sld [smem:$0x3FAB];
	_ =	sdelay $0x3  }
0x37: {  	[smem:$0x3FAB] =	sst s10  }
0x38: {  	s10 =	sld [smem:$0x3FAC]  }
0x39: {  	_ = 	snop;
	(pc) =	sbr.ind lr, $3  }
0x3a: {  	_ = 	snop  }
0x3b: {  	_ = 	snop  }
0x3c: {  	p2 =	seq.s32 s10, $0x1;
	s10 =	sld [smem:$0x3FAB]  }
0x3d: {  	_ =	shalt  }
0x3e: {  	_ =	shalt  }
0x3f: {  	_ =	shalt  }
0x40: {  	_ =	shalt  }
0x41: {  	_ =	shalt  }
0x42: {  	_ =	shalt  }
0x43: {  	_ =	shalt  }
0x44: {  	_ =	shalt  }
0x45: {  	_ =	shalt  }
0x46: {  	_ =	shalt  }
0x47: {  	_ =	shalt  }
0x48: {  	_ =	shalt  }
0x49: {  	_ =	shalt  }
0x4a: {  	_ =	shalt  }
0x4b: {  	_ =	shalt  }
0x4c: {  	_ =	shalt  }
0x4d: {  	_ =	shalt  }
0x4e: {  	_ =	shalt  }
0x4f: {  	_ =	shalt  }
0x50: {  	_ =	shalt  }
0x51: {  	_ =	shalt  }
0x52: {  	_ =	shalt  }
0x53: {  	_ =	shalt  }
0x54: {  	_ =	shalt  }
0x55: {  	_ =	shalt  }
0x56: {  	_ =	shalt  }
0x57: {  	_ =	shalt  }
0x58: {  	_ =	shalt  }
0x59: {  	_ =	shalt  }
0x5a: {  	_ =	shalt  }
0x5b: {  	_ =	shalt  }
0x5c: {  	_ =	shalt  }
0x5d: {  	_ =	shalt  }
0x5e: {  	_ =	shalt  }
0x5f: {  	_ =	shalt  }
0x60: {  	_ =	shalt  }
0x61: {  	_ =	shalt  }
0x62: {  	_ =	shalt  }
0x63: {  	_ =	shalt  }
0x64: {  	_ =	shalt  }
0x65: {  	_ =	shalt  }
0x66: {  	_ =	shalt  }
0x67: {  	_ =	shalt  }
0x68: {  	_ =	shalt  }
0x69: {  	_ =	shalt  }
0x6a: {  	_ =	shalt  }
0x6b: {  	_ =	shalt  }
0x6c: {  	_ =	shalt  }
0x6d: {  	_ =	shalt  }
0x6e: {  	_ =	shalt  }
0x6f: {  	_ =	shalt  }
0x70: {  	_ =	shalt  }
0x71: {  	_ =	shalt  }
0x72: {  	_ =	shalt  }
0x73: {  	_ =	shalt  }
0x74: {  	_ =	shalt  }
0x75: {  	_ =	shalt  }
0x76: {  	_ =	shalt  }
0x77: {  	_ =	shalt  }
0x78: {  	_ =	shalt  }
0x79: {  	_ =	shalt  }
0x7a: {  	_ =	shalt  }
0x7b: {  	_ =	shalt  }
0x7c: {  	_ =	shalt  }
0x7d: {  	_ =	shalt  }
0x7e: {  	_ =	shalt  }
0x7f: {  	_ =	shalt  }
0x80: {  	_ =	shalt  }
0x81: {  	_ =	shalt  }
0x82: {  	_ =	shalt  }
0x83: {  	_ =	shalt  }
0x84: {  	_ =	shalt  }
0x85: {  	_ =	shalt  }
0x86: {  	_ =	shalt  }
0x87: {  	_ =	shalt  }
.Lfunc_end0:
.L_simem_size_0:
called_computation.2_lowered:
.L_overlay_start_0:
0x88: {  	s2 =	sld [smem:$0x3FD9]  }
0x89: {  	s3 =	sld [smem:$0x3FFE];
	_ =	sdelay $0x1  }
0x8a: {  	s1 =	srdreg.scid  }
0x8b: {  	s0 =	sand.u32 $0x1, s1  }
0x8c: {  	s16 =	sshll.u32 s0, $0xA;
	s2 =	sadd.s32 s3, s2  }
0x8d: {  	s2 =	sadd.s32 s2, s16  }
0x8e: {  	[smem:$0x3FB7] =	sst s2  }
0x8f: {  	_ = 	snop  }
0x90: {  	(tm) =	ssettm $0x1  }
0x91: {  	s17 =	sld [smem:$0x3FFB];
	_ =	sdelay $0x3  }
0x92: {  	_ =	strace s17  }
0x93: {  	s2 =	sld [smem:$0x3FFC];
	_ =	sdelay $0x3  }
0x94: {  	_ =	strace s2  }
0x95: {  	s2 =	sld [smem:$0x3FFD];
	_ =	sdelay $0x3  }
0x96: {  	_ =	strace s2  }
0x97: {  	_ =	strace $0x8FFFFFFF  }
0x98: {  	s18 =	sld [smem:$0x3FDB];
	_ =	sdelay $0x1  }
0x99: {  	s19 =	simm.s32 $_scs_section_size  }
0x9a: {  	s4 =	simm.s32 $_size__tile_overlayer_lowered;
	s5 =	simm.s32 $_tile_overlayer_lowered  }
0x9b: {  	s22 =	simm.s32 $0x1BFF;
	s21 =	sshll.u32 s5, $0x1;
	s2 =	sadd.s32 s19, s18  }
0x9c: {  	s6 =	simm.s32 $0x0;
	s20 =	sshll.u32 s4, $0x1;
	s4 =	sadd.s32 s21, s2  }
0x9d: {  	[timem:s6], [sflag:s22] =	dma.local [hbm:s4], s20  }
0x9e: {  	_ =	swait.ge [sflag:s22], s20  }
0x9f: {  	s3 =	ssub.s32 $0x0, s20;
	[sflag:s22] =	ssyncset.done $0x0  }
0xa0: {  	[sflag:s22] =	ssyncadd.s32 s3;
	_ =	sdelay $0x1  }
0xa1: {  	s23 =	simm.s32 $0x1B8B  }
0xa2: {  	_ =	swait.ge [sflag:s23], $0x1  }
0xa3: {  	[sflag:s23] =	ssyncset.done $0x0  }
0xa4: {  	s25 =	simm.s32 $0x1B8E;
	s24 =	sld [smem:$0x3FFE];
	[sflag:s23] =	ssyncadd.s32 $0xFFFFFFFF  }
0xa5: {  	s26 =	simm.s32 $execute0_lowered;
	[smem:$0x3FD2] =	sst s25  }
0xa6: {  	s4 =	sshll.u32 s26, $0x1;
	_ =	strace $0x8000004C;
	[dreg:$0x1] =	wrdreg $0xFFFFFFFF  }
0xa7: {  	s28 =	simm.s32 $_size_execute0_lowered;
	s2 =	sadd.s32 s2, s4;
	[dreg:$0x0] =	wrdreg $0x0  }
0xa8: {  	s4 =	sshll.u32 s28, $0x1;
	[dreg:$0x2] =	wrdreg s2  }
0xa9: {  	[dreg:$0x3] =	wrdreg s4  }
0xaa: {  	[dreg:$0x4] =	wrdreg $0xC0  }
0xab: {  	_ =	task [dreg:s6], $0x5FFFF  }
0xac: {  	[dreg:$0x1] =	wrdreg $0xFFFFFFFF  }
0xad: {  	[dreg:$0x0] =	wrdreg $0x60  }
0xae: {  	[dreg:$0x2] =	wrdreg s24  }
0xaf: {  	[dreg:$0x3] =	wrdreg $0xB8800  }
0xb0: {  	[dreg:$0x4] =	wrdreg $0x9  }
0xb1: {  	_ =	task.clear_ibuf [dreg:s6], $0x5FFFF;
	_ =	strace $0x9000004C  }
0xb2: {  	s29 =	simm.s32 $0x9;
	_ =	strace $0x8000004E  }
0xb3: {  	_ =	swait.ge [sflag:s29], $0x1  }
0xb4: {  	[sflag:s29] =	ssyncadd.s32 $0xFFFFFFFF  }
0xb5: {  	_ =	strace $0x9000004E  }
0xb6: {  	_ =	sfence  }
0xb7: {  	s30 =	sld [smem:$0x0];
	_ =	sdelay $0x2  }
0xb8: {  	s31 =	sshll.u32 s1, $0xD;
	s1 =	sshrl.u32 s1, $0x2  }
0xb9: {  	s3 =	sand.u32 $0x4000, s31;
	s1 =	sadd.s32 s1, s30  }
0xba: {  	s0 =	sor.u32 s3, s0;
	s1 =	sshll.u32 s1, $0x11  }
0xbb: {  	s0 =	sor.u32 s1, s0  }
0xbc: {  	s0 =	sadd.s32 $0x8F2B, s0  }
0xbd: {  	[sflag:s0] =	ssyncadd.remote.s32 $0x1  }
0xbe: {  	_ =	sfence.sel $0xFFFF  }
0xbf: {  	[dreg:$0x0] =	wrdreg $0xFFFFFFFF;
	(pc) =	sbr.abs _section_cstart, $3  }
0xc0: {  	[dreg:$0x1] =	wrdreg $0xFFFFFFFF  }
0xc1: {  	_ =	task.clear_ibuf [dreg:s6], $0x2FFFF;
	_ =	strace $0x9FFFFFFF  }
0xc2: {  	(tm) =	ssettm $0x7FFFFFFF  }
0xc3: {  	_ =	shalt  }
tec
execute0_lowered:
.L_overlay_start_1:
0x0: {  	(tag) =	ssettag $0x1  }
0x1: {  	s0 =	rddreg [dreg:$0x0]  }
0x2: {  	s1 =	srdreg.scid;
	s11 =	stileid.u32  }
0x3: {  	s2 =	rddreg [dreg:$0x1];
	s3 =	simm.s32 $0x0;
	s28 =	simm.s32 $0x50  }
0x4: {  	s29 =	simm.s32 $0x2880;
	s30 =	simm.s32 $0x5080;
	s31 =	simm.s32 $0x2780  }
0x5: {  	s1 =	sand.u32 $0x1, s1;
	s4 =	sshll.u32 s11, $0x1;
	s8 =	smul.u32 $0x50000, s11  }
0x6: {  	[smem:$0x7FF] =	sst s3;
	s5 =	sadd.s32 $0x17600, s0;
	s19 =	smul.u32 $0x14000, s11  }
0x7: {  	s9 =	sadd.s32 $0x3A00, s0;
	s21 =	smul.u32 $0x4E20, s11;
	s4 =	sor.u32 s1, s4  }
0x8: {  	_ =	strace $0x8000004D;
	[dreg:$0x3] =	wrdreg s5;
	s26 =	smul.u32 $0x140000, s1  }
0x9: {  	s5 =	sadd.s32 $0x17E00, s0;
	s6 =	ssub.s32 $0x2, s1;
	s1 =	smul.u32 $0x2710, s1  }
0xa: {  	s4 =	smul.u32 $0x2710, s4;
	s10 =	sshrl.u32 s6, $0x1;
	s25 =	sshrl.u32 s8, $0x2  }
0xb: {  	s16 =	sadd.s32 $0x4000, s19;
	s18 =	sadd.s32 $0x8000, s19;
	s22 =	sadd.s32 $0xC000, s19  }
0xc: {  	s23 =	sadd.s32 $0x10000, s19;
	s10 =	ssub.s32 s6, s10;
	s6 =	sadd.s32 s25, s2  }
0xd: {  	s14 =	sadd.s32 s26, s19;
	s17 =	sadd.s32 s26, s16;
	s20 =	sadd.s32 s26, s18  }
0xe: {  	s1 =	sadd.s32 s1, s21;
	s24 =	sadd.s32 s26, s22;
	s8 =	sadd.s32 s26, s23  }
0xf: {  	s19 =	sadd.s32 s22, s2;
	s22 =	sadd.s32 s23, s2;
	s4 =	sshrl.u32 s4, $0x3  }
0x10: {  	s10 =	smax.u32 s10, $0x1;
	s12 =	sadd.s32 $0x4000, s6;
	s13 =	sadd.s32 $0x8000, s6  }
0x11: {  	s15 =	sadd.s32 $0xC000, s6;
	s25 =	sshrl.u32 s24, $0x3;
	[dreg:$0x6] =	wrdreg s10  }
0x12: {  	s8 =	sshrl.u32 s8, $0x3;
	s26 =	sadd.s32 $0x50, s1;
	[dreg:$0x7] =	wrdreg s12  }
0x13: {  	s1 =	sshrl.u32 s1, $0x3;
	s7 =	sadd.s32 s4, s0;
	[dreg:$0x8] =	wrdreg s13  }
0x14: {  	s0 =	sadd.s32 $0x3F000, s0;
	s4 =	sadd.s32 s9, s4;
	[dreg:$0x9] =	wrdreg s15  }
0x15: {  	s13 =	sadd.s32 $0x10000, s6;
	s15 =	sadd.s32 s16, s2;
	s23 =	sadd.s32 s1, s9  }
0x16: {  	s1 =	simm.s32 $0x1;
	s7 =	sadd.s32 $0xD800, s7;
	s4 =	sadd.s32 $0x4D8, s4  }
0x17: {  	s21 =	sadd.s32 s0, s8;
	[dreg:$0x5] =	wrdreg s4;
	s4 =	sshrl.u32 s14, $0x3  }
0x18: {  	[dreg:$0x4] =	wrdreg s7;
	s14 =	sadd.s32 s0, s4;
	s4 =	sshrl.u32 s17, $0x3  }
0x19: {  	s7 =	simm.s32 $0x0;
	s17 =	sadd.s32 s18, s2;
	s16 =	sadd.s32 s0, s4  }
0x1a: {  	s4 =	sshrl.u32 s20, $0x3;
	s20 =	sadd.s32 s0, s25;
	s25 =	simm.s32 $0x7880  }
0x1b: {  	s18 =	sadd.s32 s0, s4;
	s0 =	sshrl.u32 s26, $0x3;
	s26 =	simm.s32 $0x3  }
0x1c: {  	s4 =	simm.s32 $0x2;
	s24 =	sadd.s32 s0, s9;
	s0 =	simm.s32 $0x2800  }
.LBB2_1:
0x1d: {  	s8 =	rddreg [dreg:$0x3]  }
0x1e: {  	[tilespmem:s25], [sflag:$0x3] =	stream.linear.gather [hbm4b:s8+s3], $0x4000, $0x38;
	[tilespmem:$0x1F880] =	vst v63  }
0x1f: {  	_ =	swait.ge [sflag:s26], $0x4000  }
0x20: {  	[sflag:s26] =	ssyncset.done $0x0  }
0x21: {  	[sflag:s26] =	ssyncadd.s32 $0xFFFFC000  }
0x22: {  	[spmem:s6] =	stream.linear.scatter [tilespmem:s25], [sflag:$0x3], $0x4000, $0x38;
	[tilespmem:$0x1F880] =	vst v63  }
0x23: {  	_ =	swait.ge [sflag:s26], $0x4000  }
0x24: {  	[sflag:s26] =	ssyncset.done $0x0  }
0x25: {  	s9 =	rddreg [dreg:$0x7];
	[sflag:s26] =	ssyncadd.s32 $0xFFFFC000  }
0x26: {  	[spmem:s9] =	stream.linear.scatter [tilespmem:s25], [sflag:$0x3], $0x4000, $0x38;
	[tilespmem:$0x1F880] =	vst v63  }
0x27: {  	_ =	swait.ge [sflag:s26], $0x4000  }
0x28: {  	[sflag:s26] =	ssyncset.done $0x0  }
0x29: {  	s10 =	rddreg [dreg:$0x8];
	[sflag:s26] =	ssyncadd.s32 $0xFFFFC000  }
0x2a: {  	[spmem:s10] =	stream.linear.scatter [tilespmem:s25], [sflag:$0x3], $0x4000, $0x38;
	[tilespmem:$0x1F880] =	vst v63  }
0x2b: {  	_ =	swait.ge [sflag:s26], $0x4000  }
0x2c: {  	[sflag:s26] =	ssyncset.done $0x0  }
0x2d: {  	s11 =	rddreg [dreg:$0x9];
	[sflag:s26] =	ssyncadd.s32 $0xFFFFC000  }
0x2e: {  	[spmem:s11] =	stream.linear.scatter [tilespmem:s25], [sflag:$0x3], $0x4000, $0x38;
	[tilespmem:$0x1F880] =	vst v63  }
0x2f: {  	_ =	swait.ge [sflag:s26], $0x4000  }
0x30: {  	[sflag:s26] =	ssyncset.done $0x0  }
0x31: {  	[sflag:s26] =	ssyncadd.s32 $0xFFFFC000  }
0x32: {  	[spmem:s13] =	stream.linear.scatter [tilespmem:s25], [sflag:$0x3], $0x4000, $0x38;
	[tilespmem:$0x1F880] =	vst v63  }
0x33: {  	_ =	swait.ge [sflag:s26], $0x4000  }
0x34: {  	[sflag:s26] =	ssyncset.done $0x0  }
0x35: {  	s12 =	rddreg [dreg:$0x4];
	[sflag:s26] =	ssyncadd.s32 $0xFFFFC000  }
0x36: {  	[tilespmem:s3], [sflag:$0x3] =	stream.linear.gather [hbm4b:s12+s3], $0x2710, $0x38;
	[tilespmem:$0x1F880] =	vst v63  }
0x37: {  	_ =	swait.ge [sflag:s26], $0x2710  }
0x38: {  	[sflag:s26] =	ssyncset.done $0x0  }
0x39: {  	[sflag:s26] =	ssyncadd.s32 $0xFFFFD8F0  }
0x3a: {  	[bflag:$0x0] =	sbarrier.arrive $0xFFFF  }
0x3b: {  	[tilespmem:s29], [sflag:$0x1] =	stream.indirect.gather [hbm4b:s5+s28], $0x80, s3, s28, $0xb8;
	[tilespmem:$0x1F880] =	vst v63  }
0x3c: {  	s9 =	simm.s32 $0x50  }
0x3d: {  	[tilespmem:s30], [sflag:$0x2] =	stream.indirect.gather [hbm4b:s5+s28], $0x80, s9, s28, $0xb8;
	[tilespmem:$0x1F880] =	vst v63  }
0x3e: {  	s10 =	sadd.s32 $0x0, s23  }
0x3f: {  	[tilespmem:s31], [sflag:$0x3] =	stream.linear.gather [hbm4b:s10+s3], $0x50, $0x38;
	[tilespmem:$0x1F880] =	vst v63  }
0x40: {  	_ =	swait.ge [sflag:s26], $0x50  }
0x41: {  	[sflag:s26] =	ssyncset.done $0x0  }
0x42: {  	[sflag:s26] =	ssyncadd.s32 $0xFFFFFFB0  }
0x43: {  	_ =	swait.ge [sflag:s1], $0x2800  }
0x44: {  	[sflag:s1] =	ssyncset.done $0x0  }
0x45: {  	[sflag:s1] =	ssyncadd.s32 $0xFFFFD800  }
0x46: {  	[spmem:s2] =	stream.indirect.scatter.add.f32 [tilespmem:s29], [sflag:$0x3], $0x80, s31, s28, $0xb8;
	[tilespmem:$0x1F880] =	vst v63  }
0x47: {  	_ =	swait.ge [sflag:s26], $0x2800  }
0x48: {  	[sflag:s26] =	ssyncset.done $0x0  }
0x49: {  	s11 =	simm.s32 $0xA0;
	[sflag:s26] =	ssyncadd.s32 $0xFFFFD800  }
0x4a: {  	[tilespmem:s29], [sflag:$0x1] =	stream.indirect.gather [hbm4b:s5+s28], $0x80, s11, s28, $0xb8;
	[tilespmem:$0x1F880] =	vst v63  }
0x4b: {  	s12 =	sadd.s32 $0x0, s24  }
0x4c: {  	[tilespmem:s0], [sflag:$0x3] =	stream.linear.gather [hbm4b:s12+s3], $0x50, $0x38;
	[tilespmem:$0x1F880] =	vst v63  }
0x4d: {  	_ =	swait.ge [sflag:s26], $0x50  }
0x4e: {  	[sflag:s26] =	ssyncset.done $0x0  }
0x4f: {  	[sflag:s26] =	ssyncadd.s32 $0xFFFFFFB0  }
0x50: {  	_ =	swait.ge [sflag:s4], $0x2800  }
0x51: {  	[sflag:s4] =	ssyncset.done $0x0  }
0x52: {  	[sflag:s4] =	ssyncadd.s32 $0xFFFFD800  }
0x53: {  	[spmem:s2] =	stream.indirect.scatter.add.f32 [tilespmem:s30], [sflag:$0x3], $0x80, s0, s28, $0xb8;
	[tilespmem:$0x1F880] =	vst v63  }
0x54: {  	s8 =	simm.s32 $0x14;
	_ =	swait.ge [sflag:s26], $0x2800  }
0x55: {  	s9 =	simm.s32 $0x140;
	s10 =	simm.s32 $0x28;
	[sflag:s26] =	ssyncset.done $0x0  }
.LBB2_2:
0x56: {  	p0 =	sne.s32 s10, $0x4C4;
	s11 =	sadd.s32 $0xFFFFFFB0, s9;
	[sflag:s26] =	ssyncadd.s32 $0xFFFFD800  }
0x57: {  	[tilespmem:s30], [sflag:$0x2] =	stream.indirect.gather [hbm4b:s5+s28], $0x80, s11, s28, $0xb8;
	[tilespmem:$0x1F880] =	vst v63  }
0x58: {  	s12 =	smov.u32 s10;
	s10 =	sadd.s32 $0x14, s10;
	s11 =	sadd.s32 s8, s23  }
0x59: {  	[tilespmem:s31], [sflag:$0x3] =	stream.linear.gather [hbm4b:s11+s3], $0x50, $0x38;
	[tilespmem:$0x1F880] =	vst v63  }
0x5a: {  	_ =	swait.ge [sflag:s26], $0x50  }
0x5b: {  	[sflag:s26] =	ssyncset.done $0x0  }
0x5c: {  	[sflag:s26] =	ssyncadd.s32 $0xFFFFFFB0  }
0x5d: {  	_ =	swait.ge [sflag:s1], $0x2800  }
0x5e: {  	[sflag:s1] =	ssyncset.done $0x0  }
0x5f: {  	[sflag:s1] =	ssyncadd.s32 $0xFFFFD800  }
0x60: {  	[spmem:s2] =	stream.indirect.scatter.add.f32 [tilespmem:s29], [sflag:$0x3], $0x80, s31, s28, $0xb8;
	[tilespmem:$0x1F880] =	vst v63  }
0x61: {  	_ =	swait.ge [sflag:s26], $0x2800  }
0x62: {  	[sflag:s26] =	ssyncset.done $0x0  }
0x63: {  	[sflag:s26] =	ssyncadd.s32 $0xFFFFD800  }
0x64: {  	[tilespmem:s29], [sflag:$0x1] =	stream.indirect.gather [hbm4b:s5+s28], $0x80, s9, s28, $0xb8;
	[tilespmem:$0x1F880] =	vst v63  }
0x65: {  	s11 =	sadd.s32 s8, s24;
	s8 =	smov.u32 s12  }
0x66: {  	[tilespmem:s0], [sflag:$0x3] =	stream.linear.gather [hbm4b:s11+s3], $0x50, $0x38;
	[tilespmem:$0x1F880] =	vst v63  }
0x67: {  	_ =	swait.ge [sflag:s26], $0x50  }
0x68: {  	[sflag:s26] =	ssyncset.done $0x0  }
0x69: {  	[sflag:s26] =	ssyncadd.s32 $0xFFFFFFB0  }
0x6a: {  	_ =	swait.ge [sflag:s4], $0x2800  }
.Ltmp0:
0x6b: {  	[sflag:s4] =	ssyncset.done $0x0;
	(pc) =	sbr.rel @p0 .LBB2_2-.Ltmp0, $4  }
0x6c: {  	[sflag:s4] =	ssyncadd.s32 $0xFFFFD800  }
0x6d: {  	[spmem:s2] =	stream.indirect.scatter.add.f32 [tilespmem:s30], [sflag:$0x3], $0x80, s0, s28, $0xb8;
	[tilespmem:$0x1F880] =	vst v63  }
0x6e: {  	_ =	swait.ge [sflag:s26], $0x2800  }
0x6f: {  	s9 =	sadd.s32 $0xA0, s9;
	[sflag:s26] =	ssyncset.done $0x0  }
0x70: {  	s10 =	sadd.s32 $0xFFFFFFB0, s9;
	[sflag:s26] =	ssyncadd.s32 $0xFFFFD800  }
0x71: {  	[tilespmem:s30], [sflag:$0x2] =	stream.indirect.gather [hbm4b:s5+s28], $0x80, s10, s28, $0xb8;
	[tilespmem:$0x1F880] =	vst v63  }
0x72: {  	s12 =	sadd.s32 s8, s23  }
0x73: {  	[tilespmem:s31], [sflag:$0x3] =	stream.linear.gather [hbm4b:s12+s3], $0x50, $0x38;
	[tilespmem:$0x1F880] =	vst v63  }
0x74: {  	_ =	swait.ge [sflag:s26], $0x50  }
0x75: {  	[sflag:s26] =	ssyncset.done $0x0  }
0x76: {  	[sflag:s26] =	ssyncadd.s32 $0xFFFFFFB0  }
0x77: {  	_ =	swait.ge [sflag:s1], $0x2800  }
0x78: {  	[sflag:s1] =	ssyncset.done $0x0  }
0x79: {  	[sflag:s1] =	ssyncadd.s32 $0xFFFFD800  }
0x7a: {  	[spmem:s2] =	stream.indirect.scatter.add.f32 [tilespmem:s29], [sflag:$0x3], $0x80, s31, s28, $0xb8;
	[tilespmem:$0x1F880] =	vst v63  }
0x7b: {  	_ =	swait.ge [sflag:s26], $0x2800  }
0x7c: {  	[sflag:s26] =	ssyncset.done $0x0  }
0x7d: {  	[sflag:s26] =	ssyncadd.s32 $0xFFFFD800  }
0x7e: {  	[tilespmem:s29], [sflag:$0x1] =	stream.indirect.gather [hbm4b:s5+s28], $0x80, s9, s28, $0xb8;
	[tilespmem:$0x1F880] =	vst v63  }
0x7f: {  	s10 =	sadd.s32 s8, s24  }
0x80: {  	[tilespmem:s0], [sflag:$0x3] =	stream.linear.gather [hbm4b:s10+s3], $0x50, $0x38;
	[tilespmem:$0x1F880] =	vst v63  }
0x81: {  	_ =	swait.ge [sflag:s26], $0x50  }
0x82: {  	[sflag:s26] =	ssyncset.done $0x0  }
0x83: {  	[sflag:s26] =	ssyncadd.s32 $0xFFFFFFB0  }
0x84: {  	_ =	swait.ge [sflag:s4], $0x2800  }
0x85: {  	[sflag:s4] =	ssyncset.done $0x0  }
0x86: {  	[sflag:s4] =	ssyncadd.s32 $0xFFFFD800  }
0x87: {  	[spmem:s2] =	stream.indirect.scatter.add.f32 [tilespmem:s30], [sflag:$0x3], $0x80, s0, s28, $0xb8;
	[tilespmem:$0x1F880] =	vst v63  }
0x88: {  	_ =	swait.ge [sflag:s26], $0x2800  }
0x89: {  	[sflag:s26] =	ssyncset.done $0x0  }
0x8a: {  	s11 =	rddreg [dreg:$0x5];
	[sflag:s26] =	ssyncadd.s32 $0xFFFFD800  }
0x8b: {  	[tilespmem:s31], [sflag:$0x3] =	stream.linear.gather [hbm4b:s11+s3], $0x50, $0x38;
	[tilespmem:$0x1F880] =	vst v63  }
0x8c: {  	_ =	swait.ge [sflag:s26], $0x50  }
0x8d: {  	[sflag:s26] =	ssyncset.done $0x0  }
0x8e: {  	[sflag:s26] =	ssyncadd.s32 $0xFFFFFFB0  }
0x8f: {  	_ =	swait.ge [sflag:s1], $0x2800  }
0x90: {  	[sflag:s1] =	ssyncset.done $0x0  }
0x91: {  	[sflag:s1] =	ssyncadd.s32 $0xFFFFD800  }
0x92: {  	[spmem:s2] =	stream.indirect.scatter.add.f32 [tilespmem:s29], [sflag:$0x3], $0x80, s31, s28, $0xb8;
	[tilespmem:$0x1F880] =	vst v63  }
0x93: {  	_ =	swait.ge [sflag:s26], $0x2800  }
0x94: {  	[sflag:s26] =	ssyncset.done $0x0  }
0x95: {  	[sflag:s26] =	ssyncadd.s32 $0xFFFFD800  }
0x96: {  	[bflag:$0x0] =	sbarrier.arrive $0xFFFF  }
0x97: {  	[tilespmem:s25], [sflag:$0x3] =	stream.linear.gather [spmem:s6], $0x4000, $0x38;
	[tilespmem:$0x1F880] =	vst v63  }
0x98: {  	_ =	swait.ge [sflag:s26], $0x4000  }
0x99: {  	[sflag:s26] =	ssyncset.done $0x0  }
0x9a: {  	[sflag:s26] =	ssyncadd.s32 $0xFFFFC000  }
0x9b: {  	[hbm4b:s14+s3] =	stream.linear.scatter [tilespmem:s25], [sflag:$0x3], $0x4000, $0x38;
	[tilespmem:$0x1F880] =	vst v63  }
0x9c: {  	_ =	swait.ge [sflag:s26], $0x4000  }
0x9d: {  	[sflag:s26] =	ssyncset.done $0x0  }
0x9e: {  	[sflag:s26] =	ssyncadd.s32 $0xFFFFC000  }
0x9f: {  	[tilespmem:s25], [sflag:$0x3] =	stream.linear.gather [spmem:s15], $0x4000, $0x38;
	[tilespmem:$0x1F880] =	vst v63  }
0xa0: {  	_ =	swait.ge [sflag:s26], $0x4000  }
0xa1: {  	[sflag:s26] =	ssyncset.done $0x0  }
0xa2: {  	[sflag:s26] =	ssyncadd.s32 $0xFFFFC000  }
0xa3: {  	[hbm4b:s16+s3] =	stream.linear.scatter [tilespmem:s25], [sflag:$0x3], $0x4000, $0x38;
	[tilespmem:$0x1F880] =	vst v63  }
0xa4: {  	_ =	swait.ge [sflag:s26], $0x4000  }
0xa5: {  	[sflag:s26] =	ssyncset.done $0x0  }
0xa6: {  	[sflag:s26] =	ssyncadd.s32 $0xFFFFC000  }
0xa7: {  	[tilespmem:s25], [sflag:$0x3] =	stream.linear.gather [spmem:s17], $0x4000, $0x38;
	[tilespmem:$0x1F880] =	vst v63  }
0xa8: {  	_ =	swait.ge [sflag:s26], $0x4000  }
0xa9: {  	[sflag:s26] =	ssyncset.done $0x0  }
0xaa: {  	[sflag:s26] =	ssyncadd.s32 $0xFFFFC000  }
0xab: {  	[hbm4b:s18+s3] =	stream.linear.scatter [tilespmem:s25], [sflag:$0x3], $0x4000, $0x38;
	[tilespmem:$0x1F880] =	vst v63  }
0xac: {  	_ =	swait.ge [sflag:s26], $0x4000  }
0xad: {  	[sflag:s26] =	ssyncset.done $0x0  }
0xae: {  	[sflag:s26] =	ssyncadd.s32 $0xFFFFC000  }
0xaf: {  	[tilespmem:s25], [sflag:$0x3] =	stream.linear.gather [spmem:s19], $0x4000, $0x38;
	[tilespmem:$0x1F880] =	vst v63  }
0xb0: {  	_ =	swait.ge [sflag:s26], $0x4000  }
0xb1: {  	[sflag:s26] =	ssyncset.done $0x0  }
0xb2: {  	[sflag:s26] =	ssyncadd.s32 $0xFFFFC000  }
0xb3: {  	[hbm4b:s20+s3] =	stream.linear.scatter [tilespmem:s25], [sflag:$0x3], $0x4000, $0x38;
	[tilespmem:$0x1F880] =	vst v63  }
0xb4: {  	_ =	swait.ge [sflag:s26], $0x4000  }
0xb5: {  	[sflag:s26] =	ssyncset.done $0x0  }
0xb6: {  	[sflag:s26] =	ssyncadd.s32 $0xFFFFC000  }
0xb7: {  	[tilespmem:s25], [sflag:$0x3] =	stream.linear.gather [spmem:s22], $0x4000, $0x38;
	[tilespmem:$0x1F880] =	vst v63  }
0xb8: {  	_ =	swait.ge [sflag:s26], $0x4000  }
0xb9: {  	[sflag:s26] =	ssyncset.done $0x0  }
0xba: {  	[sflag:s26] =	ssyncadd.s32 $0xFFFFC000  }
0xbb: {  	[hbm4b:s21+s3] =	stream.linear.scatter [tilespmem:s25], [sflag:$0x3], $0x4000, $0x38;
	[tilespmem:$0x1F880] =	vst v63  }
0xbc: {  	_ =	swait.ge [sflag:s26], $0x4000  }
0xbd: {  	s7 =	sadd.s32 $0x1, s7;
	s12 =	rddreg [dreg:$0x6]  }
0xbe: {  	p0 =	sne.s32 s7, s12  }
.Ltmp1:
0xbf: {  	_ = 	snop;
	(pc) =	sbr.rel @p0 .LBB2_1-.Ltmp1, $3  }
0xc0: {  	_ =	sdelay $0x1  }
0xc1: {  	[sflag:s26] =	ssyncset.done $0x0  }
0xc2: {  	[sflag:s26] =	ssyncadd.s32 $0xFFFFC000  }
0xc3: {  	_ =	sfence.sel $0x180000  }
0xc4: {  	[bflag:$0x0] =	sbarrier.arrive $0xFFFF  }
0xc5: {  	_ =	strace $0x9000004D  }
0xc6: {  	s0 =	stileid.u32;
	[bflag:$0x2] =	sbarrier.arrive $0xFFFF  }
0xc7: {  	p0 =	sne.s32 s0, $0x0;
	s0 =	rddreg [dreg:$0x2]  }
0xc8: {  	s0 =	sadd.s32 @!p0 $0x100000, s0  }
0xc9: {  	[sflag:s0] =	ssyncadd.tile.s32 @!p0 $0x1;
	_ =	shalt  }
.Lfunc_end2:
_tile_overlayer_lowered:
.L_overlay_start_2:
0xca: {  	(tag) =	ssettag $0x2  }
0xcb: {  	s0 =	rddreg [dreg:$0x0];
	s2 =	stileid.u32  }
0xcc: {  	s1 =	rddreg [dreg:$0x1];
	p0 =	sne.s32 s2, $0x0  }
0xcd: {  	s3 =	rddreg [dreg:$0x2];
	[bflag:$0x3] =	sbarrier.arrive $0xFFFF;
	s2 =	simm.s32 @!p0 $0x1C03  }
0xce: {  	[timem:s3], [sflag:s2] =	dma.local @!p0 [hbm:s0], s1  }
0xcf: {  	s0 =	simm.s32 @!p0 $0x3  }
0xd0: {  	_ =	swait.ge @!p0 [sflag:s0], s1  }
0xd1: {  	s1 =	ssub.s32 @!p0 $0x0, s1;
	[sflag:s0] =	ssyncset.done @!p0 $0x0  }
0xd2: {  	[sflag:s0] =	ssyncadd.s32 @!p0 s1  }
0xd3: {  	[bflag:$0x3] =	sbarrier.arrive $0xFFFF  }
0xd4: {  	_ =	shalt  }

// kernel: kernel.19.cloned.1.call-start
scs
__scs_entry_jumppad:
0x0: {  	(pc) =	sbr.rel $0x88, $3  }
0x1: {  	(tag) =	ssettag $0x0;
	lr =	simm.s32 $0x1  }
0x2: {  	[smem:$0x3F90] =	sst lr;
	_ =	strace $0xD0000000  }
0x3: {  	_ = 	snop  }
0x4: {  	_ = 	snop  }
0x5: {  	_ = 	snop  }
0x6: {  	_ = 	snop  }
0x7: {  	_ = 	snop  }
__scs_overlays_trampoline_lowered:
0x8: {  	[smem:$0x3F9F] =	sst s0  }
0x9: {  	[smem:$0x3FA0] =	sst s1  }
0xa: {  	[smem:$0x3FA1] =	sst s2  }
0xb: {  	[smem:$0x3FA2] =	sst s3  }
0xc: {  	[smem:$0x3FA3] =	sst s4  }
0xd: {  	[smem:$0x3FA4] =	sst s5  }
0xe: {  	[smem:$0x3FA5] =	sst s6  }
0xf: {  	[smem:$0x3FA6] =	sst s7  }
0x10: {  	[smem:$0x3FA7] =	sst s8  }
0x11: {  	[smem:$0x3FA8] =	sst s9;
	s0 =	simm.s32 @!p0 $0x0  }
0x12: {  	s1 =	sld [smem:$0x3F8E];
	s0 =	simm.s32 @p0 $0x1  }
0x13: {  	[smem:$0x3FA9] =	sst s0;
	s0 =	simm.s32 @!p1 $0x0  }
0x14: {  	s2 =	sld [smem:$0x3F8D];
	s0 =	simm.s32 @p1 $0x1  }
0x15: {  	[smem:$0x3FAA] =	sst s0;
	s0 =	simm.s32 @!p2 $0x0  }
0x16: {  	s3 =	sld [smem:$0x3FDB];
	s0 =	simm.s32 @p2 $0x1  }
0x17: {  	s4 =	simm.s32 $0x1BF5;
	[smem:$0x3FAC] =	sst s0  }
0x18: {  	s0 =	sld [smem:$0x3F8F];
	_ =	swait.ge [sflag:s4], $0x0  }
0x19: {  	s7 =	sld [smem:$0x3F90]  }
0x1a: {  	s8 =	sadd.s32 $0xFFFFE003, lr  }
0x1b: {  	s9 =	sadd.s32 $0xFFFFFEF7, lr;
	s5 =	simm.s32 $0xFFFFFFFF;
	p2 =	slt.u32 s8, $0xFFFFF086  }
0x1c: {  	p1 =	slt.u32 s9, $0xF7A;
	s5 =	simm.s32 @!p2 $0x0  }
0x1d: {  	s5 =	simm.s32 @p1 $0x1;
	p0 =	seq.s32 s7, s2  }
0x1e: {  	s7 =	smul.u32 @!p0 $0xF7A, s2;
	p2 =	seq.s32 @!p0 s5, $0x0  }
0x1f: {  	s9 =	smul.u32 $0xF7A, s1;
	s8 =	simm.s32 @!p0 $0x1BF5;
	p2 =	por !p2, p0  }
0x20: {  	[sflag:s8] =	ssyncset.s32 @!p0 $0xFFFFF086;
	s6 =	sadd.s32 @!p0 s3, s7;
	s7 =	simm.s32 @!p0 $0x108  }
0x21: {  	s3 =	sadd.s32 s3, s9;
	s6 =	sadd.s32 @!p0 $0x88, s6;
	s7 =	simm.s32 @p2 $0x1082  }
0x22: {  	[simem:s7], [sflag:s8] =	dma.local @!p0 [hbm:s6], $0xF7A  }
0x23: {  	s9 =	sor.u32 $0xD0000000, s2;
	s6 =	simm.s32 $0x108;
	_ =	swait.ge @!p0 [sflag:s8], $0x0  }
0x24: {  	s3 =	sadd.s32 $0x88, s3;
	s6 =	simm.s32 @!p1 $0x1082;
	[sflag:s4] =	ssyncset.s32 $0xFFFFF086  }
0x25: {  	[simem:s6], [sflag:s4] =	dma.local [hbm:s3], $0xF7A  }
0x26: {  	[smem:$0x3F90] =	sst s1;
	(tag) =	ssettag s2;
	_ =	strace s9  }
0x27: {  	s1 =	sld [smem:$0x3FA0]  }
0x28: {  	s2 =	sld [smem:$0x3FA1]  }
0x29: {  	s4 =	sld [smem:$0x3FA3]  }
0x2a: {  	p0 =	seq.s32 s5, $0x0;
	s5 =	sld [smem:$0x3FA4]  }
0x2b: {  	s6 =	sld [smem:$0x3FA5]  }
0x2c: {  	s7 =	sld [smem:$0x3FA6]  }
0x2d: {  	s3 =	simm.s32 $0x108;
	s8 =	sld [smem:$0x3FA7]  }
0x2e: {  	s3 =	simm.s32 @!p0 $0x1082;
	s9 =	sld [smem:$0x3FA8]  }
0x2f: {  	lr =	sadd.s32 s0, s3;
	s0 =	sld [smem:$0x3F9F]  }
0x30: {  	s3 =	sld [smem:$0x3FA2]  }
0x31: {  	[smem:$0x3FAB] =	sst s10  }
0x32: {  	s10 =	sld [smem:$0x3FA9];
	_ =	sdelay $0x3  }
0x33: {  	p0 =	seq.s32 s10, $0x1;
	s10 =	sld [smem:$0x3FAB];
	_ =	sdelay $0x3  }
0x34: {  	[smem:$0x3FAB] =	sst s10  }
0x35: {  	s10 =	sld [smem:$0x3FAA];
	_ =	sdelay $0x3  }
0x36: {  	p1 =	seq.s32 s10, $0x1;
	s10 =	sld [smem:$0x3FAB];
	_ =	sdelay $0x3  }
0x37: {  	[smem:$0x3FAB] =	sst s10  }
0x38: {  	s10 =	sld [smem:$0x3FAC]  }
0x39: {  	_ = 	snop;
	(pc) =	sbr.ind lr, $3  }
0x3a: {  	_ = 	snop  }
0x3b: {  	_ = 	snop  }
0x3c: {  	p2 =	seq.s32 s10, $0x1;
	s10 =	sld [smem:$0x3FAB]  }
0x3d: {  	_ =	shalt  }
0x3e: {  	_ =	shalt  }
0x3f: {  	_ =	shalt  }
0x40: {  	_ =	shalt  }
0x41: {  	_ =	shalt  }
0x42: {  	_ =	shalt  }
0x43: {  	_ =	shalt  }
0x44: {  	_ =	shalt  }
0x45: {  	_ =	shalt  }
0x46: {  	_ =	shalt  }
0x47: {  	_ =	shalt  }
0x48: {  	_ =	shalt  }
0x49: {  	_ =	shalt  }
0x4a: {  	_ =	shalt  }
0x4b: {  	_ =	shalt  }
0x4c: {  	_ =	shalt  }
0x4d: {  	_ =	shalt  }
0x4e: {  	_ =	shalt  }
0x4f: {  	_ =	shalt  }
0x50: {  	_ =	shalt  }
0x51: {  	_ =	shalt  }
0x52: {  	_ =	shalt  }
0x53: {  	_ =	shalt  }
0x54: {  	_ =	shalt  }
0x55: {  	_ =	shalt  }
0x56: {  	_ =	shalt  }
0x57: {  	_ =	shalt  }
0x58: {  	_ =	shalt  }
0x59: {  	_ =	shalt  }
0x5a: {  	_ =	shalt  }
0x5b: {  	_ =	shalt  }
0x5c: {  	_ =	shalt  }
0x5d: {  	_ =	shalt  }
0x5e: {  	_ =	shalt  }
0x5f: {  	_ =	shalt  }
0x60: {  	_ =	shalt  }
0x61: {  	_ =	shalt  }
0x62: {  	_ =	shalt  }
0x63: {  	_ =	shalt  }
0x64: {  	_ =	shalt  }
0x65: {  	_ =	shalt  }
0x66: {  	_ =	shalt  }
0x67: {  	_ =	shalt  }
0x68: {  	_ =	shalt  }
0x69: {  	_ =	shalt  }
0x6a: {  	_ =	shalt  }
0x6b: {  	_ =	shalt  }
0x6c: {  	_ =	shalt  }
0x6d: {  	_ =	shalt  }
0x6e: {  	_ =	shalt  }
0x6f: {  	_ =	shalt  }
0x70: {  	_ =	shalt  }
0x71: {  	_ =	shalt  }
0x72: {  	_ =	shalt  }
0x73: {  	_ =	shalt  }
0x74: {  	_ =	shalt  }
0x75: {  	_ =	shalt  }
0x76: {  	_ =	shalt  }
0x77: {  	_ =	shalt  }
0x78: {  	_ =	shalt  }
0x79: {  	_ =	shalt  }
0x7a: {  	_ =	shalt  }
0x7b: {  	_ =	shalt  }
0x7c: {  	_ =	shalt  }
0x7d: {  	_ =	shalt  }
0x7e: {  	_ =	shalt  }
0x7f: {  	_ =	shalt  }
0x80: {  	_ =	shalt  }
0x81: {  	_ =	shalt  }
0x82: {  	_ =	shalt  }
0x83: {  	_ =	shalt  }
0x84: {  	_ =	shalt  }
0x85: {  	_ =	shalt  }
0x86: {  	_ =	shalt  }
0x87: {  	_ =	shalt  }
.Lfunc_end0:
.L_simem_size_0:
called_computation.3_lowered:
.L_overlay_start_0:
0x88: {  	s2 =	sld [smem:$0x3FD9]  }
0x89: {  	s3 =	sld [smem:$0x3FFE];
	_ =	sdelay $0x1  }
0x8a: {  	s1 =	srdreg.scid  }
0x8b: {  	s0 =	sand.u32 $0x1, s1  }
0x8c: {  	s16 =	sshll.u32 s0, $0xA;
	s2 =	sadd.s32 s3, s2  }
0x8d: {  	s2 =	sadd.s32 s2, s16  }
0x8e: {  	[smem:$0x3FB7] =	sst s2  }
0x8f: {  	_ = 	snop  }
0x90: {  	(tm) =	ssettm $0x1  }
0x91: {  	s17 =	sld [smem:$0x3FFB];
	_ =	sdelay $0x3  }
0x92: {  	_ =	strace s17  }
0x93: {  	s2 =	sld [smem:$0x3FFC];
	_ =	sdelay $0x3  }
0x94: {  	_ =	strace s2  }
0x95: {  	s2 =	sld [smem:$0x3FFD];
	_ =	sdelay $0x3  }
0x96: {  	_ =	strace s2  }
0x97: {  	_ =	strace $0x8FFFFFFF  }
0x98: {  	s18 =	sld [smem:$0x3FDB];
	_ =	sdelay $0x1  }
0x99: {  	s19 =	simm.s32 $_scs_section_size  }
0x9a: {  	s4 =	simm.s32 $_size__tile_overlayer_lowered;
	s5 =	simm.s32 $_tile_overlayer_lowered  }
0x9b: {  	s22 =	simm.s32 $0x1BFF;
	s21 =	sshll.u32 s5, $0x1;
	s2 =	sadd.s32 s19, s18  }
0x9c: {  	s6 =	simm.s32 $0x0;
	s20 =	sshll.u32 s4, $0x1;
	s4 =	sadd.s32 s21, s2  }
0x9d: {  	[timem:s6], [sflag:s22] =	dma.local [hbm:s4], s20  }
0x9e: {  	_ =	swait.ge [sflag:s22], s20  }
0x9f: {  	s3 =	ssub.s32 $0x0, s20;
	[sflag:s22] =	ssyncset.done $0x0  }
0xa0: {  	[sflag:s22] =	ssyncadd.s32 s3;
	_ =	sdelay $0x1  }
0xa1: {  	s23 =	simm.s32 $0x1B8B  }
0xa2: {  	_ =	swait.ge [sflag:s23], $0x1  }
0xa3: {  	[sflag:s23] =	ssyncset.done $0x0  }
0xa4: {  	s25 =	simm.s32 $0x1B8E;
	s24 =	sld [smem:$0x3FFE];
	[sflag:s23] =	ssyncadd.s32 $0xFFFFFFFF  }
0xa5: {  	s26 =	simm.s32 $execute0_lowered;
	[smem:$0x3FD2] =	sst s25  }
0xa6: {  	s4 =	sshll.u32 s26, $0x1;
	_ =	strace $0x8000004F;
	[dreg:$0x1] =	wrdreg $0xFFFFFFFF  }
0xa7: {  	s28 =	simm.s32 $_size_execute0_lowered;
	s2 =	sadd.s32 s2, s4;
	[dreg:$0x0] =	wrdreg $0x0  }
0xa8: {  	s4 =	sshll.u32 s28, $0x1;
	[dreg:$0x2] =	wrdreg s2  }
0xa9: {  	[dreg:$0x3] =	wrdreg s4  }
0xaa: {  	[dreg:$0x4] =	wrdreg $0xC0  }
0xab: {  	_ =	task [dreg:s6], $0x5FFFF  }
0xac: {  	[dreg:$0x1] =	wrdreg $0xFFFFFFFF  }
0xad: {  	[dreg:$0x0] =	wrdreg $0x60  }
0xae: {  	[dreg:$0x2] =	wrdreg s24  }
0xaf: {  	[dreg:$0x3] =	wrdreg $0xB8800  }
0xb0: {  	[dreg:$0x4] =	wrdreg $0x9  }
0xb1: {  	_ =	task.clear_ibuf [dreg:s6], $0x5FFFF;
	_ =	strace $0x9000004F  }
0xb2: {  	s29 =	simm.s32 $0x9;
	_ =	strace $0x80000051  }
0xb3: {  	_ =	swait.ge [sflag:s29], $0x1  }
0xb4: {  	[sflag:s29] =	ssyncadd.s32 $0xFFFFFFFF  }
0xb5: {  	_ =	strace $0x90000051  }
0xb6: {  	_ =	sfence  }
0xb7: {  	s30 =	sld [smem:$0x0];
	_ =	sdelay $0x2  }
0xb8: {  	s31 =	sshll.u32 s1, $0xD;
	s1 =	sshrl.u32 s1, $0x2  }
0xb9: {  	s3 =	sand.u32 $0x4000, s31;
	s1 =	sadd.s32 s1, s30  }
0xba: {  	s0 =	sor.u32 s3, s0;
	s1 =	sshll.u32 s1, $0x11  }
0xbb: {  	s0 =	sor.u32 s1, s0  }
0xbc: {  	s0 =	sadd.s32 $0x8F2B, s0  }
0xbd: {  	[sflag:s0] =	ssyncadd.remote.s32 $0x1  }
0xbe: {  	_ =	sfence.sel $0xFFFF  }
0xbf: {  	[dreg:$0x0] =	wrdreg $0xFFFFFFFF;
	(pc) =	sbr.abs _section_cstart, $3  }
0xc0: {  	[dreg:$0x1] =	wrdreg $0xFFFFFFFF  }
0xc1: {  	_ =	task.clear_ibuf [dreg:s6], $0x2FFFF;
	_ =	strace $0x9FFFFFFF  }
0xc2: {  	(tm) =	ssettm $0x7FFFFFFF  }
0xc3: {  	_ =	shalt  }
tec
execute0_lowered:
.L_overlay_start_1:
0x0: {  	(tag) =	ssettag $0x1  }
0x1: {  	s0 =	rddreg [dreg:$0x0]  }
0x2: {  	s1 =	srdreg.scid;
	s11 =	stileid.u32  }
0x3: {  	s2 =	rddreg [dreg:$0x1];
	s3 =	simm.s32 $0x0;
	s28 =	simm.s32 $0x50  }
0x4: {  	s29 =	simm.s32 $0x2880;
	s30 =	simm.s32 $0x5080;
	s31 =	simm.s32 $0x2780  }
0x5: {  	s1 =	sand.u32 $0x1, s1;
	s4 =	sshll.u32 s11, $0x1;
	s8 =	smul.u32 $0x50000, s11  }
0x6: {  	[smem:$0x7FF] =	sst s3;
	s5 =	sadd.s32 $0x17600, s0;
	s19 =	smul.u32 $0x14000, s11  }
0x7: {  	s9 =	sadd.s32 $0x3A00, s0;
	s21 =	smul.u32 $0x4E20, s11;
	s4 =	sor.u32 s1, s4  }
0x8: {  	_ =	strace $0x80000050;
	[dreg:$0x3] =	wrdreg s5;
	s26 =	smul.u32 $0x140000, s1  }
0x9: {  	s5 =	sadd.s32 $0x17E00, s0;
	s6 =	ssub.s32 $0x2, s1;
	s1 =	smul.u32 $0x2710, s1  }
0xa: {  	s4 =	smul.u32 $0x2710, s4;
	s10 =	sshrl.u32 s6, $0x1;
	s25 =	sshrl.u32 s8, $0x2  }
0xb: {  	s16 =	sadd.s32 $0x4000, s19;
	s18 =	sadd.s32 $0x8000, s19;
	s22 =	sadd.s32 $0xC000, s19  }
0xc: {  	s23 =	sadd.s32 $0x10000, s19;
	s10 =	ssub.s32 s6, s10;
	s6 =	sadd.s32 s25, s2  }
0xd: {  	s14 =	sadd.s32 s26, s19;
	s17 =	sadd.s32 s26, s16;
	s20 =	sadd.s32 s26, s18  }
0xe: {  	s1 =	sadd.s32 s1, s21;
	s24 =	sadd.s32 s26, s22;
	s8 =	sadd.s32 s26, s23  }
0xf: {  	s19 =	sadd.s32 s22, s2;
	s22 =	sadd.s32 s23, s2;
	s4 =	sshrl.u32 s4, $0x3  }
0x10: {  	s10 =	smax.u32 s10, $0x1;
	s12 =	sadd.s32 $0x4000, s6;
	s13 =	sadd.s32 $0x8000, s6  }
0x11: {  	s15 =	sadd.s32 $0xC000, s6;
	s25 =	sshrl.u32 s24, $0x3;
	[dreg:$0x6] =	wrdreg s10  }
0x12: {  	s8 =	sshrl.u32 s8, $0x3;
	s26 =	sadd.s32 $0x50, s1;
	[dreg:$0x7] =	wrdreg s12  }
0x13: {  	s1 =	sshrl.u32 s1, $0x3;
	s7 =	sadd.s32 s4, s0;
	[dreg:$0x8] =	wrdreg s13  }
0x14: {  	s0 =	sadd.s32 $0x3F000, s0;
	s4 =	sadd.s32 s9, s4;
	[dreg:$0x9] =	wrdreg s15  }
0x15: {  	s13 =	sadd.s32 $0x10000, s6;
	s15 =	sadd.s32 s16, s2;
	s23 =	sadd.s32 s1, s9  }
0x16: {  	s1 =	simm.s32 $0x1;
	s7 =	sadd.s32 $0xD800, s7;
	s4 =	sadd.s32 $0x4D8, s4  }
0x17: {  	s21 =	sadd.s32 s0, s8;
	[dreg:$0x5] =	wrdreg s4;
	s4 =	sshrl.u32 s14, $0x3  }
0x18: {  	[dreg:$0x4] =	wrdreg s7;
	s14 =	sadd.s32 s0, s4;
	s4 =	sshrl.u32 s17, $0x3  }
0x19: {  	s7 =	simm.s32 $0x0;
	s17 =	sadd.s32 s18, s2;
	s16 =	sadd.s32 s0, s4  }
0x1a: {  	s4 =	sshrl.u32 s20, $0x3;
	s20 =	sadd.s32 s0, s25;
	s25 =	simm.s32 $0x7880  }
0x1b: {  	s18 =	sadd.s32 s0, s4;
	s0 =	sshrl.u32 s26, $0x3;
	s26 =	simm.s32 $0x3  }
0x1c: {  	s4 =	simm.s32 $0x2;
	s24 =	sadd.s32 s0, s9;
	s0 =	simm.s32 $0x2800  }
.LBB2_1:
0x1d: {  	s8 =	rddreg [dreg:$0x3]  }
0x1e: {  	[tilespmem:s25], [sflag:$0x3] =	stream.linear.gather [hbm4b:s8+s3], $0x4000, $0x38;
	[tilespmem:$0x1F880] =	vst v63  }
0x1f: {  	_ =	swait.ge [sflag:s26], $0x4000  }
0x20: {  	[sflag:s26] =	ssyncset.done $0x0  }
0x21: {  	[sflag:s26] =	ssyncadd.s32 $0xFFFFC000  }
0x22: {  	[spmem:s6] =	stream.linear.scatter [tilespmem:s25], [sflag:$0x3], $0x4000, $0x38;
	[tilespmem:$0x1F880] =	vst v63  }
0x23: {  	_ =	swait.ge [sflag:s26], $0x4000  }
0x24: {  	[sflag:s26] =	ssyncset.done $0x0  }
0x25: {  	s9 =	rddreg [dreg:$0x7];
	[sflag:s26] =	ssyncadd.s32 $0xFFFFC000  }
0x26: {  	[spmem:s9] =	stream.linear.scatter [tilespmem:s25], [sflag:$0x3], $0x4000, $0x38;
	[tilespmem:$0x1F880] =	vst v63  }
0x27: {  	_ =	swait.ge [sflag:s26], $0x4000  }
0x28: {  	[sflag:s26] =	ssyncset.done $0x0  }
0x29: {  	s10 =	rddreg [dreg:$0x8];
	[sflag:s26] =	ssyncadd.s32 $0xFFFFC000  }
0x2a: {  	[spmem:s10] =	stream.linear.scatter [tilespmem:s25], [sflag:$0x3], $0x4000, $0x38;
	[tilespmem:$0x1F880] =	vst v63  }
0x2b: {  	_ =	swait.ge [sflag:s26], $0x4000  }
0x2c: {  	[sflag:s26] =	ssyncset.done $0x0  }
0x2d: {  	s11 =	rddreg [dreg:$0x9];
	[sflag:s26] =	ssyncadd.s32 $0xFFFFC000  }
0x2e: {  	[spmem:s11] =	stream.linear.scatter [tilespmem:s25], [sflag:$0x3], $0x4000, $0x38;
	[tilespmem:$0x1F880] =	vst v63  }
0x2f: {  	_ =	swait.ge [sflag:s26], $0x4000  }
0x30: {  	[sflag:s26] =	ssyncset.done $0x0  }
0x31: {  	[sflag:s26] =	ssyncadd.s32 $0xFFFFC000  }
0x32: {  	[spmem:s13] =	stream.linear.scatter [tilespmem:s25], [sflag:$0x3], $0x4000, $0x38;
	[tilespmem:$0x1F880] =	vst v63  }
0x33: {  	_ =	swait.ge [sflag:s26], $0x4000  }
0x34: {  	[sflag:s26] =	ssyncset.done $0x0  }
0x35: {  	s12 =	rddreg [dreg:$0x4];
	[sflag:s26] =	ssyncadd.s32 $0xFFFFC000  }
0x36: {  	[tilespmem:s3], [sflag:$0x3] =	stream.linear.gather [hbm4b:s12+s3], $0x2710, $0x38;
	[tilespmem:$0x1F880] =	vst v63  }
0x37: {  	_ =	swait.ge [sflag:s26], $0x2710  }
0x38: {  	[sflag:s26] =	ssyncset.done $0x0  }
0x39: {  	[sflag:s26] =	ssyncadd.s32 $0xFFFFD8F0  }
0x3a: {  	[bflag:$0x0] =	sbarrier.arrive $0xFFFF  }
0x3b: {  	[tilespmem:s29], [sflag:$0x1] =	stream.indirect.gather [hbm4b:s5+s28], $0x80, s3, s28, $0xb8;
	[tilespmem:$0x1F880] =	vst v63  }
0x3c: {  	s9 =	simm.s32 $0x50  }
0x3d: {  	[tilespmem:s30], [sflag:$0x2] =	stream.indirect.gather [hbm4b:s5+s28], $0x80, s9, s28, $0xb8;
	[tilespmem:$0x1F880] =	vst v63  }
0x3e: {  	s10 =	sadd.s32 $0x0, s23  }
0x3f: {  	[tilespmem:s31], [sflag:$0x3] =	stream.linear.gather [hbm4b:s10+s3], $0x50, $0x38;
	[tilespmem:$0x1F880] =	vst v63  }
0x40: {  	_ =	swait.ge [sflag:s26], $0x50  }
0x41: {  	[sflag:s26] =	ssyncset.done $0x0  }
0x42: {  	[sflag:s26] =	ssyncadd.s32 $0xFFFFFFB0  }
0x43: {  	_ =	swait.ge [sflag:s1], $0x2800  }
0x44: {  	[sflag:s1] =	ssyncset.done $0x0  }
0x45: {  	[sflag:s1] =	ssyncadd.s32 $0xFFFFD800  }
0x46: {  	[spmem:s2] =	stream.indirect.scatter.add.f32 [tilespmem:s29], [sflag:$0x3], $0x80, s31, s28, $0xb8;
	[tilespmem:$0x1F880] =	vst v63  }
0x47: {  	_ =	swait.ge [sflag:s26], $0x2800  }
0x48: {  	[sflag:s26] =	ssyncset.done $0x0  }
0x49: {  	s11 =	simm.s32 $0xA0;
	[sflag:s26] =	ssyncadd.s32 $0xFFFFD800  }
0x4a: {  	[tilespmem:s29], [sflag:$0x1] =	stream.indirect.gather [hbm4b:s5+s28], $0x80, s11, s28, $0xb8;
	[tilespmem:$0x1F880] =	vst v63  }
0x4b: {  	s12 =	sadd.s32 $0x0, s24  }
0x4c: {  	[tilespmem:s0], [sflag:$0x3] =	stream.linear.gather [hbm4b:s12+s3], $0x50, $0x38;
	[tilespmem:$0x1F880] =	vst v63  }
0x4d: {  	_ =	swait.ge [sflag:s26], $0x50  }
0x4e: {  	[sflag:s26] =	ssyncset.done $0x0  }
0x4f: {  	[sflag:s26] =	ssyncadd.s32 $0xFFFFFFB0  }
0x50: {  	_ =	swait.ge [sflag:s4], $0x2800  }
0x51: {  	[sflag:s4] =	ssyncset.done $0x0  }
0x52: {  	[sflag:s4] =	ssyncadd.s32 $0xFFFFD800  }
0x53: {  	[spmem:s2] =	stream.indirect.scatter.add.f32 [tilespmem:s30], [sflag:$0x3], $0x80, s0, s28, $0xb8;
	[tilespmem:$0x1F880] =	vst v63  }
0x54: {  	s8 =	simm.s32 $0x14;
	_ =	swait.ge [sflag:s26], $0x2800  }
0x55: {  	s9 =	simm.s32 $0x140;
	s10 =	simm.s32 $0x28;
	[sflag:s26] =	ssyncset.done $0x0  }
.LBB2_2:
0x56: {  	p0 =	sne.s32 s10, $0x4C4;
	s11 =	sadd.s32 $0xFFFFFFB0, s9;
	[sflag:s26] =	ssyncadd.s32 $0xFFFFD800  }
0x57: {  	[tilespmem:s30], [sflag:$0x2] =	stream.indirect.gather [hbm4b:s5+s28], $0x80, s11, s28, $0xb8;
	[tilespmem:$0x1F880] =	vst v63  }
0x58: {  	s12 =	smov.u32 s10;
	s10 =	sadd.s32 $0x14, s10;
	s11 =	sadd.s32 s8, s23  }
0x59: {  	[tilespmem:s31], [sflag:$0x3] =	stream.linear.gather [hbm4b:s11+s3], $0x50, $0x38;
	[tilespmem:$0x1F880] =	vst v63  }
0x5a: {  	_ =	swait.ge [sflag:s26], $0x50  }
0x5b: {  	[sflag:s26] =	ssyncset.done $0x0  }
0x5c: {  	[sflag:s26] =	ssyncadd.s32 $0xFFFFFFB0  }
0x5d: {  	_ =	swait.ge [sflag:s1], $0x2800  }
0x5e: {  	[sflag:s1] =	ssyncset.done $0x0  }
0x5f: {  	[sflag:s1] =	ssyncadd.s32 $0xFFFFD800  }
0x60: {  	[spmem:s2] =	stream.indirect.scatter.add.f32 [tilespmem:s29], [sflag:$0x3], $0x80, s31, s28, $0xb8;
	[tilespmem:$0x1F880] =	vst v63  }
0x61: {  	_ =	swait.ge [sflag:s26], $0x2800  }
0x62: {  	[sflag:s26] =	ssyncset.done $0x0  }
0x63: {  	[sflag:s26] =	ssyncadd.s32 $0xFFFFD800  }
0x64: {  	[tilespmem:s29], [sflag:$0x1] =	stream.indirect.gather [hbm4b:s5+s28], $0x80, s9, s28, $0xb8;
	[tilespmem:$0x1F880] =	vst v63  }
0x65: {  	s11 =	sadd.s32 s8, s24;
	s8 =	smov.u32 s12  }
0x66: {  	[tilespmem:s0], [sflag:$0x3] =	stream.linear.gather [hbm4b:s11+s3], $0x50, $0x38;
	[tilespmem:$0x1F880] =	vst v63  }
0x67: {  	_ =	swait.ge [sflag:s26], $0x50  }
0x68: {  	[sflag:s26] =	ssyncset.done $0x0  }
0x69: {  	[sflag:s26] =	ssyncadd.s32 $0xFFFFFFB0  }
0x6a: {  	_ =	swait.ge [sflag:s4], $0x2800  }
.Ltmp0:
0x6b: {  	[sflag:s4] =	ssyncset.done $0x0;
	(pc) =	sbr.rel @p0 .LBB2_2-.Ltmp0, $4  }
0x6c: {  	[sflag:s4] =	ssyncadd.s32 $0xFFFFD800  }
0x6d: {  	[spmem:s2] =	stream.indirect.scatter.add.f32 [tilespmem:s30], [sflag:$0x3], $0x80, s0, s28, $0xb8;
	[tilespmem:$0x1F880] =	vst v63  }
0x6e: {  	_ =	swait.ge [sflag:s26], $0x2800  }
0x6f: {  	s9 =	sadd.s32 $0xA0, s9;
	[sflag:s26] =	ssyncset.done $0x0  }
0x70: {  	s10 =	sadd.s32 $0xFFFFFFB0, s9;
	[sflag:s26] =	ssyncadd.s32 $0xFFFFD800  }
0x71: {  	[tilespmem:s30], [sflag:$0x2] =	stream.indirect.gather [hbm4b:s5+s28], $0x80, s10, s28, $0xb8;
	[tilespmem:$0x1F880] =	vst v63  }
0x72: {  	s12 =	sadd.s32 s8, s23  }
0x73: {  	[tilespmem:s31], [sflag:$0x3] =	stream.linear.gather [hbm4b:s12+s3], $0x50, $0x38;
	[tilespmem:$0x1F880] =	vst v63  }
0x74: {  	_ =	swait.ge [sflag:s26], $0x50  }
0x75: {  	[sflag:s26] =	ssyncset.done $0x0  }
0x76: {  	[sflag:s26] =	ssyncadd.s32 $0xFFFFFFB0  }
0x77: {  	_ =	swait.ge [sflag:s1], $0x2800  }
0x78: {  	[sflag:s1] =	ssyncset.done $0x0  }
0x79: {  	[sflag:s1] =	ssyncadd.s32 $0xFFFFD800  }
0x7a: {  	[spmem:s2] =	stream.indirect.scatter.add.f32 [tilespmem:s29], [sflag:$0x3], $0x80, s31, s28, $0xb8;
	[tilespmem:$0x1F880] =	vst v63  }
0x7b: {  	_ =	swait.ge [sflag:s26], $0x2800  }
0x7c: {  	[sflag:s26] =	ssyncset.done $0x0  }
0x7d: {  	[sflag:s26] =	ssyncadd.s32 $0xFFFFD800  }
0x7e: {  	[tilespmem:s29], [sflag:$0x1] =	stream.indirect.gather [hbm4b:s5+s28], $0x80, s9, s28, $0xb8;
	[tilespmem:$0x1F880] =	vst v63  }
0x7f: {  	s10 =	sadd.s32 s8, s24  }
0x80: {  	[tilespmem:s0], [sflag:$0x3] =	stream.linear.gather [hbm4b:s10+s3], $0x50, $0x38;
	[tilespmem:$0x1F880] =	vst v63  }
0x81: {  	_ =	swait.ge [sflag:s26], $0x50  }
0x82: {  	[sflag:s26] =	ssyncset.done $0x0  }
0x83: {  	[sflag:s26] =	ssyncadd.s32 $0xFFFFFFB0  }
0x84: {  	_ =	swait.ge [sflag:s4], $0x2800  }
0x85: {  	[sflag:s4] =	ssyncset.done $0x0  }
0x86: {  	[sflag:s4] =	ssyncadd.s32 $0xFFFFD800  }
0x87: {  	[spmem:s2] =	stream.indirect.scatter.add.f32 [tilespmem:s30], [sflag:$0x3], $0x80, s0, s28, $0xb8;
	[tilespmem:$0x1F880] =	vst v63  }
0x88: {  	_ =	swait.ge [sflag:s26], $0x2800  }
0x89: {  	[sflag:s26] =	ssyncset.done $0x0  }
0x8a: {  	s11 =	rddreg [dreg:$0x5];
	[sflag:s26] =	ssyncadd.s32 $0xFFFFD800  }
0x8b: {  	[tilespmem:s31], [sflag:$0x3] =	stream.linear.gather [hbm4b:s11+s3], $0x50, $0x38;
	[tilespmem:$0x1F880] =	vst v63  }
0x8c: {  	_ =	swait.ge [sflag:s26], $0x50  }
0x8d: {  	[sflag:s26] =	ssyncset.done $0x0  }
0x8e: {  	[sflag:s26] =	ssyncadd.s32 $0xFFFFFFB0  }
0x8f: {  	_ =	swait.ge [sflag:s1], $0x2800  }
0x90: {  	[sflag:s1] =	ssyncset.done $0x0  }
0x91: {  	[sflag:s1] =	ssyncadd.s32 $0xFFFFD800  }
0x92: {  	[spmem:s2] =	stream.indirect.scatter.add.f32 [tilespmem:s29], [sflag:$0x3], $0x80, s31, s28, $0xb8;
	[tilespmem:$0x1F880] =	vst v63  }
0x93: {  	_ =	swait.ge [sflag:s26], $0x2800  }
0x94: {  	[sflag:s26] =	ssyncset.done $0x0  }
0x95: {  	[sflag:s26] =	ssyncadd.s32 $0xFFFFD800  }
0x96: {  	[bflag:$0x0] =	sbarrier.arrive $0xFFFF  }
0x97: {  	[tilespmem:s25], [sflag:$0x3] =	stream.linear.gather [spmem:s6], $0x4000, $0x38;
	[tilespmem:$0x1F880] =	vst v63  }
0x98: {  	_ =	swait.ge [sflag:s26], $0x4000  }
0x99: {  	[sflag:s26] =	ssyncset.done $0x0  }
0x9a: {  	[sflag:s26] =	ssyncadd.s32 $0xFFFFC000  }
0x9b: {  	[hbm4b:s14+s3] =	stream.linear.scatter [tilespmem:s25], [sflag:$0x3], $0x4000, $0x38;
	[tilespmem:$0x1F880] =	vst v63  }
0x9c: {  	_ =	swait.ge [sflag:s26], $0x4000  }
0x9d: {  	[sflag:s26] =	ssyncset.done $0x0  }
0x9e: {  	[sflag:s26] =	ssyncadd.s32 $0xFFFFC000  }
0x9f: {  	[tilespmem:s25], [sflag:$0x3] =	stream.linear.gather [spmem:s15], $0x4000, $0x38;
	[tilespmem:$0x1F880] =	vst v63  }
0xa0: {  	_ =	swait.ge [sflag:s26], $0x4000  }
0xa1: {  	[sflag:s26] =	ssyncset.done $0x0  }
0xa2: {  	[sflag:s26] =	ssyncadd.s32 $0xFFFFC000  }
0xa3: {  	[hbm4b:s16+s3] =	stream.linear.scatter [tilespmem:s25], [sflag:$0x3], $0x4000, $0x38;
	[tilespmem:$0x1F880] =	vst v63  }
0xa4: {  	_ =	swait.ge [sflag:s26], $0x4000  }
0xa5: {  	[sflag:s26] =	ssyncset.done $0x0  }
0xa6: {  	[sflag:s26] =	ssyncadd.s32 $0xFFFFC000  }
0xa7: {  	[tilespmem:s25], [sflag:$0x3] =	stream.linear.gather [spmem:s17], $0x4000, $0x38;
	[tilespmem:$0x1F880] =	vst v63  }
0xa8: {  	_ =	swait.ge [sflag:s26], $0x4000  }
0xa9: {  	[sflag:s26] =	ssyncset.done $0x0  }
0xaa: {  	[sflag:s26] =	ssyncadd.s32 $0xFFFFC000  }
0xab: {  	[hbm4b:s18+s3] =	stream.linear.scatter [tilespmem:s25], [sflag:$0x3], $0x4000, $0x38;
	[tilespmem:$0x1F880] =	vst v63  }
0xac: {  	_ =	swait.ge [sflag:s26], $0x4000  }
0xad: {  	[sflag:s26] =	ssyncset.done $0x0  }
0xae: {  	[sflag:s26] =	ssyncadd.s32 $0xFFFFC000  }
0xaf: {  	[tilespmem:s25], [sflag:$0x3] =	stream.linear.gather [spmem:s19], $0x4000, $0x38;
	[tilespmem:$0x1F880] =	vst v63  }
0xb0: {  	_ =	swait.ge [sflag:s26], $0x4000  }
0xb1: {  	[sflag:s26] =	ssyncset.done $0x0  }
0xb2: {  	[sflag:s26] =	ssyncadd.s32 $0xFFFFC000  }
0xb3: {  	[hbm4b:s20+s3] =	stream.linear.scatter [tilespmem:s25], [sflag:$0x3], $0x4000, $0x38;
	[tilespmem:$0x1F880] =	vst v63  }
0xb4: {  	_ =	swait.ge [sflag:s26], $0x4000  }
0xb5: {  	[sflag:s26] =	ssyncset.done $0x0  }
0xb6: {  	[sflag:s26] =	ssyncadd.s32 $0xFFFFC000  }
0xb7: {  	[tilespmem:s25], [sflag:$0x3] =	stream.linear.gather [spmem:s22], $0x4000, $0x38;
	[tilespmem:$0x1F880] =	vst v63  }
0xb8: {  	_ =	swait.ge [sflag:s26], $0x4000  }
0xb9: {  	[sflag:s26] =	ssyncset.done $0x0  }
0xba: {  	[sflag:s26] =	ssyncadd.s32 $0xFFFFC000  }
0xbb: {  	[hbm4b:s21+s3] =	stream.linear.scatter [tilespmem:s25], [sflag:$0x3], $0x4000, $0x38;
	[tilespmem:$0x1F880] =	vst v63  }
0xbc: {  	_ =	swait.ge [sflag:s26], $0x4000  }
0xbd: {  	s7 =	sadd.s32 $0x1, s7;
	s12 =	rddreg [dreg:$0x6]  }
0xbe: {  	p0 =	sne.s32 s7, s12  }
.Ltmp1:
0xbf: {  	_ = 	snop;
	(pc) =	sbr.rel @p0 .LBB2_1-.Ltmp1, $3  }
0xc0: {  	_ =	sdelay $0x1  }
0xc1: {  	[sflag:s26] =	ssyncset.done $0x0  }
0xc2: {  	[sflag:s26] =	ssyncadd.s32 $0xFFFFC000  }
0xc3: {  	_ =	sfence.sel $0x180000  }
0xc4: {  	[bflag:$0x0] =	sbarrier.arrive $0xFFFF  }
0xc5: {  	_ =	strace $0x90000050  }
0xc6: {  	s0 =	stileid.u32;
	[bflag:$0x2] =	sbarrier.arrive $0xFFFF  }
0xc7: {  	p0 =	sne.s32 s0, $0x0;
	s0 =	rddreg [dreg:$0x2]  }
0xc8: {  	s0 =	sadd.s32 @!p0 $0x100000, s0  }
0xc9: {  	[sflag:s0] =	ssyncadd.tile.s32 @!p0 $0x1;
	_ =	shalt  }
.Lfunc_end2:
_tile_overlayer_lowered:
.L_overlay_start_2:
0xca: {  	(tag) =	ssettag $0x2  }
0xcb: {  	s0 =	rddreg [dreg:$0x0];
	s2 =	stileid.u32  }
0xcc: {  	s1 =	rddreg [dreg:$0x1];
	p0 =	sne.s32 s2, $0x0  }
0xcd: {  	s3 =	rddreg [dreg:$0x2];
	[bflag:$0x3] =	sbarrier.arrive $0xFFFF;
	s2 =	simm.s32 @!p0 $0x1C03  }
0xce: {  	[timem:s3], [sflag:s2] =	dma.local @!p0 [hbm:s0], s1  }
0xcf: {  	s0 =	simm.s32 @!p0 $0x3  }
0xd0: {  	_ =	swait.ge @!p0 [sflag:s0], s1  }
0xd1: {  	s1 =	ssub.s32 @!p0 $0x0, s1;
	[sflag:s0] =	ssyncset.done @!p0 $0x0  }
0xd2: {  	[sflag:s0] =	ssyncadd.s32 @!p0 s1  }
0xd3: {  	[bflag:$0x3] =	sbarrier.arrive $0xFFFF  }
0xd4: {  	_ =	shalt  }

</sc_bundles>
